<compile_context>
chip_gen: v7x
topology: tpu7x:2x2x1
jax: 0.10.2.dev20260603
libtpu: 0.0.44.dev20260713+nightly
codegen_flags: <defaults>
</compile_context>

<pallas_src>
import functools

import jax
import jax.numpy as jnp
from jax import lax
from jax.experimental import pallas as pl
from jax.experimental.pallas import tpu as pltpu
from jax.experimental.pallas import tpu_sc as plsc

NC = 2
NS = 16
L = 16


def _uv_body(nodes_ref, wz_ref, wl_ref, out_ref):
    ab = lax.dot_general(
        wl_ref[...], wz_ref[...], (((1,), (0,)), ((), ())),
        preferred_element_type=jnp.float32, precision=lax.Precision.HIGHEST)
    out_ref[...] = lax.dot_general(
        ab, nodes_ref[...], (((1,), (1,)), ((), ())),
        preferred_element_type=jnp.float32, precision=lax.Precision.HIGHEST)


def _sc_body(n_nodes, chunk, uvt_hbm, s_hbm, r_hbm, e_hbm, z_hbm,
             s_v, r_v, e_v, u_v, v_v, zz_v, z_sh, sem_in, sem_e, sem_add):
    cid = lax.axis_index("c")
    sid = lax.axis_index("s")
    wid = sid * NC + cid
    rows = chunk // 128

    cps = [pltpu.async_copy(uvt_hbm.at[0], u_v, sem_in),
           pltpu.async_copy(uvt_hbm.at[1], v_v, sem_in),
           pltpu.async_copy(s_hbm.at[wid], s_v, sem_in),
           pltpu.async_copy(r_hbm.at[wid], r_v, sem_in)]

    for i in range(n_nodes // L):
        zz_v[pl.ds(i * L, L)] = jnp.zeros((L,), jnp.float32)

    for cp in cps:
        cp.wait()

    @pl.when(sid == 0)
    def _():
        pltpu.sync_copy(zz_v, z_sh)

    plsc.subcore_barrier()

    adds = []
    for j in range(rows):
        for k in range(8):
            col = k * L
            x = (plsc.load_gather(u_v, [s_v[j, pl.ds(col, L)]])
                 + plsc.load_gather(v_v, [r_v[j, pl.ds(col, L)]]))
            p = jnp.where(x >= 0, x, 0.01 * x)
            e_v[pl.ds(j * 128 + col, L)] = jnp.exp(p)
        adds.append(pltpu.async_copy(e_v.at[pl.ds(j * 128, 128)],
                                     z_sh.at[s_v.at[j]], sem_add, add=True))

    cp_e = pltpu.async_copy(e_v, e_hbm.at[pl.ds(wid * chunk, chunk)], sem_e)

    for cp in adds:
        cp.wait()

    plsc.subcore_barrier()

    @pl.when(sid == 0)
    def _():
        pltpu.sync_copy(z_sh, z_hbm.at[cid])

    cp_e.wait()


def _dense_body(n_nodes, block_e, s_ref, e_ref, z_ref, out_ref):
    j = pl.program_id(0)
    s = s_ref[pl.ds(j * block_e, block_e)]
    ev = e_ref[pl.ds(j * block_e, block_e)]
    rz = 1.0 / (z_ref[0] + z_ref[1])
    row_ids = lax.broadcasted_iota(jnp.int32, (n_nodes, block_e), 0)
    out_ref[...] = jnp.where(row_ids == s[None, :],
                             ev[None, :] * rz[:, None], 0.0)


def kernel(nodes, edge_index, W_z, W_lin):
    n_nodes, d_v = nodes.shape
    n_edges = edge_index.shape[1]
    d_attn = W_z.shape[0]
    chunk = n_edges // (NC * NS)

    s = edge_index[0]
    r = edge_index[1]
    wl2 = W_lin.reshape(2, d_attn)

    uvt = pl.pallas_call(
        _uv_body,
        out_shape=jax.ShapeDtypeStruct((2, n_nodes), jnp.float32),
    )(nodes, W_z, wl2)

    mesh = plsc.VectorSubcoreMesh(core_axis_name="c", subcore_axis_name="s")
    sc_call = pl.kernel(
        functools.partial(_sc_body, n_nodes, chunk),
        out_type=(jax.ShapeDtypeStruct((n_edges,), jnp.float32),
                  jax.ShapeDtypeStruct((NC, n_nodes), jnp.float32)),
        mesh=mesh,
        compiler_params=pltpu.CompilerParams(
            needs_layout_passes=False,
            disable_bounds_checks=True,
            disable_semaphore_checks=True),
        scratch_types=[
            pltpu.VMEM((chunk // 128, 128), jnp.int32),
            pltpu.VMEM((chunk // 128, 128), jnp.int32),
            pltpu.VMEM((chunk,), jnp.float32),
            pltpu.VMEM((n_nodes,), jnp.float32),
            pltpu.VMEM((n_nodes,), jnp.float32),
            pltpu.VMEM((n_nodes,), jnp.float32),
            pltpu.VMEM_SHARED((n_nodes,), jnp.float32),
            pltpu.SemaphoreType.DMA,
            pltpu.SemaphoreType.DMA,
            pltpu.SemaphoreType.DMA,
        ],
    )
    s3 = s.reshape(NC * NS, chunk // 128, 128)
    r3 = r.reshape(NC * NS, chunk // 128, 128)
    expp, zpart = sc_call(uvt, s3, r3)

    block_e = 2048
    attn = pl.pallas_call(
        functools.partial(_dense_body, n_nodes, block_e),
        grid=(n_edges // block_e,),
        in_specs=[
            pl.BlockSpec((n_edges,), lambda j: (0,)),
            pl.BlockSpec((n_edges,), lambda j: (0,)),
            pl.BlockSpec((NC, n_nodes), lambda j: (0, 0)),
        ],
        out_specs=pl.BlockSpec((n_nodes, block_e), lambda j: (0, j)),
        out_shape=jax.ShapeDtypeStruct((n_nodes, n_edges), jnp.float32),
    )(s, expp, zpart)
    return attn

# --- scband reference (transcript-rebuilt; emitter-appended) ---
"""Pipeline reference for scband-additive-attention-25546465477033 (READ-ONLY COPY).

The authoritative reference and input builder live on the scoring server;
editing this copy changes nothing except your own understanding.
"""

import jax, jax.numpy as jnp
import numpy as np


def leaky_relu(x, negative_slope=0.01):
    return jnp.where(x >= 0, x, negative_slope * x)


def setup_inputs(seed: int = 0) -> dict:
    key = jax.random.key(seed)
    k1, k2, k3, k4 = jax.random.split(key, 4)
    N, d_v, d_attn, E = 1024, 512, 512, 32768
    nodes = jax.random.normal(k1, (N, d_v), dtype=jnp.float32)
    edge_index = jax.random.randint(k2, (2, E), 0, N, dtype=jnp.int32)
    # Learned parameters (torch Linear stores weight as (out, in))
    W_z = jax.random.normal(k3, (d_attn, d_v), dtype=jnp.float32) * (1.0 / np.sqrt(d_v))
    W_lin = jax.random.normal(k4, (1, 2 * d_attn), dtype=jnp.float32) * (1.0 / np.sqrt(2 * d_attn))
    return {"nodes": nodes, "edge_index": edge_index, "W_z": W_z, "W_lin": W_lin}


def reference(nodes, edge_index, W_z, W_lin):
    # s, r = edge_index
    s = edge_index[0]
    r = edge_index[1]
    # Z_i = self.Z(nodes[s]); Z_j = self.Z(nodes[r])  (gather + matmul)
    Z_i = jnp.take(nodes, s, axis=0) @ W_z.T
    Z_j = jnp.take(nodes, r, axis=0) @ W_z.T
    # X = cat([Z_i, Z_j], dim=1)
    X = jnp.concatenate([Z_i, Z_j], axis=1)
    # pre_attn = LeakyReLU(lin(X)).t()  -> shape (1, E)
    pre_attn = leaky_relu(X @ W_lin.T).T
    # M = luz.nodewise_mask(edge_index): M[i, e] = (sender of edge e == node i), shape (N, E)
    N = nodes.shape[0]
    M = (s[None, :] == jnp.arange(N, dtype=s.dtype)[:, None])
    # attn = luz.masked_softmax(pre_attn, M, dim=1): fill masked-out entries with -inf, softmax over edges
    x_masked = jnp.where(M, pre_attn, -jnp.inf)
    attn = jax.nn.softmax(x_masked, axis=1)
    return attn

if __name__ == "__main__":
    import jax
    _d = setup_inputs()
    print(jax.jit(kernel)(*tuple(_d.values())))

</pallas_src>

<mosaic_0001>
#map = affine_map<(d0, d1) -> (0, 0)>
#map1 = affine_map<(d0, d1) -> (0, 0, 0)>
#map2 = affine_map<(d0, d1) -> (0)>
module attributes {stable_mosaic.version = 14 : i64} {
  func.func @_sc_body(%arg0: i32, %arg1: i32, %arg2: memref<2x1024xf32, #tpu.memory_space<hbm>>, %arg3: memref<32x8x128xi32, #tpu.memory_space<hbm>>, %arg4: memref<32x8x128xi32, #tpu.memory_space<hbm>>, %arg5: memref<32768xf32, #tpu.memory_space<hbm>>, %arg6: memref<2x1024xf32, #tpu.memory_space<hbm>>, %arg7: memref<8x128xi32, #tpu.memory_space<vmem>>, %arg8: memref<8x128xi32, #tpu.memory_space<vmem>>, %arg9: memref<1024xf32, #tpu.memory_space<vmem>>, %arg10: memref<1024xf32, #tpu.memory_space<vmem>>, %arg11: memref<1024xf32, #tpu.memory_space<vmem>>, %arg12: memref<1024xf32, #tpu.memory_space<vmem>>, %arg13: memref<1024xf32, #tpu.memory_space<vmem_shared>>, %arg14: memref<!tpu.dma_semaphore, #tpu.memory_space<semaphore_mem>>, %arg15: memref<!tpu.dma_semaphore, #tpu.memory_space<semaphore_mem>>, %arg16: memref<!tpu.dma_semaphore, #tpu.memory_space<semaphore_mem>>) attributes {dimension_semantics = [#tpu.dimension_semantics<core_parallel>, #tpu.dimension_semantics<subcore_parallel>], iteration_bounds = array<i64: 2, 16>, scalar_prefetch = 0 : i64, scratch_operands = 10 : i64, tpu.core_type = #tpu.core_type<sc_vector_subcore>, window_params = [{transform_indices = #map}, {transform_indices = #map1}, {transform_indices = #map1}, {transform_indices = #map2}, {transform_indices = #map}]} {
    %mul3A = arith.constant 2 : i32
    %mul3A_0 = arith.muli %arg1, %mul3A : i32
    %add3A = arith.addi %mul3A_0, %arg0 : i32
    %dma_start3A = arith.constant 0 : i32
    %dma_start3A_1 = arith.constant 0 : i32
    %dma_start3A_2 = tpu.memref_slice %arg2[%dma_start3A, %dma_start3A_1] : memref<2x1024xf32, #tpu.memory_space<hbm>> -> memref<1x1024xf32, #tpu.memory_space<hbm>>
    %dma_start3A_3 = tpu.memref_squeeze %dma_start3A_2 : memref<1x1024xf32, #tpu.memory_space<hbm>> -> memref<1024xf32, #tpu.memory_space<hbm>>
    %dma_start3A_4 = arith.constant 0 : i32
    %dma_start3A_5 = tpu.memref_slice %arg2[%dma_start3A, %dma_start3A_4] : memref<2x1024xf32, #tpu.memory_space<hbm>> -> memref<1x1024xf32, #tpu.memory_space<hbm>>
    %dma_start3A_6 = tpu.memref_squeeze %dma_start3A_5 : memref<1x1024xf32, #tpu.memory_space<hbm>> -> memref<1024xf32, #tpu.memory_space<hbm>>
    tpu.enqueue_dma source(%dma_start3A_6 : memref<1024xf32, #tpu.memory_space<hbm>>) target(%arg10 : memref<1024xf32, #tpu.memory_space<vmem>>) target_semaphore(%arg14 : memref<!tpu.dma_semaphore, #tpu.memory_space<semaphore_mem>>)
    %dma_start3A_7 = arith.constant 1 : i32
    %dma_start3A_8 = arith.constant 0 : i32
    %dma_start3A_9 = tpu.memref_slice %arg2[%dma_start3A_7, %dma_start3A_8] : memref<2x1024xf32, #tpu.memory_space<hbm>> -> memref<1x1024xf32, #tpu.memory_space<hbm>>
    %dma_start3A_10 = tpu.memref_squeeze %dma_start3A_9 : memref<1x1024xf32, #tpu.memory_space<hbm>> -> memref<1024xf32, #tpu.memory_space<hbm>>
    %dma_start3A_11 = arith.constant 0 : i32
    %dma_start3A_12 = tpu.memref_slice %arg2[%dma_start3A_7, %dma_start3A_11] : memref<2x1024xf32, #tpu.memory_space<hbm>> -> memref<1x1024xf32, #tpu.memory_space<hbm>>
    %dma_start3A_13 = tpu.memref_squeeze %dma_start3A_12 : memref<1x1024xf32, #tpu.memory_space<hbm>> -> memref<1024xf32, #tpu.memory_space<hbm>>
    tpu.enqueue_dma source(%dma_start3A_13 : memref<1024xf32, #tpu.memory_space<hbm>>) target(%arg11 : memref<1024xf32, #tpu.memory_space<vmem>>) target_semaphore(%arg14 : memref<!tpu.dma_semaphore, #tpu.memory_space<semaphore_mem>>)
    %dma_start3A_14 = arith.constant 0 : i32
    %dma_start3A_15 = arith.constant 0 : i32
    %dma_start3A_16 = tpu.memref_slice %arg3[%add3A, %dma_start3A_14, %dma_start3A_15] : memref<32x8x128xi32, #tpu.memory_space<hbm>> -> memref<1x8x128xi32, #tpu.memory_space<hbm>>
    %dma_start3A_17 = tpu.memref_squeeze %dma_start3A_16 : memref<1x8x128xi32, #tpu.memory_space<hbm>> -> memref<8x128xi32, #tpu.memory_space<hbm>>
    %dma_start3A_18 = arith.constant 0 : i32
    %dma_start3A_19 = arith.constant 0 : i32
    %dma_start3A_20 = tpu.memref_slice %arg3[%add3A, %dma_start3A_18, %dma_start3A_19] : memref<32x8x128xi32, #tpu.memory_space<hbm>> -> memref<1x8x128xi32, #tpu.memory_space<hbm>>
    %dma_start3A_21 = tpu.memref_squeeze %dma_start3A_20 : memref<1x8x128xi32, #tpu.memory_space<hbm>> -> memref<8x128xi32, #tpu.memory_space<hbm>>
    tpu.enqueue_dma source(%dma_start3A_21 : memref<8x128xi32, #tpu.memory_space<hbm>>) target(%arg7 : memref<8x128xi32, #tpu.memory_space<vmem>>) target_semaphore(%arg14 : memref<!tpu.dma_semaphore, #tpu.memory_space<semaphore_mem>>)
    %dma_start3A_22 = arith.constant 0 : i32
    %dma_start3A_23 = arith.constant 0 : i32
    %dma_start3A_24 = tpu.memref_slice %arg4[%add3A, %dma_start3A_22, %dma_start3A_23] : memref<32x8x128xi32, #tpu.memory_space<hbm>> -> memref<1x8x128xi32, #tpu.memory_space<hbm>>
    %dma_start3A_25 = tpu.memref_squeeze %dma_start3A_24 : memref<1x8x128xi32, #tpu.memory_space<hbm>> -> memref<8x128xi32, #tpu.memory_space<hbm>>
    %dma_start3A_26 = arith.constant 0 : i32
    %dma_start3A_27 = arith.constant 0 : i32
    %dma_start3A_28 = tpu.memref_slice %arg4[%add3A, %dma_start3A_26, %dma_start3A_27] : memref<32x8x128xi32, #tpu.memory_space<hbm>> -> memref<1x8x128xi32, #tpu.memory_space<hbm>>
    %dma_start3A_29 = tpu.memref_squeeze %dma_start3A_28 : memref<1x8x128xi32, #tpu.memory_space<hbm>> -> memref<8x128xi32, #tpu.memory_space<hbm>>
    tpu.enqueue_dma source(%dma_start3A_29 : memref<8x128xi32, #tpu.memory_space<hbm>>) target(%arg8 : memref<8x128xi32, #tpu.memory_space<vmem>>) target_semaphore(%arg14 : memref<!tpu.dma_semaphore, #tpu.memory_space<semaphore_mem>>)
    %broadcast_in_dim3A = arith.constant 0.000000e+00 : f32
    %broadcast_in_dim3A_30 = vector.broadcast %broadcast_in_dim3A : f32 to vector<16xf32>
    %swap3A = arith.constant 0 : index
    %swap3A_31 = tpu.vector_load %arg12[%swap3A] {strides = array<i32>} : memref<1024xf32, #tpu.memory_space<vmem>>, vector<16xf32>,
    tpu.vector_store %arg12[%swap3A], %broadcast_in_dim3A_30 {strides = array<i32>} : memref<1024xf32, #tpu.memory_space<vmem>>, vector<16xf32>,
    %broadcast_in_dim3A_32 = arith.constant 0.000000e+00 : f32
    %broadcast_in_dim3A_33 = vector.broadcast %broadcast_in_dim3A_32 : f32 to vector<16xf32>
    %swap3A_34 = arith.constant 16 : index
    %swap3A_35 = tpu.vector_load %arg12[%swap3A_34] {strides = array<i32>} : memref<1024xf32, #tpu.memory_space<vmem>>, vector<16xf32>,
    tpu.vector_store %arg12[%swap3A_34], %broadcast_in_dim3A_33 {strides = array<i32>} : memref<1024xf32, #tpu.memory_space<vmem>>, vector<16xf32>,
    %broadcast_in_dim3A_36 = arith.constant 0.000000e+00 : f32
    %broadcast_in_dim3A_37 = vector.broadcast %broadcast_in_dim3A_36 : f32 to vector<16xf32>
    %swap3A_38 = arith.constant 32 : index
    %swap3A_39 = tpu.vector_load %arg12[%swap3A_38] {strides = array<i32>} : memref<1024xf32, #tpu.memory_space<vmem>>, vector<16xf32>,
    tpu.vector_store %arg12[%swap3A_38], %broadcast_in_dim3A_37 {strides = array<i32>} : memref<1024xf32, #tpu.memory_space<vmem>>, vector<16xf32>,
    %broadcast_in_dim3A_40 = arith.constant 0.000000e+00 : f32
    %broadcast_in_dim3A_41 = vector.broadcast %broadcast_in_dim3A_40 : f32 to vector<16xf32>
    %swap3A_42 = arith.constant 48 : index
    %swap3A_43 = tpu.vector_load %arg12[%swap3A_42] {strides = array<i32>} : memref<1024xf32, #tpu.memory_space<vmem>>, vector<16xf32>,
    tpu.vector_store %arg12[%swap3A_42], %broadcast_in_dim3A_41 {strides = array<i32>} : memref<1024xf32, #tpu.memory_space<vmem>>, vector<16xf32>,
    %broadcast_in_dim3A_44 = arith.constant 0.000000e+00 : f32
    %broadcast_in_dim3A_45 = vector.broadcast %broadcast_in_dim3A_44 : f32 to vector<16xf32>
    %swap3A_46 = arith.constant 64 : index
    %swap3A_47 = tpu.vector_load %arg12[%swap3A_46] {strides = array<i32>} : memref<1024xf32, #tpu.memory_space<vmem>>, vector<16xf32>,
    tpu.vector_store %arg12[%swap3A_46], %broadcast_in_dim3A_45 {strides = array<i32>} : memref<1024xf32, #tpu.memory_space<vmem>>, vector<16xf32>,
    %broadcast_in_dim3A_48 = arith.constant 0.000000e+00 : f32
    %broadcast_in_dim3A_49 = vector.broadcast %broadcast_in_dim3A_48 : f32 to vector<16xf32>
    %swap3A_50 = arith.constant 80 : index
    %swap3A_51 = tpu.vector_load %arg12[%swap3A_50] {strides = array<i32>} : memref<1024xf32, #tpu.memory_space<vmem>>, vector<16xf32>,
    tpu.vector_store %arg12[%swap3A_50], %broadcast_in_dim3A_49 {strides = array<i32>} : memref<1024xf32, #tpu.memory_space<vmem>>, vector<16xf32>,
    %broadcast_in_dim3A_52 = arith.constant 0.000000e+00 : f32
    %broadcast_in_dim3A_53 = vector.broadcast %broadcast_in_dim3A_52 : f32 to vector<16xf32>
    %swap3A_54 = arith.constant 96 : index
    %swap3A_55 = tpu.vector_load %arg12[%swap3A_54] {strides = array<i32>} : memref<1024xf32, #tpu.memory_space<vmem>>, vector<16xf32>,
    tpu.vector_store %arg12[%swap3A_54], %broadcast_in_dim3A_53 {strides = array<i32>} : memref<1024xf32, #tpu.memory_space<vmem>>, vector<16xf32>,
    %broadcast_in_dim3A_56 = arith.constant 0.000000e+00 : f32
    %broadcast_in_dim3A_57 = vector.broadcast %broadcast_in_dim3A_56 : f32 to vector<16xf32>
    %swap3A_58 = arith.constant 112 : index
    %swap3A_59 = tpu.vector_load %arg12[%swap3A_58] {strides = array<i32>} : memref<1024xf32, #tpu.memory_space<vmem>>, vector<16xf32>,
    tpu.vector_store %arg12[%swap3A_58], %broadcast_in_dim3A_57 {strides = array<i32>} : memref<1024xf32, #tpu.memory_space<vmem>>, vector<16xf32>,
    %broadcast_in_dim3A_60 = arith.constant 0.000000e+00 : f32
    %broadcast_in_dim3A_61 = vector.broadcast %broadcast_in_dim3A_60 : f32 to vector<16xf32>
    %swap3A_62 = arith.constant 128 : index
    %swap3A_63 = tpu.vector_load %arg12[%swap3A_62] {strides = array<i32>} : memref<1024xf32, #tpu.memory_space<vmem>>, vector<16xf32>,
    tpu.vector_store %arg12[%swap3A_62], %broadcast_in_dim3A_61 {strides = array<i32>} : memref<1024xf32, #tpu.memory_space<vmem>>, vector<16xf32>,
    %broadcast_in_dim3A_64 = arith.constant 0.000000e+00 : f32
    %broadcast_in_dim3A_65 = vector.broadcast %broadcast_in_dim3A_64 : f32 to vector<16xf32>
    %swap3A_66 = arith.constant 144 : index
    %swap3A_67 = tpu.vector_load %arg12[%swap3A_66] {strides = array<i32>} : memref<1024xf32, #tpu.memory_space<vmem>>, vector<16xf32>,
    tpu.vector_store %arg12[%swap3A_66], %broadcast_in_dim3A_65 {strides = array<i32>} : memref<1024xf32, #tpu.memory_space<vmem>>, vector<16xf32>,
    %broadcast_in_dim3A_68 = arith.constant 0.000000e+00 : f32
    %broadcast_in_dim3A_69 = vector.broadcast %broadcast_in_dim3A_68 : f32 to vector<16xf32>
    %swap3A_70 = arith.constant 160 : index
    %swap3A_71 = tpu.vector_load %arg12[%swap3A_70] {strides = array<i32>} : memref<1024xf32, #tpu.memory_space<vmem>>, vector<16xf32>,
    tpu.vector_store %arg12[%swap3A_70], %broadcast_in_dim3A_69 {strides = array<i32>} : memref<1024xf32, #tpu.memory_space<vmem>>, vector<16xf32>,
    %broadcast_in_dim3A_72 = arith.constant 0.000000e+00 : f32
    %broadcast_in_dim3A_73 = vector.broadcast %broadcast_in_dim3A_72 : f32 to vector<16xf32>
    %swap3A_74 = arith.constant 176 : index
    %swap3A_75 = tpu.vector_load %arg12[%swap3A_74] {strides = array<i32>} : memref<1024xf32, #tpu.memory_space<vmem>>, vector<16xf32>,
    tpu.vector_store %arg12[%swap3A_74], %broadcast_in_dim3A_73 {strides = array<i32>} : memref<1024xf32, #tpu.memory_space<vmem>>, vector<16xf32>,
    %broadcast_in_dim3A_76 = arith.constant 0.000000e+00 : f32
    %broadcast_in_dim3A_77 = vector.broadcast %broadcast_in_dim3A_76 : f32 to vector<16xf32>
    %swap3A_78 = arith.constant 192 : index
    %swap3A_79 = tpu.vector_load %arg12[%swap3A_78] {strides = array<i32>} : memref<1024xf32, #tpu.memory_space<vmem>>, vector<16xf32>,
    tpu.vector_store %arg12[%swap3A_78], %broadcast_in_dim3A_77 {strides = array<i32>} : memref<1024xf32, #tpu.memory_space<vmem>>, vector<16xf32>,
    %broadcast_in_dim3A_80 = arith.constant 0.000000e+00 : f32
    %broadcast_in_dim3A_81 = vector.broadcast %broadcast_in_dim3A_80 : f32 to vector<16xf32>
    %swap3A_82 = arith.constant 208 : index
    %swap3A_83 = tpu.vector_load %arg12[%swap3A_82] {strides = array<i32>} : memref<1024xf32, #tpu.memory_space<vmem>>, vector<16xf32>,
    tpu.vector_store %arg12[%swap3A_82], %broadcast_in_dim3A_81 {strides = array<i32>} : memref<1024xf32, #tpu.memory_space<vmem>>, vector<16xf32>,
    %broadcast_in_dim3A_84 = arith.constant 0.000000e+00 : f32
    %broadcast_in_dim3A_85 = vector.broadcast %broadcast_in_dim3A_84 : f32 to vector<16xf32>
    %swap3A_86 = arith.constant 224 : index
    %swap3A_87 = tpu.vector_load %arg12[%swap3A_86] {strides = array<i32>} : memref<1024xf32, #tpu.memory_space<vmem>>, vector<16xf32>,
    tpu.vector_store %arg12[%swap3A_86], %broadcast_in_dim3A_85 {strides = array<i32>} : memref<1024xf32, #tpu.memory_space<vmem>>, vector<16xf32>,
    %broadcast_in_dim3A_88 = arith.constant 0.000000e+00 : f32
    %broadcast_in_dim3A_89 = vector.broadcast %broadcast_in_dim3A_88 : f32 to vector<16xf32>
    %swap3A_90 = arith.constant 240 : index
    %swap3A_91 = tpu.vector_load %arg12[%swap3A_90] {strides = array<i32>} : memref<1024xf32, #tpu.memory_space<vmem>>, vector<16xf32>,
    tpu.vector_store %arg12[%swap3A_90], %broadcast_in_dim3A_89 {strides = array<i32>} : memref<1024xf32, #tpu.memory_space<vmem>>, vector<16xf32>,
    %broadcast_in_dim3A_92 = arith.constant 0.000000e+00 : f32
    %broadcast_in_dim3A_93 = vector.broadcast %broadcast_in_dim3A_92 : f32 to vector<16xf32>
    %swap3A_94 = arith.constant 256 : index
    %swap3A_95 = tpu.vector_load %arg12[%swap3A_94] {strides = array<i32>} : memref<1024xf32, #tpu.memory_space<vmem>>, vector<16xf32>,
    tpu.vector_store %arg12[%swap3A_94], %broadcast_in_dim3A_93 {strides = array<i32>} : memref<1024xf32, #tpu.memory_space<vmem>>, vector<16xf32>,
    %broadcast_in_dim3A_96 = arith.constant 0.000000e+00 : f32
    %broadcast_in_dim3A_97 = vector.broadcast %broadcast_in_dim3A_96 : f32 to vector<16xf32>
    %swap3A_98 = arith.constant 272 : index
    %swap3A_99 = tpu.vector_load %arg12[%swap3A_98] {strides = array<i32>} : memref<1024xf32, #tpu.memory_space<vmem>>, vector<16xf32>,
    tpu.vector_store %arg12[%swap3A_98], %broadcast_in_dim3A_97 {strides = array<i32>} : memref<1024xf32, #tpu.memory_space<vmem>>, vector<16xf32>,
    %broadcast_in_dim3A_100 = arith.constant 0.000000e+00 : f32
    %broadcast_in_dim3A_101 = vector.broadcast %broadcast_in_dim3A_100 : f32 to vector<16xf32>
    %swap3A_102 = arith.constant 288 : index
    %swap3A_103 = tpu.vector_load %arg12[%swap3A_102] {strides = array<i32>} : memref<1024xf32, #tpu.memory_space<vmem>>, vector<16xf32>,
    tpu.vector_store %arg12[%swap3A_102], %broadcast_in_dim3A_101 {strides = array<i32>} : memref<1024xf32, #tpu.memory_space<vmem>>, vector<16xf32>,
    %broadcast_in_dim3A_104 = arith.constant 0.000000e+00 : f32
    %broadcast_in_dim3A_105 = vector.broadcast %broadcast_in_dim3A_104 : f32 to vector<16xf32>
    %swap3A_106 = arith.constant 304 : index
    %swap3A_107 = tpu.vector_load %arg12[%swap3A_106] {strides = array<i32>} : memref<1024xf32, #tpu.memory_space<vmem>>, vector<16xf32>,
    tpu.vector_store %arg12[%swap3A_106], %broadcast_in_dim3A_105 {strides = array<i32>} : memref<1024xf32, #tpu.memory_space<vmem>>, vector<16xf32>,
    %broadcast_in_dim3A_108 = arith.constant 0.000000e+00 : f32
    %broadcast_in_dim3A_109 = vector.broadcast %broadcast_in_dim3A_108 : f32 to vector<16xf32>
    %swap3A_110 = arith.constant 320 : index
    %swap3A_111 = tpu.vector_load %arg12[%swap3A_110] {strides = array<i32>} : memref<1024xf32, #tpu.memory_space<vmem>>, vector<16xf32>,
    tpu.vector_store %arg12[%swap3A_110], %broadcast_in_dim3A_109 {strides = array<i32>} : memref<1024xf32, #tpu.memory_space<vmem>>, vector<16xf32>,
    %broadcast_in_dim3A_112 = arith.constant 0.000000e+00 : f32
    %broadcast_in_dim3A_113 = vector.broadcast %broadcast_in_dim3A_112 : f32 to vector<16xf32>
    %swap3A_114 = arith.constant 336 : index
    %swap3A_115 = tpu.vector_load %arg12[%swap3A_114] {strides = array<i32>} : memref<1024xf32, #tpu.memory_space<vmem>>, vector<16xf32>,
    tpu.vector_store %arg12[%swap3A_114], %broadcast_in_dim3A_113 {strides = array<i32>} : memref<1024xf32, #tpu.memory_space<vmem>>, vector<16xf32>,
    %broadcast_in_dim3A_116 = arith.constant 0.000000e+00 : f32
    %broadcast_in_dim3A_117 = vector.broadcast %broadcast_in_dim3A_116 : f32 to vector<16xf32>
    %swap3A_118 = arith.constant 352 : index
    %swap3A_119 = tpu.vector_load %arg12[%swap3A_118] {strides = array<i32>} : memref<1024xf32, #tpu.memory_space<vmem>>, vector<16xf32>,
    tpu.vector_store %arg12[%swap3A_118], %broadcast_in_dim3A_117 {strides = array<i32>} : memref<1024xf32, #tpu.memory_space<vmem>>, vector<16xf32>,
    %broadcast_in_dim3A_120 = arith.constant 0.000000e+00 : f32
    %broadcast_in_dim3A_121 = vector.broadcast %broadcast_in_dim3A_120 : f32 to vector<16xf32>
    %swap3A_122 = arith.constant 368 : index
    %swap3A_123 = tpu.vector_load %arg12[%swap3A_122] {strides = array<i32>} : memref<1024xf32, #tpu.memory_space<vmem>>, vector<16xf32>,
    tpu.vector_store %arg12[%swap3A_122], %broadcast_in_dim3A_121 {strides = array<i32>} : memref<1024xf32, #tpu.memory_space<vmem>>, vector<16xf32>,
    %broadcast_in_dim3A_124 = arith.constant 0.000000e+00 : f32
    %broadcast_in_dim3A_125 = vector.broadcast %broadcast_in_dim3A_124 : f32 to vector<16xf32>
    %swap3A_126 = arith.constant 384 : index
    %swap3A_127 = tpu.vector_load %arg12[%swap3A_126] {strides = array<i32>} : memref<1024xf32, #tpu.memory_space<vmem>>, vector<16xf32>,
    tpu.vector_store %arg12[%swap3A_126], %broadcast_in_dim3A_125 {strides = array<i32>} : memref<1024xf32, #tpu.memory_space<vmem>>, vector<16xf32>,
    %broadcast_in_dim3A_128 = arith.constant 0.000000e+00 : f32
    %broadcast_in_dim3A_129 = vector.broadcast %broadcast_in_dim3A_128 : f32 to vector<16xf32>
    %swap3A_130 = arith.constant 400 : index
    %swap3A_131 = tpu.vector_load %arg12[%swap3A_130] {strides = array<i32>} : memref<1024xf32, #tpu.memory_space<vmem>>, vector<16xf32>,
    tpu.vector_store %arg12[%swap3A_130], %broadcast_in_dim3A_129 {strides = array<i32>} : memref<1024xf32, #tpu.memory_space<vmem>>, vector<16xf32>,
    %broadcast_in_dim3A_132 = arith.constant 0.000000e+00 : f32
    %broadcast_in_dim3A_133 = vector.broadcast %broadcast_in_dim3A_132 : f32 to vector<16xf32>
    %swap3A_134 = arith.constant 416 : index
    %swap3A_135 = tpu.vector_load %arg12[%swap3A_134] {strides = array<i32>} : memref<1024xf32, #tpu.memory_space<vmem>>, vector<16xf32>,
    tpu.vector_store %arg12[%swap3A_134], %broadcast_in_dim3A_133 {strides = array<i32>} : memref<1024xf32, #tpu.memory_space<vmem>>, vector<16xf32>,
    %broadcast_in_dim3A_136 = arith.constant 0.000000e+00 : f32
    %broadcast_in_dim3A_137 = vector.broadcast %broadcast_in_dim3A_136 : f32 to vector<16xf32>
    %swap3A_138 = arith.constant 432 : index
    %swap3A_139 = tpu.vector_load %arg12[%swap3A_138] {strides = array<i32>} : memref<1024xf32, #tpu.memory_space<vmem>>, vector<16xf32>,
    tpu.vector_store %arg12[%swap3A_138], %broadcast_in_dim3A_137 {strides = array<i32>} : memref<1024xf32, #tpu.memory_space<vmem>>, vector<16xf32>,
    %broadcast_in_dim3A_140 = arith.constant 0.000000e+00 : f32
    %broadcast_in_dim3A_141 = vector.broadcast %broadcast_in_dim3A_140 : f32 to vector<16xf32>
    %swap3A_142 = arith.constant 448 : index
    %swap3A_143 = tpu.vector_load %arg12[%swap3A_142] {strides = array<i32>} : memref<1024xf32, #tpu.memory_space<vmem>>, vector<16xf32>,
    tpu.vector_store %arg12[%swap3A_142], %broadcast_in_dim3A_141 {strides = array<i32>} : memref<1024xf32, #tpu.memory_space<vmem>>, vector<16xf32>,
    %broadcast_in_dim3A_144 = arith.constant 0.000000e+00 : f32
    %broadcast_in_dim3A_145 = vector.broadcast %broadcast_in_dim3A_144 : f32 to vector<16xf32>
    %swap3A_146 = arith.constant 464 : index
    %swap3A_147 = tpu.vector_load %arg12[%swap3A_146] {strides = array<i32>} : memref<1024xf32, #tpu.memory_space<vmem>>, vector<16xf32>,
    tpu.vector_store %arg12[%swap3A_146], %broadcast_in_dim3A_145 {strides = array<i32>} : memref<1024xf32, #tpu.memory_space<vmem>>, vector<16xf32>,
    %broadcast_in_dim3A_148 = arith.constant 0.000000e+00 : f32
    %broadcast_in_dim3A_149 = vector.broadcast %broadcast_in_dim3A_148 : f32 to vector<16xf32>
    %swap3A_150 = arith.constant 480 : index
    %swap3A_151 = tpu.vector_load %arg12[%swap3A_150] {strides = array<i32>} : memref<1024xf32, #tpu.memory_space<vmem>>, vector<16xf32>,
    tpu.vector_store %arg12[%swap3A_150], %broadcast_in_dim3A_149 {strides = array<i32>} : memref<1024xf32, #tpu.memory_space<vmem>>, vector<16xf32>,
    %broadcast_in_dim3A_152 = arith.constant 0.000000e+00 : f32
    %broadcast_in_dim3A_153 = vector.broadcast %broadcast_in_dim3A_152 : f32 to vector<16xf32>
    %swap3A_154 = arith.constant 496 : index
    %swap3A_155 = tpu.vector_load %arg12[%swap3A_154] {strides = array<i32>} : memref<1024xf32, #tpu.memory_space<vmem>>, vector<16xf32>,
    tpu.vector_store %arg12[%swap3A_154], %broadcast_in_dim3A_153 {strides = array<i32>} : memref<1024xf32, #tpu.memory_space<vmem>>, vector<16xf32>,
    %broadcast_in_dim3A_156 = arith.constant 0.000000e+00 : f32
    %broadcast_in_dim3A_157 = vector.broadcast %broadcast_in_dim3A_156 : f32 to vector<16xf32>
    %swap3A_158 = arith.constant 512 : index
    %swap3A_159 = tpu.vector_load %arg12[%swap3A_158] {strides = array<i32>} : memref<1024xf32, #tpu.memory_space<vmem>>, vector<16xf32>,
    tpu.vector_store %arg12[%swap3A_158], %broadcast_in_dim3A_157 {strides = array<i32>} : memref<1024xf32, #tpu.memory_space<vmem>>, vector<16xf32>,
    %broadcast_in_dim3A_160 = arith.constant 0.000000e+00 : f32
    %broadcast_in_dim3A_161 = vector.broadcast %broadcast_in_dim3A_160 : f32 to vector<16xf32>
    %swap3A_162 = arith.constant 528 : index
    %swap3A_163 = tpu.vector_load %arg12[%swap3A_162] {strides = array<i32>} : memref<1024xf32, #tpu.memory_space<vmem>>, vector<16xf32>,
    tpu.vector_store %arg12[%swap3A_162], %broadcast_in_dim3A_161 {strides = array<i32>} : memref<1024xf32, #tpu.memory_space<vmem>>, vector<16xf32>,
    %broadcast_in_dim3A_164 = arith.constant 0.000000e+00 : f32
    %broadcast_in_dim3A_165 = vector.broadcast %broadcast_in_dim3A_164 : f32 to vector<16xf32>
    %swap3A_166 = arith.constant 544 : index
    %swap3A_167 = tpu.vector_load %arg12[%swap3A_166] {strides = array<i32>} : memref<1024xf32, #tpu.memory_space<vmem>>, vector<16xf32>,
    tpu.vector_store %arg12[%swap3A_166], %broadcast_in_dim3A_165 {strides = array<i32>} : memref<1024xf32, #tpu.memory_space<vmem>>, vector<16xf32>,
    %broadcast_in_dim3A_168 = arith.constant 0.000000e+00 : f32
    %broadcast_in_dim3A_169 = vector.broadcast %broadcast_in_dim3A_168 : f32 to vector<16xf32>
    %swap3A_170 = arith.constant 560 : index
    %swap3A_171 = tpu.vector_load %arg12[%swap3A_170] {strides = array<i32>} : memref<1024xf32, #tpu.memory_space<vmem>>, vector<16xf32>,
    tpu.vector_store %arg12[%swap3A_170], %broadcast_in_dim3A_169 {strides = array<i32>} : memref<1024xf32, #tpu.memory_space<vmem>>, vector<16xf32>,
    %broadcast_in_dim3A_172 = arith.constant 0.000000e+00 : f32
    %broadcast_in_dim3A_173 = vector.broadcast %broadcast_in_dim3A_172 : f32 to vector<16xf32>
    %swap3A_174 = arith.constant 576 : index
    %swap3A_175 = tpu.vector_load %arg12[%swap3A_174] {strides = array<i32>} : memref<1024xf32, #tpu.memory_space<vmem>>, vector<16xf32>,
    tpu.vector_store %arg12[%swap3A_174], %broadcast_in_dim3A_173 {strides = array<i32>} : memref<1024xf32, #tpu.memory_space<vmem>>, vector<16xf32>,
    %broadcast_in_dim3A_176 = arith.constant 0.000000e+00 : f32
    %broadcast_in_dim3A_177 = vector.broadcast %broadcast_in_dim3A_176 : f32 to vector<16xf32>
    %swap3A_178 = arith.constant 592 : index
    %swap3A_179 = tpu.vector_load %arg12[%swap3A_178] {strides = array<i32>} : memref<1024xf32, #tpu.memory_space<vmem>>, vector<16xf32>,
    tpu.vector_store %arg12[%swap3A_178], %broadcast_in_dim3A_177 {strides = array<i32>} : memref<1024xf32, #tpu.memory_space<vmem>>, vector<16xf32>,
    %broadcast_in_dim3A_180 = arith.constant 0.000000e+00 : f32
    %broadcast_in_dim3A_181 = vector.broadcast %broadcast_in_dim3A_180 : f32 to vector<16xf32>
    %swap3A_182 = arith.constant 608 : index
    %swap3A_183 = tpu.vector_load %arg12[%swap3A_182] {strides = array<i32>} : memref<1024xf32, #tpu.memory_space<vmem>>, vector<16xf32>,
    tpu.vector_store %arg12[%swap3A_182], %broadcast_in_dim3A_181 {strides = array<i32>} : memref<1024xf32, #tpu.memory_space<vmem>>, vector<16xf32>,
    %broadcast_in_dim3A_184 = arith.constant 0.000000e+00 : f32
    %broadcast_in_dim3A_185 = vector.broadcast %broadcast_in_dim3A_184 : f32 to vector<16xf32>
    %swap3A_186 = arith.constant 624 : index
    %swap3A_187 = tpu.vector_load %arg12[%swap3A_186] {strides = array<i32>} : memref<1024xf32, #tpu.memory_space<vmem>>, vector<16xf32>,
    tpu.vector_store %arg12[%swap3A_186], %broadcast_in_dim3A_185 {strides = array<i32>} : memref<1024xf32, #tpu.memory_space<vmem>>, vector<16xf32>,
    %broadcast_in_dim3A_188 = arith.constant 0.000000e+00 : f32
    %broadcast_in_dim3A_189 = vector.broadcast %broadcast_in_dim3A_188 : f32 to vector<16xf32>
    %swap3A_190 = arith.constant 640 : index
    %swap3A_191 = tpu.vector_load %arg12[%swap3A_190] {strides = array<i32>} : memref<1024xf32, #tpu.memory_space<vmem>>, vector<16xf32>,
    tpu.vector_store %arg12[%swap3A_190], %broadcast_in_dim3A_189 {strides = array<i32>} : memref<1024xf32, #tpu.memory_space<vmem>>, vector<16xf32>,
    %broadcast_in_dim3A_192 = arith.constant 0.000000e+00 : f32
    %broadcast_in_dim3A_193 = vector.broadcast %broadcast_in_dim3A_192 : f32 to vector<16xf32>
    %swap3A_194 = arith.constant 656 : index
    %swap3A_195 = tpu.vector_load %arg12[%swap3A_194] {strides = array<i32>} : memref<1024xf32, #tpu.memory_space<vmem>>, vector<16xf32>,
    tpu.vector_store %arg12[%swap3A_194], %broadcast_in_dim3A_193 {strides = array<i32>} : memref<1024xf32, #tpu.memory_space<vmem>>, vector<16xf32>,
    %broadcast_in_dim3A_196 = arith.constant 0.000000e+00 : f32
    %broadcast_in_dim3A_197 = vector.broadcast %broadcast_in_dim3A_196 : f32 to vector<16xf32>
    %swap3A_198 = arith.constant 672 : index
    %swap3A_199 = tpu.vector_load %arg12[%swap3A_198] {strides = array<i32>} : memref<1024xf32, #tpu.memory_space<vmem>>, vector<16xf32>,
    tpu.vector_store %arg12[%swap3A_198], %broadcast_in_dim3A_197 {strides = array<i32>} : memref<1024xf32, #tpu.memory_space<vmem>>, vector<16xf32>,
    %broadcast_in_dim3A_200 = arith.constant 0.000000e+00 : f32
    %broadcast_in_dim3A_201 = vector.broadcast %broadcast_in_dim3A_200 : f32 to vector<16xf32>
    %swap3A_202 = arith.constant 688 : index
    %swap3A_203 = tpu.vector_load %arg12[%swap3A_202] {strides = array<i32>} : memref<1024xf32, #tpu.memory_space<vmem>>, vector<16xf32>,
    tpu.vector_store %arg12[%swap3A_202], %broadcast_in_dim3A_201 {strides = array<i32>} : memref<1024xf32, #tpu.memory_space<vmem>>, vector<16xf32>,
    %broadcast_in_dim3A_204 = arith.constant 0.000000e+00 : f32
    %broadcast_in_dim3A_205 = vector.broadcast %broadcast_in_dim3A_204 : f32 to vector<16xf32>
    %swap3A_206 = arith.constant 704 : index
    %swap3A_207 = tpu.vector_load %arg12[%swap3A_206] {strides = array<i32>} : memref<1024xf32, #tpu.memory_space<vmem>>, vector<16xf32>,
    tpu.vector_store %arg12[%swap3A_206], %broadcast_in_dim3A_205 {strides = array<i32>} : memref<1024xf32, #tpu.memory_space<vmem>>, vector<16xf32>,
    %broadcast_in_dim3A_208 = arith.constant 0.000000e+00 : f32
    %broadcast_in_dim3A_209 = vector.broadcast %broadcast_in_dim3A_208 : f32 to vector<16xf32>
    %swap3A_210 = arith.constant 720 : index
    %swap3A_211 = tpu.vector_load %arg12[%swap3A_210] {strides = array<i32>} : memref<1024xf32, #tpu.memory_space<vmem>>, vector<16xf32>,
    tpu.vector_store %arg12[%swap3A_210], %broadcast_in_dim3A_209 {strides = array<i32>} : memref<1024xf32, #tpu.memory_space<vmem>>, vector<16xf32>,
    %broadcast_in_dim3A_212 = arith.constant 0.000000e+00 : f32
    %broadcast_in_dim3A_213 = vector.broadcast %broadcast_in_dim3A_212 : f32 to vector<16xf32>
    %swap3A_214 = arith.constant 736 : index
    %swap3A_215 = tpu.vector_load %arg12[%swap3A_214] {strides = array<i32>} : memref<1024xf32, #tpu.memory_space<vmem>>, vector<16xf32>,
    tpu.vector_store %arg12[%swap3A_214], %broadcast_in_dim3A_213 {strides = array<i32>} : memref<1024xf32, #tpu.memory_space<vmem>>, vector<16xf32>,
    %broadcast_in_dim3A_216 = arith.constant 0.000000e+00 : f32
    %broadcast_in_dim3A_217 = vector.broadcast %broadcast_in_dim3A_216 : f32 to vector<16xf32>
    %swap3A_218 = arith.constant 752 : index
    %swap3A_219 = tpu.vector_load %arg12[%swap3A_218] {strides = array<i32>} : memref<1024xf32, #tpu.memory_space<vmem>>, vector<16xf32>,
    tpu.vector_store %arg12[%swap3A_218], %broadcast_in_dim3A_217 {strides = array<i32>} : memref<1024xf32, #tpu.memory_space<vmem>>, vector<16xf32>,
    %broadcast_in_dim3A_220 = arith.constant 0.000000e+00 : f32
    %broadcast_in_dim3A_221 = vector.broadcast %broadcast_in_dim3A_220 : f32 to vector<16xf32>
    %swap3A_222 = arith.constant 768 : index
    %swap3A_223 = tpu.vector_load %arg12[%swap3A_222] {strides = array<i32>} : memref<1024xf32, #tpu.memory_space<vmem>>, vector<16xf32>,
    tpu.vector_store %arg12[%swap3A_222], %broadcast_in_dim3A_221 {strides = array<i32>} : memref<1024xf32, #tpu.memory_space<vmem>>, vector<16xf32>,
    %broadcast_in_dim3A_224 = arith.constant 0.000000e+00 : f32
    %broadcast_in_dim3A_225 = vector.broadcast %broadcast_in_dim3A_224 : f32 to vector<16xf32>
    %swap3A_226 = arith.constant 784 : index
    %swap3A_227 = tpu.vector_load %arg12[%swap3A_226] {strides = array<i32>} : memref<1024xf32, #tpu.memory_space<vmem>>, vector<16xf32>,
    tpu.vector_store %arg12[%swap3A_226], %broadcast_in_dim3A_225 {strides = array<i32>} : memref<1024xf32, #tpu.memory_space<vmem>>, vector<16xf32>,
    %broadcast_in_dim3A_228 = arith.constant 0.000000e+00 : f32
    %broadcast_in_dim3A_229 = vector.broadcast %broadcast_in_dim3A_228 : f32 to vector<16xf32>
    %swap3A_230 = arith.constant 800 : index
    %swap3A_231 = tpu.vector_load %arg12[%swap3A_230] {strides = array<i32>} : memref<1024xf32, #tpu.memory_space<vmem>>, vector<16xf32>,
    tpu.vector_store %arg12[%swap3A_230], %broadcast_in_dim3A_229 {strides = array<i32>} : memref<1024xf32, #tpu.memory_space<vmem>>, vector<16xf32>,
    %broadcast_in_dim3A_232 = arith.constant 0.000000e+00 : f32
    %broadcast_in_dim3A_233 = vector.broadcast %broadcast_in_dim3A_232 : f32 to vector<16xf32>
    %swap3A_234 = arith.constant 816 : index
    %swap3A_235 = tpu.vector_load %arg12[%swap3A_234] {strides = array<i32>} : memref<1024xf32, #tpu.memory_space<vmem>>, vector<16xf32>,
    tpu.vector_store %arg12[%swap3A_234], %broadcast_in_dim3A_233 {strides = array<i32>} : memref<1024xf32, #tpu.memory_space<vmem>>, vector<16xf32>,
    %broadcast_in_dim3A_236 = arith.constant 0.000000e+00 : f32
    %broadcast_in_dim3A_237 = vector.broadcast %broadcast_in_dim3A_236 : f32 to vector<16xf32>
    %swap3A_238 = arith.constant 832 : index
    %swap3A_239 = tpu.vector_load %arg12[%swap3A_238] {strides = array<i32>} : memref<1024xf32, #tpu.memory_space<vmem>>, vector<16xf32>,
    tpu.vector_store %arg12[%swap3A_238], %broadcast_in_dim3A_237 {strides = array<i32>} : memref<1024xf32, #tpu.memory_space<vmem>>, vector<16xf32>,
    %broadcast_in_dim3A_240 = arith.constant 0.000000e+00 : f32
    %broadcast_in_dim3A_241 = vector.broadcast %broadcast_in_dim3A_240 : f32 to vector<16xf32>
    %swap3A_242 = arith.constant 848 : index
    %swap3A_243 = tpu.vector_load %arg12[%swap3A_242] {strides = array<i32>} : memref<1024xf32, #tpu.memory_space<vmem>>, vector<16xf32>,
    tpu.vector_store %arg12[%swap3A_242], %broadcast_in_dim3A_241 {strides = array<i32>} : memref<1024xf32, #tpu.memory_space<vmem>>, vector<16xf32>,
    %broadcast_in_dim3A_244 = arith.constant 0.000000e+00 : f32
    %broadcast_in_dim3A_245 = vector.broadcast %broadcast_in_dim3A_244 : f32 to vector<16xf32>
    %swap3A_246 = arith.constant 864 : index
    %swap3A_247 = tpu.vector_load %arg12[%swap3A_246] {strides = array<i32>} : memref<1024xf32, #tpu.memory_space<vmem>>, vector<16xf32>,
    tpu.vector_store %arg12[%swap3A_246], %broadcast_in_dim3A_245 {strides = array<i32>} : memref<1024xf32, #tpu.memory_space<vmem>>, vector<16xf32>,
    %broadcast_in_dim3A_248 = arith.constant 0.000000e+00 : f32
    %broadcast_in_dim3A_249 = vector.broadcast %broadcast_in_dim3A_248 : f32 to vector<16xf32>
    %swap3A_250 = arith.constant 880 : index
    %swap3A_251 = tpu.vector_load %arg12[%swap3A_250] {strides = array<i32>} : memref<1024xf32, #tpu.memory_space<vmem>>, vector<16xf32>,
    tpu.vector_store %arg12[%swap3A_250], %broadcast_in_dim3A_249 {strides = array<i32>} : memref<1024xf32, #tpu.memory_space<vmem>>, vector<16xf32>,
    %broadcast_in_dim3A_252 = arith.constant 0.000000e+00 : f32
    %broadcast_in_dim3A_253 = vector.broadcast %broadcast_in_dim3A_252 : f32 to vector<16xf32>
    %swap3A_254 = arith.constant 896 : index
    %swap3A_255 = tpu.vector_load %arg12[%swap3A_254] {strides = array<i32>} : memref<1024xf32, #tpu.memory_space<vmem>>, vector<16xf32>,
    tpu.vector_store %arg12[%swap3A_254], %broadcast_in_dim3A_253 {strides = array<i32>} : memref<1024xf32, #tpu.memory_space<vmem>>, vector<16xf32>,
    %broadcast_in_dim3A_256 = arith.constant 0.000000e+00 : f32
    %broadcast_in_dim3A_257 = vector.broadcast %broadcast_in_dim3A_256 : f32 to vector<16xf32>
    %swap3A_258 = arith.constant 912 : index
    %swap3A_259 = tpu.vector_load %arg12[%swap3A_258] {strides = array<i32>} : memref<1024xf32, #tpu.memory_space<vmem>>, vector<16xf32>,
    tpu.vector_store %arg12[%swap3A_258], %broadcast_in_dim3A_257 {strides = array<i32>} : memref<1024xf32, #tpu.memory_space<vmem>>, vector<16xf32>,
    %broadcast_in_dim3A_260 = arith.constant 0.000000e+00 : f32
    %broadcast_in_dim3A_261 = vector.broadcast %broadcast_in_dim3A_260 : f32 to vector<16xf32>
    %swap3A_262 = arith.constant 928 : index
    %swap3A_263 = tpu.vector_load %arg12[%swap3A_262] {strides = array<i32>} : memref<1024xf32, #tpu.memory_space<vmem>>, vector<16xf32>,
    tpu.vector_store %arg12[%swap3A_262], %broadcast_in_dim3A_261 {strides = array<i32>} : memref<1024xf32, #tpu.memory_space<vmem>>, vector<16xf32>,
    %broadcast_in_dim3A_264 = arith.constant 0.000000e+00 : f32
    %broadcast_in_dim3A_265 = vector.broadcast %broadcast_in_dim3A_264 : f32 to vector<16xf32>
    %swap3A_266 = arith.constant 944 : index
    %swap3A_267 = tpu.vector_load %arg12[%swap3A_266] {strides = array<i32>} : memref<1024xf32, #tpu.memory_space<vmem>>, vector<16xf32>,
    tpu.vector_store %arg12[%swap3A_266], %broadcast_in_dim3A_265 {strides = array<i32>} : memref<1024xf32, #tpu.memory_space<vmem>>, vector<16xf32>,
    %broadcast_in_dim3A_268 = arith.constant 0.000000e+00 : f32
    %broadcast_in_dim3A_269 = vector.broadcast %broadcast_in_dim3A_268 : f32 to vector<16xf32>
    %swap3A_270 = arith.constant 960 : index
    %swap3A_271 = tpu.vector_load %arg12[%swap3A_270] {strides = array<i32>} : memref<1024xf32, #tpu.memory_space<vmem>>, vector<16xf32>,
    tpu.vector_store %arg12[%swap3A_270], %broadcast_in_dim3A_269 {strides = array<i32>} : memref<1024xf32, #tpu.memory_space<vmem>>, vector<16xf32>,
    %broadcast_in_dim3A_272 = arith.constant 0.000000e+00 : f32
    %broadcast_in_dim3A_273 = vector.broadcast %broadcast_in_dim3A_272 : f32 to vector<16xf32>
    %swap3A_274 = arith.constant 976 : index
    %swap3A_275 = tpu.vector_load %arg12[%swap3A_274] {strides = array<i32>} : memref<1024xf32, #tpu.memory_space<vmem>>, vector<16xf32>,
    tpu.vector_store %arg12[%swap3A_274], %broadcast_in_dim3A_273 {strides = array<i32>} : memref<1024xf32, #tpu.memory_space<vmem>>, vector<16xf32>,
    %broadcast_in_dim3A_276 = arith.constant 0.000000e+00 : f32
    %broadcast_in_dim3A_277 = vector.broadcast %broadcast_in_dim3A_276 : f32 to vector<16xf32>
    %swap3A_278 = arith.constant 992 : index
    %swap3A_279 = tpu.vector_load %arg12[%swap3A_278] {strides = array<i32>} : memref<1024xf32, #tpu.memory_space<vmem>>, vector<16xf32>,
    tpu.vector_store %arg12[%swap3A_278], %broadcast_in_dim3A_277 {strides = array<i32>} : memref<1024xf32, #tpu.memory_space<vmem>>, vector<16xf32>,
    %broadcast_in_dim3A_280 = arith.constant 0.000000e+00 : f32
    %broadcast_in_dim3A_281 = vector.broadcast %broadcast_in_dim3A_280 : f32 to vector<16xf32>
    %swap3A_282 = arith.constant 1008 : index
    %swap3A_283 = tpu.vector_load %arg12[%swap3A_282] {strides = array<i32>} : memref<1024xf32, #tpu.memory_space<vmem>>, vector<16xf32>,
    tpu.vector_store %arg12[%swap3A_282], %broadcast_in_dim3A_281 {strides = array<i32>} : memref<1024xf32, #tpu.memory_space<vmem>>, vector<16xf32>,
    %dma_wait3A = arith.constant 0 : i32
    %dma_wait3A_284 = arith.constant 0 : i32
    %dma_wait3A_285 = tpu.memref_slice %arg2[%dma_wait3A, %dma_wait3A_284] : memref<2x1024xf32, #tpu.memory_space<hbm>> -> memref<1x1024xf32, #tpu.memory_space<hbm>>
    %dma_wait3A_286 = tpu.memref_squeeze %dma_wait3A_285 : memref<1x1024xf32, #tpu.memory_space<hbm>> -> memref<1024xf32, #tpu.memory_space<hbm>>
    %dma_wait3A_287 = arith.constant 0 : i32
    %dma_wait3A_288 = tpu.memref_slice %arg2[%dma_wait3A, %dma_wait3A_287] : memref<2x1024xf32, #tpu.memory_space<hbm>> -> memref<1x1024xf32, #tpu.memory_space<hbm>>
    %dma_wait3A_289 = tpu.memref_squeeze %dma_wait3A_288 : memref<1x1024xf32, #tpu.memory_space<hbm>> -> memref<1024xf32, #tpu.memory_space<hbm>>
    tpu.wait_dma2 semaphore(%arg14 : memref<!tpu.dma_semaphore, #tpu.memory_space<semaphore_mem>>) src(%dma_wait3A_289 : memref<1024xf32, #tpu.memory_space<hbm>>) dst(%arg10 : memref<1024xf32, #tpu.memory_space<vmem>>)
    %dma_wait3A_290 = arith.constant 1 : i32
    %dma_wait3A_291 = arith.constant 0 : i32
    %dma_wait3A_292 = tpu.memref_slice %arg2[%dma_wait3A_290, %dma_wait3A_291] : memref<2x1024xf32, #tpu.memory_space<hbm>> -> memref<1x1024xf32, #tpu.memory_space<hbm>>
    %dma_wait3A_293 = tpu.memref_squeeze %dma_wait3A_292 : memref<1x1024xf32, #tpu.memory_space<hbm>> -> memref<1024xf32, #tpu.memory_space<hbm>>
    %dma_wait3A_294 = arith.constant 0 : i32
    %dma_wait3A_295 = tpu.memref_slice %arg2[%dma_wait3A_290, %dma_wait3A_294] : memref<2x1024xf32, #tpu.memory_space<hbm>> -> memref<1x1024xf32, #tpu.memory_space<hbm>>
    %dma_wait3A_296 = tpu.memref_squeeze %dma_wait3A_295 : memref<1x1024xf32, #tpu.memory_space<hbm>> -> memref<1024xf32, #tpu.memory_space<hbm>>
    tpu.wait_dma2 semaphore(%arg14 : memref<!tpu.dma_semaphore, #tpu.memory_space<semaphore_mem>>) src(%dma_wait3A_296 : memref<1024xf32, #tpu.memory_space<hbm>>) dst(%arg11 : memref<1024xf32, #tpu.memory_space<vmem>>)
    %dma_wait3A_297 = arith.constant 0 : i32
    %dma_wait3A_298 = arith.constant 0 : i32
    %dma_wait3A_299 = tpu.memref_slice %arg3[%add3A, %dma_wait3A_297, %dma_wait3A_298] : memref<32x8x128xi32, #tpu.memory_space<hbm>> -> memref<1x8x128xi32, #tpu.memory_space<hbm>>
    %dma_wait3A_300 = tpu.memref_squeeze %dma_wait3A_299 : memref<1x8x128xi32, #tpu.memory_space<hbm>> -> memref<8x128xi32, #tpu.memory_space<hbm>>
    %dma_wait3A_301 = arith.constant 0 : i32
    %dma_wait3A_302 = arith.constant 0 : i32
    %dma_wait3A_303 = tpu.memref_slice %arg3[%add3A, %dma_wait3A_301, %dma_wait3A_302] : memref<32x8x128xi32, #tpu.memory_space<hbm>> -> memref<1x8x128xi32, #tpu.memory_space<hbm>>
    %dma_wait3A_304 = tpu.memref_squeeze %dma_wait3A_303 : memref<1x8x128xi32, #tpu.memory_space<hbm>> -> memref<8x128xi32, #tpu.memory_space<hbm>>
    tpu.wait_dma2 semaphore(%arg14 : memref<!tpu.dma_semaphore, #tpu.memory_space<semaphore_mem>>) src(%dma_wait3A_304 : memref<8x128xi32, #tpu.memory_space<hbm>>) dst(%arg7 : memref<8x128xi32, #tpu.memory_space<vmem>>)
    %dma_wait3A_305 = arith.constant 0 : i32
    %dma_wait3A_306 = arith.constant 0 : i32
    %dma_wait3A_307 = tpu.memref_slice %arg4[%add3A, %dma_wait3A_305, %dma_wait3A_306] : memref<32x8x128xi32, #tpu.memory_space<hbm>> -> memref<1x8x128xi32, #tpu.memory_space<hbm>>
    %dma_wait3A_308 = tpu.memref_squeeze %dma_wait3A_307 : memref<1x8x128xi32, #tpu.memory_space<hbm>> -> memref<8x128xi32, #tpu.memory_space<hbm>>
    %dma_wait3A_309 = arith.constant 0 : i32
    %dma_wait3A_310 = arith.constant 0 : i32
    %dma_wait3A_311 = tpu.memref_slice %arg4[%add3A, %dma_wait3A_309, %dma_wait3A_310] : memref<32x8x128xi32, #tpu.memory_space<hbm>> -> memref<1x8x128xi32, #tpu.memory_space<hbm>>
    %dma_wait3A_312 = tpu.memref_squeeze %dma_wait3A_311 : memref<1x8x128xi32, #tpu.memory_space<hbm>> -> memref<8x128xi32, #tpu.memory_space<hbm>>
    tpu.wait_dma2 semaphore(%arg14 : memref<!tpu.dma_semaphore, #tpu.memory_space<semaphore_mem>>) src(%dma_wait3A_312 : memref<8x128xi32, #tpu.memory_space<hbm>>) dst(%arg8 : memref<8x128xi32, #tpu.memory_space<vmem>>)
    %eq3A = arith.constant 0 : i32
    %eq3A_313 = arith.cmpi eq, %arg1, %eq3A : i32
    %convert_element_type3A = arith.extui %eq3A_313 : i1 to i32
    %cond3A = arith.constant 0 : i32
    %cond3A_314 = arith.cmpi ne, %convert_element_type3A, %cond3A : i32
    scf.if %cond3A_314 {
      "tpu.region"() ({
        %run_scoped3A = tpu.sem_alloc : memref<!tpu.dma_semaphore, #tpu.memory_space<semaphore_mem>>
        tpu.enqueue_dma source(%arg12 : memref<1024xf32, #tpu.memory_space<vmem>>) target(%arg13 : memref<1024xf32, #tpu.memory_space<vmem_shared>>) target_semaphore(%run_scoped3A : memref<!tpu.dma_semaphore, #tpu.memory_space<semaphore_mem>>)
        tpu.wait_dma2 semaphore(%run_scoped3A : memref<!tpu.dma_semaphore, #tpu.memory_space<semaphore_mem>>) src(%arg12 : memref<1024xf32, #tpu.memory_space<vmem>>) dst(%arg13 : memref<1024xf32, #tpu.memory_space<vmem_shared>>)
        tpu.yield
      }) : () -> ()
    } else {
    }
    %barrier3A = arith.constant 0 : index
    tpu.barrier barrier_id(%barrier3A)
    %get3A = arith.constant 0 : i32
    %get3A_315 = arith.index_cast %get3A : i32 to index
    %get3A_316 = arith.constant 0 : index
    %get3A_317 = tpu.vector_load %arg7[%get3A_315, %get3A_316] {strides = array<i32>} : memref<8x128xi32, #tpu.memory_space<vmem>>, vector<16xi32>,
    %gather3A = tpu.vector_load_idx %arg10[%get3A_317] : memref<1024xf32, #tpu.memory_space<vmem>>[vector<16xi32>], vector<16xf32>,
    %get3A_318 = arith.constant 0 : i32
    %get3A_319 = arith.index_cast %get3A_318 : i32 to index
    %get3A_320 = arith.constant 0 : index
    %get3A_321 = tpu.vector_load %arg8[%get3A_319, %get3A_320] {strides = array<i32>} : memref<8x128xi32, #tpu.memory_space<vmem>>, vector<16xi32>,
    %gather3A_322 = tpu.vector_load_idx %arg11[%get3A_321] : memref<1024xf32, #tpu.memory_space<vmem>>[vector<16xi32>], vector<16xf32>,
    %add3A_323 = arith.addf %gather3A, %gather3A_322 : vector<16xf32>
    %ge3A = arith.constant 0.000000e+00 : f32
    %ge3A_324 = vector.broadcast %ge3A : f32 to vector<16xf32>
    %ge3A_325 = arith.cmpf oge, %add3A_323, %ge3A_324 : vector<16xf32>
    %mul3A_326 = arith.constant 0.00999999977 : f32
    %mul3A_327 = vector.broadcast %mul3A_326 : f32 to vector<16xf32>
    %mul3A_328 = arith.mulf %mul3A_327, %add3A_323 : vector<16xf32>
    %select_n3A = arith.select %ge3A_325, %add3A_323, %mul3A_328 : vector<16xi1>, vector<16xf32>
    %exp3A = math.exp %select_n3A : vector<16xf32>
    %swap3A_329 = arith.constant 0 : index
    %swap3A_330 = tpu.vector_load %arg9[%swap3A_329] {strides = array<i32>} : memref<1024xf32, #tpu.memory_space<vmem>>, vector<16xf32>,
    tpu.vector_store %arg9[%swap3A_329], %exp3A {strides = array<i32>} : memref<1024xf32, #tpu.memory_space<vmem>>, vector<16xf32>,
    %get3A_331 = arith.constant 0 : i32
    %get3A_332 = arith.index_cast %get3A_331 : i32 to index
    %get3A_333 = arith.constant 16 : index
    %get3A_334 = tpu.vector_load %arg7[%get3A_332, %get3A_333] {strides = array<i32>} : memref<8x128xi32, #tpu.memory_space<vmem>>, vector<16xi32>,
    %gather3A_335 = tpu.vector_load_idx %arg10[%get3A_334] : memref<1024xf32, #tpu.memory_space<vmem>>[vector<16xi32>], vector<16xf32>,
    %get3A_336 = arith.constant 0 : i32
    %get3A_337 = arith.index_cast %get3A_336 : i32 to index
    %get3A_338 = arith.constant 16 : index
    %get3A_339 = tpu.vector_load %arg8[%get3A_337, %get3A_338] {strides = array<i32>} : memref<8x128xi32, #tpu.memory_space<vmem>>, vector<16xi32>,
    %gather3A_340 = tpu.vector_load_idx %arg11[%get3A_339] : memref<1024xf32, #tpu.memory_space<vmem>>[vector<16xi32>], vector<16xf32>,
    %add3A_341 = arith.addf %gather3A_335, %gather3A_340 : vector<16xf32>
    %ge3A_342 = arith.constant 0.000000e+00 : f32
    %ge3A_343 = vector.broadcast %ge3A_342 : f32 to vector<16xf32>
    %ge3A_344 = arith.cmpf oge, %add3A_341, %ge3A_343 : vector<16xf32>
    %mul3A_345 = arith.constant 0.00999999977 : f32
    %mul3A_346 = vector.broadcast %mul3A_345 : f32 to vector<16xf32>
    %mul3A_347 = arith.mulf %mul3A_346, %add3A_341 : vector<16xf32>
    %select_n3A_348 = arith.select %ge3A_344, %add3A_341, %mul3A_347 : vector<16xi1>, vector<16xf32>
    %exp3A_349 = math.exp %select_n3A_348 : vector<16xf32>
    %swap3A_350 = arith.constant 16 : index
    %swap3A_351 = tpu.vector_load %arg9[%swap3A_350] {strides = array<i32>} : memref<1024xf32, #tpu.memory_space<vmem>>, vector<16xf32>,
    tpu.vector_store %arg9[%swap3A_350], %exp3A_349 {strides = array<i32>} : memref<1024xf32, #tpu.memory_space<vmem>>, vector<16xf32>,
    %get3A_352 = arith.constant 0 : i32
    %get3A_353 = arith.index_cast %get3A_352 : i32 to index
    %get3A_354 = arith.constant 32 : index
    %get3A_355 = tpu.vector_load %arg7[%get3A_353, %get3A_354] {strides = array<i32>} : memref<8x128xi32, #tpu.memory_space<vmem>>, vector<16xi32>,
    %gather3A_356 = tpu.vector_load_idx %arg10[%get3A_355] : memref<1024xf32, #tpu.memory_space<vmem>>[vector<16xi32>], vector<16xf32>,
    %get3A_357 = arith.constant 0 : i32
    %get3A_358 = arith.index_cast %get3A_357 : i32 to index
    %get3A_359 = arith.constant 32 : index
    %get3A_360 = tpu.vector_load %arg8[%get3A_358, %get3A_359] {strides = array<i32>} : memref<8x128xi32, #tpu.memory_space<vmem>>, vector<16xi32>,
    %gather3A_361 = tpu.vector_load_idx %arg11[%get3A_360] : memref<1024xf32, #tpu.memory_space<vmem>>[vector<16xi32>], vector<16xf32>,
    %add3A_362 = arith.addf %gather3A_356, %gather3A_361 : vector<16xf32>
    %ge3A_363 = arith.constant 0.000000e+00 : f32
    %ge3A_364 = vector.broadcast %ge3A_363 : f32 to vector<16xf32>
    %ge3A_365 = arith.cmpf oge, %add3A_362, %ge3A_364 : vector<16xf32>
    %mul3A_366 = arith.constant 0.00999999977 : f32
    %mul3A_367 = vector.broadcast %mul3A_366 : f32 to vector<16xf32>
    %mul3A_368 = arith.mulf %mul3A_367, %add3A_362 : vector<16xf32>
    %select_n3A_369 = arith.select %ge3A_365, %add3A_362, %mul3A_368 : vector<16xi1>, vector<16xf32>
    %exp3A_370 = math.exp %select_n3A_369 : vector<16xf32>
    %swap3A_371 = arith.constant 32 : index
    %swap3A_372 = tpu.vector_load %arg9[%swap3A_371] {strides = array<i32>} : memref<1024xf32, #tpu.memory_space<vmem>>, vector<16xf32>,
    tpu.vector_store %arg9[%swap3A_371], %exp3A_370 {strides = array<i32>} : memref<1024xf32, #tpu.memory_space<vmem>>, vector<16xf32>,
    %get3A_373 = arith.constant 0 : i32
    %get3A_374 = arith.index_cast %get3A_373 : i32 to index
    %get3A_375 = arith.constant 48 : index
    %get3A_376 = tpu.vector_load %arg7[%get3A_374, %get3A_375] {strides = array<i32>} : memref<8x128xi32, #tpu.memory_space<vmem>>, vector<16xi32>,
    %gather3A_377 = tpu.vector_load_idx %arg10[%get3A_376] : memref<1024xf32, #tpu.memory_space<vmem>>[vector<16xi32>], vector<16xf32>,
    %get3A_378 = arith.constant 0 : i32
    %get3A_379 = arith.index_cast %get3A_378 : i32 to index
    %get3A_380 = arith.constant 48 : index
    %get3A_381 = tpu.vector_load %arg8[%get3A_379, %get3A_380] {strides = array<i32>} : memref<8x128xi32, #tpu.memory_space<vmem>>, vector<16xi32>,
    %gather3A_382 = tpu.vector_load_idx %arg11[%get3A_381] : memref<1024xf32, #tpu.memory_space<vmem>>[vector<16xi32>], vector<16xf32>,
    %add3A_383 = arith.addf %gather3A_377, %gather3A_382 : vector<16xf32>
    %ge3A_384 = arith.constant 0.000000e+00 : f32
    %ge3A_385 = vector.broadcast %ge3A_384 : f32 to vector<16xf32>
    %ge3A_386 = arith.cmpf oge, %add3A_383, %ge3A_385 : vector<16xf32>
    %mul3A_387 = arith.constant 0.00999999977 : f32
    %mul3A_388 = vector.broadcast %mul3A_387 : f32 to vector<16xf32>
    %mul3A_389 = arith.mulf %mul3A_388, %add3A_383 : vector<16xf32>
    %select_n3A_390 = arith.select %ge3A_386, %add3A_383, %mul3A_389 : vector<16xi1>, vector<16xf32>
    %exp3A_391 = math.exp %select_n3A_390 : vector<16xf32>
    %swap3A_392 = arith.constant 48 : index
    %swap3A_393 = tpu.vector_load %arg9[%swap3A_392] {strides = array<i32>} : memref<1024xf32, #tpu.memory_space<vmem>>, vector<16xf32>,
    tpu.vector_store %arg9[%swap3A_392], %exp3A_391 {strides = array<i32>} : memref<1024xf32, #tpu.memory_space<vmem>>, vector<16xf32>,
    %get3A_394 = arith.constant 0 : i32
    %get3A_395 = arith.index_cast %get3A_394 : i32 to index
    %get3A_396 = arith.constant 64 : index
    %get3A_397 = tpu.vector_load %arg7[%get3A_395, %get3A_396] {strides = array<i32>} : memref<8x128xi32, #tpu.memory_space<vmem>>, vector<16xi32>,
    %gather3A_398 = tpu.vector_load_idx %arg10[%get3A_397] : memref<1024xf32, #tpu.memory_space<vmem>>[vector<16xi32>], vector<16xf32>,
    %get3A_399 = arith.constant 0 : i32
    %get3A_400 = arith.index_cast %get3A_399 : i32 to index
    %get3A_401 = arith.constant 64 : index
    %get3A_402 = tpu.vector_load %arg8[%get3A_400, %get3A_401] {strides = array<i32>} : memref<8x128xi32, #tpu.memory_space<vmem>>, vector<16xi32>,
    %gather3A_403 = tpu.vector_load_idx %arg11[%get3A_402] : memref<1024xf32, #tpu.memory_space<vmem>>[vector<16xi32>], vector<16xf32>,
    %add3A_404 = arith.addf %gather3A_398, %gather3A_403 : vector<16xf32>
    %ge3A_405 = arith.constant 0.000000e+00 : f32
    %ge3A_406 = vector.broadcast %ge3A_405 : f32 to vector<16xf32>
    %ge3A_407 = arith.cmpf oge, %add3A_404, %ge3A_406 : vector<16xf32>
    %mul3A_408 = arith.constant 0.00999999977 : f32
    %mul3A_409 = vector.broadcast %mul3A_408 : f32 to vector<16xf32>
    %mul3A_410 = arith.mulf %mul3A_409, %add3A_404 : vector<16xf32>
    %select_n3A_411 = arith.select %ge3A_407, %add3A_404, %mul3A_410 : vector<16xi1>, vector<16xf32>
    %exp3A_412 = math.exp %select_n3A_411 : vector<16xf32>
    %swap3A_413 = arith.constant 64 : index
    %swap3A_414 = tpu.vector_load %arg9[%swap3A_413] {strides = array<i32>} : memref<1024xf32, #tpu.memory_space<vmem>>, vector<16xf32>,
    tpu.vector_store %arg9[%swap3A_413], %exp3A_412 {strides = array<i32>} : memref<1024xf32, #tpu.memory_space<vmem>>, vector<16xf32>,
    %get3A_415 = arith.constant 0 : i32
    %get3A_416 = arith.index_cast %get3A_415 : i32 to index
    %get3A_417 = arith.constant 80 : index
    %get3A_418 = tpu.vector_load %arg7[%get3A_416, %get3A_417] {strides = array<i32>} : memref<8x128xi32, #tpu.memory_space<vmem>>, vector<16xi32>,
    %gather3A_419 = tpu.vector_load_idx %arg10[%get3A_418] : memref<1024xf32, #tpu.memory_space<vmem>>[vector<16xi32>], vector<16xf32>,
    %get3A_420 = arith.constant 0 : i32
    %get3A_421 = arith.index_cast %get3A_420 : i32 to index
    %get3A_422 = arith.constant 80 : index
    %get3A_423 = tpu.vector_load %arg8[%get3A_421, %get3A_422] {strides = array<i32>} : memref<8x128xi32, #tpu.memory_space<vmem>>, vector<16xi32>,
    %gather3A_424 = tpu.vector_load_idx %arg11[%get3A_423] : memref<1024xf32, #tpu.memory_space<vmem>>[vector<16xi32>], vector<16xf32>,
    %add3A_425 = arith.addf %gather3A_419, %gather3A_424 : vector<16xf32>
    %ge3A_426 = arith.constant 0.000000e+00 : f32
    %ge3A_427 = vector.broadcast %ge3A_426 : f32 to vector<16xf32>
    %ge3A_428 = arith.cmpf oge, %add3A_425, %ge3A_427 : vector<16xf32>
    %mul3A_429 = arith.constant 0.00999999977 : f32
    %mul3A_430 = vector.broadcast %mul3A_429 : f32 to vector<16xf32>
    %mul3A_431 = arith.mulf %mul3A_430, %add3A_425 : vector<16xf32>
    %select_n3A_432 = arith.select %ge3A_428, %add3A_425, %mul3A_431 : vector<16xi1>, vector<16xf32>
    %exp3A_433 = math.exp %select_n3A_432 : vector<16xf32>
    %swap3A_434 = arith.constant 80 : index
    %swap3A_435 = tpu.vector_load %arg9[%swap3A_434] {strides = array<i32>} : memref<1024xf32, #tpu.memory_space<vmem>>, vector<16xf32>,
    tpu.vector_store %arg9[%swap3A_434], %exp3A_433 {strides = array<i32>} : memref<1024xf32, #tpu.memory_space<vmem>>, vector<16xf32>,
    %get3A_436 = arith.constant 0 : i32
    %get3A_437 = arith.index_cast %get3A_436 : i32 to index
    %get3A_438 = arith.constant 96 : index
    %get3A_439 = tpu.vector_load %arg7[%get3A_437, %get3A_438] {strides = array<i32>} : memref<8x128xi32, #tpu.memory_space<vmem>>, vector<16xi32>,
    %gather3A_440 = tpu.vector_load_idx %arg10[%get3A_439] : memref<1024xf32, #tpu.memory_space<vmem>>[vector<16xi32>], vector<16xf32>,
    %get3A_441 = arith.constant 0 : i32
    %get3A_442 = arith.index_cast %get3A_441 : i32 to index
    %get3A_443 = arith.constant 96 : index
    %get3A_444 = tpu.vector_load %arg8[%get3A_442, %get3A_443] {strides = array<i32>} : memref<8x128xi32, #tpu.memory_space<vmem>>, vector<16xi32>,
    %gather3A_445 = tpu.vector_load_idx %arg11[%get3A_444] : memref<1024xf32, #tpu.memory_space<vmem>>[vector<16xi32>], vector<16xf32>,
    %add3A_446 = arith.addf %gather3A_440, %gather3A_445 : vector<16xf32>
    %ge3A_447 = arith.constant 0.000000e+00 : f32
    %ge3A_448 = vector.broadcast %ge3A_447 : f32 to vector<16xf32>
    %ge3A_449 = arith.cmpf oge, %add3A_446, %ge3A_448 : vector<16xf32>
    %mul3A_450 = arith.constant 0.00999999977 : f32
    %mul3A_451 = vector.broadcast %mul3A_450 : f32 to vector<16xf32>
    %mul3A_452 = arith.mulf %mul3A_451, %add3A_446 : vector<16xf32>
    %select_n3A_453 = arith.select %ge3A_449, %add3A_446, %mul3A_452 : vector<16xi1>, vector<16xf32>
    %exp3A_454 = math.exp %select_n3A_453 : vector<16xf32>
    %swap3A_455 = arith.constant 96 : index
    %swap3A_456 = tpu.vector_load %arg9[%swap3A_455] {strides = array<i32>} : memref<1024xf32, #tpu.memory_space<vmem>>, vector<16xf32>,
    tpu.vector_store %arg9[%swap3A_455], %exp3A_454 {strides = array<i32>} : memref<1024xf32, #tpu.memory_space<vmem>>, vector<16xf32>,
    %get3A_457 = arith.constant 0 : i32
    %get3A_458 = arith.index_cast %get3A_457 : i32 to index
    %get3A_459 = arith.constant 112 : index
    %get3A_460 = tpu.vector_load %arg7[%get3A_458, %get3A_459] {strides = array<i32>} : memref<8x128xi32, #tpu.memory_space<vmem>>, vector<16xi32>,
    %gather3A_461 = tpu.vector_load_idx %arg10[%get3A_460] : memref<1024xf32, #tpu.memory_space<vmem>>[vector<16xi32>], vector<16xf32>,
    %get3A_462 = arith.constant 0 : i32
    %get3A_463 = arith.index_cast %get3A_462 : i32 to index
    %get3A_464 = arith.constant 112 : index
    %get3A_465 = tpu.vector_load %arg8[%get3A_463, %get3A_464] {strides = array<i32>} : memref<8x128xi32, #tpu.memory_space<vmem>>, vector<16xi32>,
    %gather3A_466 = tpu.vector_load_idx %arg11[%get3A_465] : memref<1024xf32, #tpu.memory_space<vmem>>[vector<16xi32>], vector<16xf32>,
    %add3A_467 = arith.addf %gather3A_461, %gather3A_466 : vector<16xf32>
    %ge3A_468 = arith.constant 0.000000e+00 : f32
    %ge3A_469 = vector.broadcast %ge3A_468 : f32 to vector<16xf32>
    %ge3A_470 = arith.cmpf oge, %add3A_467, %ge3A_469 : vector<16xf32>
    %mul3A_471 = arith.constant 0.00999999977 : f32
    %mul3A_472 = vector.broadcast %mul3A_471 : f32 to vector<16xf32>
    %mul3A_473 = arith.mulf %mul3A_472, %add3A_467 : vector<16xf32>
    %select_n3A_474 = arith.select %ge3A_470, %add3A_467, %mul3A_473 : vector<16xi1>, vector<16xf32>
    %exp3A_475 = math.exp %select_n3A_474 : vector<16xf32>
    %swap3A_476 = arith.constant 112 : index
    %swap3A_477 = tpu.vector_load %arg9[%swap3A_476] {strides = array<i32>} : memref<1024xf32, #tpu.memory_space<vmem>>, vector<16xf32>,
    tpu.vector_store %arg9[%swap3A_476], %exp3A_475 {strides = array<i32>} : memref<1024xf32, #tpu.memory_space<vmem>>, vector<16xf32>,
    %dma_start3A_478 = arith.constant 0 : i32
    %dma_start3A_479 = arith.constant 0 : i32
    %dma_start3A_480 = tpu.memref_slice %arg9[%dma_start3A_479] : memref<1024xf32, #tpu.memory_space<vmem>> -> memref<128xf32, #tpu.memory_space<vmem>>
    %dma_start3A_481 = arith.constant 0 : i32
    %dma_start3A_482 = tpu.memref_slice %arg7[%dma_start3A_478, %dma_start3A_481] : memref<8x128xi32, #tpu.memory_space<vmem>> -> memref<1x128xi32, #tpu.memory_space<vmem>>
    %dma_start3A_483 = tpu.memref_squeeze %dma_start3A_482 : memref<1x128xi32, #tpu.memory_space<vmem>> -> memref<128xi32, #tpu.memory_space<vmem>>
    %dma_start3A_484 = arith.constant 0 : i32
    %dma_start3A_485 = tpu.memref_slice %arg13[%dma_start3A_484] : memref<1024xf32, #tpu.memory_space<vmem_shared>> -> memref<1024xf32, #tpu.memory_space<vmem_shared>>
    tpu.enqueue_indirect_dma source(%dma_start3A_480 : memref<128xf32, #tpu.memory_space<vmem>>) target(%dma_start3A_485 : memref<1024xf32, #tpu.memory_space<vmem_shared>>) offsets(%dma_start3A_483 : memref<128xi32, #tpu.memory_space<vmem>>) semaphore(%arg16 : memref<!tpu.dma_semaphore, #tpu.memory_space<semaphore_mem>>) {add = true}
    %get3A_486 = arith.constant 1 : i32
    %get3A_487 = arith.index_cast %get3A_486 : i32 to index
    %get3A_488 = arith.constant 0 : index
    %get3A_489 = tpu.vector_load %arg7[%get3A_487, %get3A_488] {strides = array<i32>} : memref<8x128xi32, #tpu.memory_space<vmem>>, vector<16xi32>,
    %gather3A_490 = tpu.vector_load_idx %arg10[%get3A_489] : memref<1024xf32, #tpu.memory_space<vmem>>[vector<16xi32>], vector<16xf32>,
    %get3A_491 = arith.constant 1 : i32
    %get3A_492 = arith.index_cast %get3A_491 : i32 to index
    %get3A_493 = arith.constant 0 : index
    %get3A_494 = tpu.vector_load %arg8[%get3A_492, %get3A_493] {strides = array<i32>} : memref<8x128xi32, #tpu.memory_space<vmem>>, vector<16xi32>,
    %gather3A_495 = tpu.vector_load_idx %arg11[%get3A_494] : memref<1024xf32, #tpu.memory_space<vmem>>[vector<16xi32>], vector<16xf32>,
    %add3A_496 = arith.addf %gather3A_490, %gather3A_495 : vector<16xf32>
    %ge3A_497 = arith.constant 0.000000e+00 : f32
    %ge3A_498 = vector.broadcast %ge3A_497 : f32 to vector<16xf32>
    %ge3A_499 = arith.cmpf oge, %add3A_496, %ge3A_498 : vector<16xf32>
    %mul3A_500 = arith.constant 0.00999999977 : f32
    %mul3A_501 = vector.broadcast %mul3A_500 : f32 to vector<16xf32>
    %mul3A_502 = arith.mulf %mul3A_501, %add3A_496 : vector<16xf32>
    %select_n3A_503 = arith.select %ge3A_499, %add3A_496, %mul3A_502 : vector<16xi1>, vector<16xf32>
    %exp3A_504 = math.exp %select_n3A_503 : vector<16xf32>
    %swap3A_505 = arith.constant 128 : index
    %swap3A_506 = tpu.vector_load %arg9[%swap3A_505] {strides = array<i32>} : memref<1024xf32, #tpu.memory_space<vmem>>, vector<16xf32>,
    tpu.vector_store %arg9[%swap3A_505], %exp3A_504 {strides = array<i32>} : memref<1024xf32, #tpu.memory_space<vmem>>, vector<16xf32>,
    %get3A_507 = arith.constant 1 : i32
    %get3A_508 = arith.index_cast %get3A_507 : i32 to index
    %get3A_509 = arith.constant 16 : index
    %get3A_510 = tpu.vector_load %arg7[%get3A_508, %get3A_509] {strides = array<i32>} : memref<8x128xi32, #tpu.memory_space<vmem>>, vector<16xi32>,
    %gather3A_511 = tpu.vector_load_idx %arg10[%get3A_510] : memref<1024xf32, #tpu.memory_space<vmem>>[vector<16xi32>], vector<16xf32>,
    %get3A_512 = arith.constant 1 : i32
    %get3A_513 = arith.index_cast %get3A_512 : i32 to index
    %get3A_514 = arith.constant 16 : index
    %get3A_515 = tpu.vector_load %arg8[%get3A_513, %get3A_514] {strides = array<i32>} : memref<8x128xi32, #tpu.memory_space<vmem>>, vector<16xi32>,
    %gather3A_516 = tpu.vector_load_idx %arg11[%get3A_515] : memref<1024xf32, #tpu.memory_space<vmem>>[vector<16xi32>], vector<16xf32>,
    %add3A_517 = arith.addf %gather3A_511, %gather3A_516 : vector<16xf32>
    %ge3A_518 = arith.constant 0.000000e+00 : f32
    %ge3A_519 = vector.broadcast %ge3A_518 : f32 to vector<16xf32>
    %ge3A_520 = arith.cmpf oge, %add3A_517, %ge3A_519 : vector<16xf32>
    %mul3A_521 = arith.constant 0.00999999977 : f32
    %mul3A_522 = vector.broadcast %mul3A_521 : f32 to vector<16xf32>
    %mul3A_523 = arith.mulf %mul3A_522, %add3A_517 : vector<16xf32>
    %select_n3A_524 = arith.select %ge3A_520, %add3A_517, %mul3A_523 : vector<16xi1>, vector<16xf32>
    %exp3A_525 = math.exp %select_n3A_524 : vector<16xf32>
    %swap3A_526 = arith.constant 144 : index
    %swap3A_527 = tpu.vector_load %arg9[%swap3A_526] {strides = array<i32>} : memref<1024xf32, #tpu.memory_space<vmem>>, vector<16xf32>,
    tpu.vector_store %arg9[%swap3A_526], %exp3A_525 {strides = array<i32>} : memref<1024xf32, #tpu.memory_space<vmem>>, vector<16xf32>,
    %get3A_528 = arith.constant 1 : i32
    %get3A_529 = arith.index_cast %get3A_528 : i32 to index
    %get3A_530 = arith.constant 32 : index
    %get3A_531 = tpu.vector_load %arg7[%get3A_529, %get3A_530] {strides = array<i32>} : memref<8x128xi32, #tpu.memory_space<vmem>>, vector<16xi32>,
    %gather3A_532 = tpu.vector_load_idx %arg10[%get3A_531] : memref<1024xf32, #tpu.memory_space<vmem>>[vector<16xi32>], vector<16xf32>,
    %get3A_533 = arith.constant 1 : i32
    %get3A_534 = arith.index_cast %get3A_533 : i32 to index
    %get3A_535 = arith.constant 32 : index
    %get3A_536 = tpu.vector_load %arg8[%get3A_534, %get3A_535] {strides = array<i32>} : memref<8x128xi32, #tpu.memory_space<vmem>>, vector<16xi32>,
    %gather3A_537 = tpu.vector_load_idx %arg11[%get3A_536] : memref<1024xf32, #tpu.memory_space<vmem>>[vector<16xi32>], vector<16xf32>,
    %add3A_538 = arith.addf %gather3A_532, %gather3A_537 : vector<16xf32>
    %ge3A_539 = arith.constant 0.000000e+00 : f32
    %ge3A_540 = vector.broadcast %ge3A_539 : f32 to vector<16xf32>
    %ge3A_541 = arith.cmpf oge, %add3A_538, %ge3A_540 : vector<16xf32>
    %mul3A_542 = arith.constant 0.00999999977 : f32
    %mul3A_543 = vector.broadcast %mul3A_542 : f32 to vector<16xf32>
    %mul3A_544 = arith.mulf %mul3A_543, %add3A_538 : vector<16xf32>
    %select_n3A_545 = arith.select %ge3A_541, %add3A_538, %mul3A_544 : vector<16xi1>, vector<16xf32>
    %exp3A_546 = math.exp %select_n3A_545 : vector<16xf32>
    %swap3A_547 = arith.constant 160 : index
    %swap3A_548 = tpu.vector_load %arg9[%swap3A_547] {strides = array<i32>} : memref<1024xf32, #tpu.memory_space<vmem>>, vector<16xf32>,
    tpu.vector_store %arg9[%swap3A_547], %exp3A_546 {strides = array<i32>} : memref<1024xf32, #tpu.memory_space<vmem>>, vector<16xf32>,
    %get3A_549 = arith.constant 1 : i32
    %get3A_550 = arith.index_cast %get3A_549 : i32 to index
    %get3A_551 = arith.constant 48 : index
    %get3A_552 = tpu.vector_load %arg7[%get3A_550, %get3A_551] {strides = array<i32>} : memref<8x128xi32, #tpu.memory_space<vmem>>, vector<16xi32>,
    %gather3A_553 = tpu.vector_load_idx %arg10[%get3A_552] : memref<1024xf32, #tpu.memory_space<vmem>>[vector<16xi32>], vector<16xf32>,
    %get3A_554 = arith.constant 1 : i32
    %get3A_555 = arith.index_cast %get3A_554 : i32 to index
    %get3A_556 = arith.constant 48 : index
    %get3A_557 = tpu.vector_load %arg8[%get3A_555, %get3A_556] {strides = array<i32>} : memref<8x128xi32, #tpu.memory_space<vmem>>, vector<16xi32>,
    %gather3A_558 = tpu.vector_load_idx %arg11[%get3A_557] : memref<1024xf32, #tpu.memory_space<vmem>>[vector<16xi32>], vector<16xf32>,
    %add3A_559 = arith.addf %gather3A_553, %gather3A_558 : vector<16xf32>
    %ge3A_560 = arith.constant 0.000000e+00 : f32
    %ge3A_561 = vector.broadcast %ge3A_560 : f32 to vector<16xf32>
    %ge3A_562 = arith.cmpf oge, %add3A_559, %ge3A_561 : vector<16xf32>
    %mul3A_563 = arith.constant 0.00999999977 : f32
    %mul3A_564 = vector.broadcast %mul3A_563 : f32 to vector<16xf32>
    %mul3A_565 = arith.mulf %mul3A_564, %add3A_559 : vector<16xf32>
    %select_n3A_566 = arith.select %ge3A_562, %add3A_559, %mul3A_565 : vector<16xi1>, vector<16xf32>
    %exp3A_567 = math.exp %select_n3A_566 : vector<16xf32>
    %swap3A_568 = arith.constant 176 : index
    %swap3A_569 = tpu.vector_load %arg9[%swap3A_568] {strides = array<i32>} : memref<1024xf32, #tpu.memory_space<vmem>>, vector<16xf32>,
    tpu.vector_store %arg9[%swap3A_568], %exp3A_567 {strides = array<i32>} : memref<1024xf32, #tpu.memory_space<vmem>>, vector<16xf32>,
    %get3A_570 = arith.constant 1 : i32
    %get3A_571 = arith.index_cast %get3A_570 : i32 to index
    %get3A_572 = arith.constant 64 : index
    %get3A_573 = tpu.vector_load %arg7[%get3A_571, %get3A_572] {strides = array<i32>} : memref<8x128xi32, #tpu.memory_space<vmem>>, vector<16xi32>,
    %gather3A_574 = tpu.vector_load_idx %arg10[%get3A_573] : memref<1024xf32, #tpu.memory_space<vmem>>[vector<16xi32>], vector<16xf32>,
    %get3A_575 = arith.constant 1 : i32
    %get3A_576 = arith.index_cast %get3A_575 : i32 to index
    %get3A_577 = arith.constant 64 : index
    %get3A_578 = tpu.vector_load %arg8[%get3A_576, %get3A_577] {strides = array<i32>} : memref<8x128xi32, #tpu.memory_space<vmem>>, vector<16xi32>,
    %gather3A_579 = tpu.vector_load_idx %arg11[%get3A_578] : memref<1024xf32, #tpu.memory_space<vmem>>[vector<16xi32>], vector<16xf32>,
    %add3A_580 = arith.addf %gather3A_574, %gather3A_579 : vector<16xf32>
    %ge3A_581 = arith.constant 0.000000e+00 : f32
    %ge3A_582 = vector.broadcast %ge3A_581 : f32 to vector<16xf32>
    %ge3A_583 = arith.cmpf oge, %add3A_580, %ge3A_582 : vector<16xf32>
    %mul3A_584 = arith.constant 0.00999999977 : f32
    %mul3A_585 = vector.broadcast %mul3A_584 : f32 to vector<16xf32>
    %mul3A_586 = arith.mulf %mul3A_585, %add3A_580 : vector<16xf32>
    %select_n3A_587 = arith.select %ge3A_583, %add3A_580, %mul3A_586 : vector<16xi1>, vector<16xf32>
    %exp3A_588 = math.exp %select_n3A_587 : vector<16xf32>
    %swap3A_589 = arith.constant 192 : index
    %swap3A_590 = tpu.vector_load %arg9[%swap3A_589] {strides = array<i32>} : memref<1024xf32, #tpu.memory_space<vmem>>, vector<16xf32>,
    tpu.vector_store %arg9[%swap3A_589], %exp3A_588 {strides = array<i32>} : memref<1024xf32, #tpu.memory_space<vmem>>, vector<16xf32>,
    %get3A_591 = arith.constant 1 : i32
    %get3A_592 = arith.index_cast %get3A_591 : i32 to index
    %get3A_593 = arith.constant 80 : index
    %get3A_594 = tpu.vector_load %arg7[%get3A_592, %get3A_593] {strides = array<i32>} : memref<8x128xi32, #tpu.memory_space<vmem>>, vector<16xi32>,
    %gather3A_595 = tpu.vector_load_idx %arg10[%get3A_594] : memref<1024xf32, #tpu.memory_space<vmem>>[vector<16xi32>], vector<16xf32>,
    %get3A_596 = arith.constant 1 : i32
    %get3A_597 = arith.index_cast %get3A_596 : i32 to index
    %get3A_598 = arith.constant 80 : index
    %get3A_599 = tpu.vector_load %arg8[%get3A_597, %get3A_598] {strides = array<i32>} : memref<8x128xi32, #tpu.memory_space<vmem>>, vector<16xi32>,
    %gather3A_600 = tpu.vector_load_idx %arg11[%get3A_599] : memref<1024xf32, #tpu.memory_space<vmem>>[vector<16xi32>], vector<16xf32>,
    %add3A_601 = arith.addf %gather3A_595, %gather3A_600 : vector<16xf32>
    %ge3A_602 = arith.constant 0.000000e+00 : f32
    %ge3A_603 = vector.broadcast %ge3A_602 : f32 to vector<16xf32>
    %ge3A_604 = arith.cmpf oge, %add3A_601, %ge3A_603 : vector<16xf32>
    %mul3A_605 = arith.constant 0.00999999977 : f32
    %mul3A_606 = vector.broadcast %mul3A_605 : f32 to vector<16xf32>
    %mul3A_607 = arith.mulf %mul3A_606, %add3A_601 : vector<16xf32>
    %select_n3A_608 = arith.select %ge3A_604, %add3A_601, %mul3A_607 : vector<16xi1>, vector<16xf32>
    %exp3A_609 = math.exp %select_n3A_608 : vector<16xf32>
    %swap3A_610 = arith.constant 208 : index
    %swap3A_611 = tpu.vector_load %arg9[%swap3A_610] {strides = array<i32>} : memref<1024xf32, #tpu.memory_space<vmem>>, vector<16xf32>,
    tpu.vector_store %arg9[%swap3A_610], %exp3A_609 {strides = array<i32>} : memref<1024xf32, #tpu.memory_space<vmem>>, vector<16xf32>,
    %get3A_612 = arith.constant 1 : i32
    %get3A_613 = arith.index_cast %get3A_612 : i32 to index
    %get3A_614 = arith.constant 96 : index
    %get3A_615 = tpu.vector_load %arg7[%get3A_613, %get3A_614] {strides = array<i32>} : memref<8x128xi32, #tpu.memory_space<vmem>>, vector<16xi32>,
    %gather3A_616 = tpu.vector_load_idx %arg10[%get3A_615] : memref<1024xf32, #tpu.memory_space<vmem>>[vector<16xi32>], vector<16xf32>,
    %get3A_617 = arith.constant 1 : i32
    %get3A_618 = arith.index_cast %get3A_617 : i32 to index
    %get3A_619 = arith.constant 96 : index
    %get3A_620 = tpu.vector_load %arg8[%get3A_618, %get3A_619] {strides = array<i32>} : memref<8x128xi32, #tpu.memory_space<vmem>>, vector<16xi32>,
    %gather3A_621 = tpu.vector_load_idx %arg11[%get3A_620] : memref<1024xf32, #tpu.memory_space<vmem>>[vector<16xi32>], vector<16xf32>,
    %add3A_622 = arith.addf %gather3A_616, %gather3A_621 : vector<16xf32>
    %ge3A_623 = arith.constant 0.000000e+00 : f32
    %ge3A_624 = vector.broadcast %ge3A_623 : f32 to vector<16xf32>
    %ge3A_625 = arith.cmpf oge, %add3A_622, %ge3A_624 : vector<16xf32>
    %mul3A_626 = arith.constant 0.00999999977 : f32
    %mul3A_627 = vector.broadcast %mul3A_626 : f32 to vector<16xf32>
    %mul3A_628 = arith.mulf %mul3A_627, %add3A_622 : vector<16xf32>
    %select_n3A_629 = arith.select %ge3A_625, %add3A_622, %mul3A_628 : vector<16xi1>, vector<16xf32>
    %exp3A_630 = math.exp %select_n3A_629 : vector<16xf32>
    %swap3A_631 = arith.constant 224 : index
    %swap3A_632 = tpu.vector_load %arg9[%swap3A_631] {strides = array<i32>} : memref<1024xf32, #tpu.memory_space<vmem>>, vector<16xf32>,
    tpu.vector_store %arg9[%swap3A_631], %exp3A_630 {strides = array<i32>} : memref<1024xf32, #tpu.memory_space<vmem>>, vector<16xf32>,
    %get3A_633 = arith.constant 1 : i32
    %get3A_634 = arith.index_cast %get3A_633 : i32 to index
    %get3A_635 = arith.constant 112 : index
    %get3A_636 = tpu.vector_load %arg7[%get3A_634, %get3A_635] {strides = array<i32>} : memref<8x128xi32, #tpu.memory_space<vmem>>, vector<16xi32>,
    %gather3A_637 = tpu.vector_load_idx %arg10[%get3A_636] : memref<1024xf32, #tpu.memory_space<vmem>>[vector<16xi32>], vector<16xf32>,
    %get3A_638 = arith.constant 1 : i32
    %get3A_639 = arith.index_cast %get3A_638 : i32 to index
    %get3A_640 = arith.constant 112 : index
    %get3A_641 = tpu.vector_load %arg8[%get3A_639, %get3A_640] {strides = array<i32>} : memref<8x128xi32, #tpu.memory_space<vmem>>, vector<16xi32>,
    %gather3A_642 = tpu.vector_load_idx %arg11[%get3A_641] : memref<1024xf32, #tpu.memory_space<vmem>>[vector<16xi32>], vector<16xf32>,
    %add3A_643 = arith.addf %gather3A_637, %gather3A_642 : vector<16xf32>
    %ge3A_644 = arith.constant 0.000000e+00 : f32
    %ge3A_645 = vector.broadcast %ge3A_644 : f32 to vector<16xf32>
    %ge3A_646 = arith.cmpf oge, %add3A_643, %ge3A_645 : vector<16xf32>
    %mul3A_647 = arith.constant 0.00999999977 : f32
    %mul3A_648 = vector.broadcast %mul3A_647 : f32 to vector<16xf32>
    %mul3A_649 = arith.mulf %mul3A_648, %add3A_643 : vector<16xf32>
    %select_n3A_650 = arith.select %ge3A_646, %add3A_643, %mul3A_649 : vector<16xi1>, vector<16xf32>
    %exp3A_651 = math.exp %select_n3A_650 : vector<16xf32>
    %swap3A_652 = arith.constant 240 : index
    %swap3A_653 = tpu.vector_load %arg9[%swap3A_652] {strides = array<i32>} : memref<1024xf32, #tpu.memory_space<vmem>>, vector<16xf32>,
    tpu.vector_store %arg9[%swap3A_652], %exp3A_651 {strides = array<i32>} : memref<1024xf32, #tpu.memory_space<vmem>>, vector<16xf32>,
    %dma_start3A_654 = arith.constant 1 : i32
    %dma_start3A_655 = arith.constant 128 : i32
    %dma_start3A_656 = tpu.memref_slice %arg9[%dma_start3A_655] : memref<1024xf32, #tpu.memory_space<vmem>> -> memref<128xf32, #tpu.memory_space<vmem>>
    %dma_start3A_657 = arith.constant 0 : i32
    %dma_start3A_658 = tpu.memref_slice %arg7[%dma_start3A_654, %dma_start3A_657] : memref<8x128xi32, #tpu.memory_space<vmem>> -> memref<1x128xi32, #tpu.memory_space<vmem>>
    %dma_start3A_659 = tpu.memref_squeeze %dma_start3A_658 : memref<1x128xi32, #tpu.memory_space<vmem>> -> memref<128xi32, #tpu.memory_space<vmem>>
    %dma_start3A_660 = arith.constant 0 : i32
    %dma_start3A_661 = tpu.memref_slice %arg13[%dma_start3A_660] : memref<1024xf32, #tpu.memory_space<vmem_shared>> -> memref<1024xf32, #tpu.memory_space<vmem_shared>>
    tpu.enqueue_indirect_dma source(%dma_start3A_656 : memref<128xf32, #tpu.memory_space<vmem>>) target(%dma_start3A_661 : memref<1024xf32, #tpu.memory_space<vmem_shared>>) offsets(%dma_start3A_659 : memref<128xi32, #tpu.memory_space<vmem>>) semaphore(%arg16 : memref<!tpu.dma_semaphore, #tpu.memory_space<semaphore_mem>>) {add = true}
    %get3A_662 = arith.constant 2 : i32
    %get3A_663 = arith.index_cast %get3A_662 : i32 to index
    %get3A_664 = arith.constant 0 : index
    %get3A_665 = tpu.vector_load %arg7[%get3A_663, %get3A_664] {strides = array<i32>} : memref<8x128xi32, #tpu.memory_space<vmem>>, vector<16xi32>,
    %gather3A_666 = tpu.vector_load_idx %arg10[%get3A_665] : memref<1024xf32, #tpu.memory_space<vmem>>[vector<16xi32>], vector<16xf32>,
    %get3A_667 = arith.constant 2 : i32
    %get3A_668 = arith.index_cast %get3A_667 : i32 to index
    %get3A_669 = arith.constant 0 : index
    %get3A_670 = tpu.vector_load %arg8[%get3A_668, %get3A_669] {strides = array<i32>} : memref<8x128xi32, #tpu.memory_space<vmem>>, vector<16xi32>,
    %gather3A_671 = tpu.vector_load_idx %arg11[%get3A_670] : memref<1024xf32, #tpu.memory_space<vmem>>[vector<16xi32>], vector<16xf32>,
    %add3A_672 = arith.addf %gather3A_666, %gather3A_671 : vector<16xf32>
    %ge3A_673 = arith.constant 0.000000e+00 : f32
    %ge3A_674 = vector.broadcast %ge3A_673 : f32 to vector<16xf32>
    %ge3A_675 = arith.cmpf oge, %add3A_672, %ge3A_674 : vector<16xf32>
    %mul3A_676 = arith.constant 0.00999999977 : f32
    %mul3A_677 = vector.broadcast %mul3A_676 : f32 to vector<16xf32>
    %mul3A_678 = arith.mulf %mul3A_677, %add3A_672 : vector<16xf32>
    %select_n3A_679 = arith.select %ge3A_675, %add3A_672, %mul3A_678 : vector<16xi1>, vector<16xf32>
    %exp3A_680 = math.exp %select_n3A_679 : vector<16xf32>
    %swap3A_681 = arith.constant 256 : index
    %swap3A_682 = tpu.vector_load %arg9[%swap3A_681] {strides = array<i32>} : memref<1024xf32, #tpu.memory_space<vmem>>, vector<16xf32>,
    tpu.vector_store %arg9[%swap3A_681], %exp3A_680 {strides = array<i32>} : memref<1024xf32, #tpu.memory_space<vmem>>, vector<16xf32>,
    %get3A_683 = arith.constant 2 : i32
    %get3A_684 = arith.index_cast %get3A_683 : i32 to index
    %get3A_685 = arith.constant 16 : index
    %get3A_686 = tpu.vector_load %arg7[%get3A_684, %get3A_685] {strides = array<i32>} : memref<8x128xi32, #tpu.memory_space<vmem>>, vector<16xi32>,
    %gather3A_687 = tpu.vector_load_idx %arg10[%get3A_686] : memref<1024xf32, #tpu.memory_space<vmem>>[vector<16xi32>], vector<16xf32>,
    %get3A_688 = arith.constant 2 : i32
    %get3A_689 = arith.index_cast %get3A_688 : i32 to index
    %get3A_690 = arith.constant 16 : index
    %get3A_691 = tpu.vector_load %arg8[%get3A_689, %get3A_690] {strides = array<i32>} : memref<8x128xi32, #tpu.memory_space<vmem>>, vector<16xi32>,
    %gather3A_692 = tpu.vector_load_idx %arg11[%get3A_691] : memref<1024xf32, #tpu.memory_space<vmem>>[vector<16xi32>], vector<16xf32>,
    %add3A_693 = arith.addf %gather3A_687, %gather3A_692 : vector<16xf32>
    %ge3A_694 = arith.constant 0.000000e+00 : f32
    %ge3A_695 = vector.broadcast %ge3A_694 : f32 to vector<16xf32>
    %ge3A_696 = arith.cmpf oge, %add3A_693, %ge3A_695 : vector<16xf32>
    %mul3A_697 = arith.constant 0.00999999977 : f32
    %mul3A_698 = vector.broadcast %mul3A_697 : f32 to vector<16xf32>
    %mul3A_699 = arith.mulf %mul3A_698, %add3A_693 : vector<16xf32>
    %select_n3A_700 = arith.select %ge3A_696, %add3A_693, %mul3A_699 : vector<16xi1>, vector<16xf32>
    %exp3A_701 = math.exp %select_n3A_700 : vector<16xf32>
    %swap3A_702 = arith.constant 272 : index
    %swap3A_703 = tpu.vector_load %arg9[%swap3A_702] {strides = array<i32>} : memref<1024xf32, #tpu.memory_space<vmem>>, vector<16xf32>,
    tpu.vector_store %arg9[%swap3A_702], %exp3A_701 {strides = array<i32>} : memref<1024xf32, #tpu.memory_space<vmem>>, vector<16xf32>,
    %get3A_704 = arith.constant 2 : i32
    %get3A_705 = arith.index_cast %get3A_704 : i32 to index
    %get3A_706 = arith.constant 32 : index
    %get3A_707 = tpu.vector_load %arg7[%get3A_705, %get3A_706] {strides = array<i32>} : memref<8x128xi32, #tpu.memory_space<vmem>>, vector<16xi32>,
    %gather3A_708 = tpu.vector_load_idx %arg10[%get3A_707] : memref<1024xf32, #tpu.memory_space<vmem>>[vector<16xi32>], vector<16xf32>,
    %get3A_709 = arith.constant 2 : i32
    %get3A_710 = arith.index_cast %get3A_709 : i32 to index
    %get3A_711 = arith.constant 32 : index
    %get3A_712 = tpu.vector_load %arg8[%get3A_710, %get3A_711] {strides = array<i32>} : memref<8x128xi32, #tpu.memory_space<vmem>>, vector<16xi32>,
    %gather3A_713 = tpu.vector_load_idx %arg11[%get3A_712] : memref<1024xf32, #tpu.memory_space<vmem>>[vector<16xi32>], vector<16xf32>,
    %add3A_714 = arith.addf %gather3A_708, %gather3A_713 : vector<16xf32>
    %ge3A_715 = arith.constant 0.000000e+00 : f32
    %ge3A_716 = vector.broadcast %ge3A_715 : f32 to vector<16xf32>
    %ge3A_717 = arith.cmpf oge, %add3A_714, %ge3A_716 : vector<16xf32>
    %mul3A_718 = arith.constant 0.00999999977 : f32
    %mul3A_719 = vector.broadcast %mul3A_718 : f32 to vector<16xf32>
    %mul3A_720 = arith.mulf %mul3A_719, %add3A_714 : vector<16xf32>
    %select_n3A_721 = arith.select %ge3A_717, %add3A_714, %mul3A_720 : vector<16xi1>, vector<16xf32>
    %exp3A_722 = math.exp %select_n3A_721 : vector<16xf32>
    %swap3A_723 = arith.constant 288 : index
    %swap3A_724 = tpu.vector_load %arg9[%swap3A_723] {strides = array<i32>} : memref<1024xf32, #tpu.memory_space<vmem>>, vector<16xf32>,
    tpu.vector_store %arg9[%swap3A_723], %exp3A_722 {strides = array<i32>} : memref<1024xf32, #tpu.memory_space<vmem>>, vector<16xf32>,
    %get3A_725 = arith.constant 2 : i32
    %get3A_726 = arith.index_cast %get3A_725 : i32 to index
    %get3A_727 = arith.constant 48 : index
    %get3A_728 = tpu.vector_load %arg7[%get3A_726, %get3A_727] {strides = array<i32>} : memref<8x128xi32, #tpu.memory_space<vmem>>, vector<16xi32>,
    %gather3A_729 = tpu.vector_load_idx %arg10[%get3A_728] : memref<1024xf32, #tpu.memory_space<vmem>>[vector<16xi32>], vector<16xf32>,
    %get3A_730 = arith.constant 2 : i32
    %get3A_731 = arith.index_cast %get3A_730 : i32 to index
    %get3A_732 = arith.constant 48 : index
    %get3A_733 = tpu.vector_load %arg8[%get3A_731, %get3A_732] {strides = array<i32>} : memref<8x128xi32, #tpu.memory_space<vmem>>, vector<16xi32>,
    %gather3A_734 = tpu.vector_load_idx %arg11[%get3A_733] : memref<1024xf32, #tpu.memory_space<vmem>>[vector<16xi32>], vector<16xf32>,
    %add3A_735 = arith.addf %gather3A_729, %gather3A_734 : vector<16xf32>
    %ge3A_736 = arith.constant 0.000000e+00 : f32
    %ge3A_737 = vector.broadcast %ge3A_736 : f32 to vector<16xf32>
    %ge3A_738 = arith.cmpf oge, %add3A_735, %ge3A_737 : vector<16xf32>
    %mul3A_739 = arith.constant 0.00999999977 : f32
    %mul3A_740 = vector.broadcast %mul3A_739 : f32 to vector<16xf32>
    %mul3A_741 = arith.mulf %mul3A_740, %add3A_735 : vector<16xf32>
    %select_n3A_742 = arith.select %ge3A_738, %add3A_735, %mul3A_741 : vector<16xi1>, vector<16xf32>
    %exp3A_743 = math.exp %select_n3A_742 : vector<16xf32>
    %swap3A_744 = arith.constant 304 : index
    %swap3A_745 = tpu.vector_load %arg9[%swap3A_744] {strides = array<i32>} : memref<1024xf32, #tpu.memory_space<vmem>>, vector<16xf32>,
    tpu.vector_store %arg9[%swap3A_744], %exp3A_743 {strides = array<i32>} : memref<1024xf32, #tpu.memory_space<vmem>>, vector<16xf32>,
    %get3A_746 = arith.constant 2 : i32
    %get3A_747 = arith.index_cast %get3A_746 : i32 to index
    %get3A_748 = arith.constant 64 : index
    %get3A_749 = tpu.vector_load %arg7[%get3A_747, %get3A_748] {strides = array<i32>} : memref<8x128xi32, #tpu.memory_space<vmem>>, vector<16xi32>,
    %gather3A_750 = tpu.vector_load_idx %arg10[%get3A_749] : memref<1024xf32, #tpu.memory_space<vmem>>[vector<16xi32>], vector<16xf32>,
    %get3A_751 = arith.constant 2 : i32
    %get3A_752 = arith.index_cast %get3A_751 : i32 to index
    %get3A_753 = arith.constant 64 : index
    %get3A_754 = tpu.vector_load %arg8[%get3A_752, %get3A_753] {strides = array<i32>} : memref<8x128xi32, #tpu.memory_space<vmem>>, vector<16xi32>,
    %gather3A_755 = tpu.vector_load_idx %arg11[%get3A_754] : memref<1024xf32, #tpu.memory_space<vmem>>[vector<16xi32>], vector<16xf32>,
    %add3A_756 = arith.addf %gather3A_750, %gather3A_755 : vector<16xf32>
    %ge3A_757 = arith.constant 0.000000e+00 : f32
    %ge3A_758 = vector.broadcast %ge3A_757 : f32 to vector<16xf32>
    %ge3A_759 = arith.cmpf oge, %add3A_756, %ge3A_758 : vector<16xf32>
    %mul3A_760 = arith.constant 0.00999999977 : f32
    %mul3A_761 = vector.broadcast %mul3A_760 : f32 to vector<16xf32>
    %mul3A_762 = arith.mulf %mul3A_761, %add3A_756 : vector<16xf32>
    %select_n3A_763 = arith.select %ge3A_759, %add3A_756, %mul3A_762 : vector<16xi1>, vector<16xf32>
    %exp3A_764 = math.exp %select_n3A_763 : vector<16xf32>
    %swap3A_765 = arith.constant 320 : index
    %swap3A_766 = tpu.vector_load %arg9[%swap3A_765] {strides = array<i32>} : memref<1024xf32, #tpu.memory_space<vmem>>, vector<16xf32>,
    tpu.vector_store %arg9[%swap3A_765], %exp3A_764 {strides = array<i32>} : memref<1024xf32, #tpu.memory_space<vmem>>, vector<16xf32>,
    %get3A_767 = arith.constant 2 : i32
    %get3A_768 = arith.index_cast %get3A_767 : i32 to index
    %get3A_769 = arith.constant 80 : index
    %get3A_770 = tpu.vector_load %arg7[%get3A_768, %get3A_769] {strides = array<i32>} : memref<8x128xi32, #tpu.memory_space<vmem>>, vector<16xi32>,
    %gather3A_771 = tpu.vector_load_idx %arg10[%get3A_770] : memref<1024xf32, #tpu.memory_space<vmem>>[vector<16xi32>], vector<16xf32>,
    %get3A_772 = arith.constant 2 : i32
    %get3A_773 = arith.index_cast %get3A_772 : i32 to index
    %get3A_774 = arith.constant 80 : index
    %get3A_775 = tpu.vector_load %arg8[%get3A_773, %get3A_774] {strides = array<i32>} : memref<8x128xi32, #tpu.memory_space<vmem>>, vector<16xi32>,
    %gather3A_776 = tpu.vector_load_idx %arg11[%get3A_775] : memref<1024xf32, #tpu.memory_space<vmem>>[vector<16xi32>], vector<16xf32>,
    %add3A_777 = arith.addf %gather3A_771, %gather3A_776 : vector<16xf32>
    %ge3A_778 = arith.constant 0.000000e+00 : f32
    %ge3A_779 = vector.broadcast %ge3A_778 : f32 to vector<16xf32>
    %ge3A_780 = arith.cmpf oge, %add3A_777, %ge3A_779 : vector<16xf32>
    %mul3A_781 = arith.constant 0.00999999977 : f32
    %mul3A_782 = vector.broadcast %mul3A_781 : f32 to vector<16xf32>
    %mul3A_783 = arith.mulf %mul3A_782, %add3A_777 : vector<16xf32>
    %select_n3A_784 = arith.select %ge3A_780, %add3A_777, %mul3A_783 : vector<16xi1>, vector<16xf32>
    %exp3A_785 = math.exp %select_n3A_784 : vector<16xf32>
    %swap3A_786 = arith.constant 336 : index
    %swap3A_787 = tpu.vector_load %arg9[%swap3A_786] {strides = array<i32>} : memref<1024xf32, #tpu.memory_space<vmem>>, vector<16xf32>,
    tpu.vector_store %arg9[%swap3A_786], %exp3A_785 {strides = array<i32>} : memref<1024xf32, #tpu.memory_space<vmem>>, vector<16xf32>,
    %get3A_788 = arith.constant 2 : i32
    %get3A_789 = arith.index_cast %get3A_788 : i32 to index
    %get3A_790 = arith.constant 96 : index
    %get3A_791 = tpu.vector_load %arg7[%get3A_789, %get3A_790] {strides = array<i32>} : memref<8x128xi32, #tpu.memory_space<vmem>>, vector<16xi32>,
    %gather3A_792 = tpu.vector_load_idx %arg10[%get3A_791] : memref<1024xf32, #tpu.memory_space<vmem>>[vector<16xi32>], vector<16xf32>,
    %get3A_793 = arith.constant 2 : i32
    %get3A_794 = arith.index_cast %get3A_793 : i32 to index
    %get3A_795 = arith.constant 96 : index
    %get3A_796 = tpu.vector_load %arg8[%get3A_794, %get3A_795] {strides = array<i32>} : memref<8x128xi32, #tpu.memory_space<vmem>>, vector<16xi32>,
    %gather3A_797 = tpu.vector_load_idx %arg11[%get3A_796] : memref<1024xf32, #tpu.memory_space<vmem>>[vector<16xi32>], vector<16xf32>,
    %add3A_798 = arith.addf %gather3A_792, %gather3A_797 : vector<16xf32>
    %ge3A_799 = arith.constant 0.000000e+00 : f32
    %ge3A_800 = vector.broadcast %ge3A_799 : f32 to vector<16xf32>
    %ge3A_801 = arith.cmpf oge, %add3A_798, %ge3A_800 : vector<16xf32>
    %mul3A_802 = arith.constant 0.00999999977 : f32
    %mul3A_803 = vector.broadcast %mul3A_802 : f32 to vector<16xf32>
    %mul3A_804 = arith.mulf %mul3A_803, %add3A_798 : vector<16xf32>
    %select_n3A_805 = arith.select %ge3A_801, %add3A_798, %mul3A_804 : vector<16xi1>, vector<16xf32>
    %exp3A_806 = math.exp %select_n3A_805 : vector<16xf32>
    %swap3A_807 = arith.constant 352 : index
    %swap3A_808 = tpu.vector_load %arg9[%swap3A_807] {strides = array<i32>} : memref<1024xf32, #tpu.memory_space<vmem>>, vector<16xf32>,
    tpu.vector_store %arg9[%swap3A_807], %exp3A_806 {strides = array<i32>} : memref<1024xf32, #tpu.memory_space<vmem>>, vector<16xf32>,
    %get3A_809 = arith.constant 2 : i32
    %get3A_810 = arith.index_cast %get3A_809 : i32 to index
    %get3A_811 = arith.constant 112 : index
    %get3A_812 = tpu.vector_load %arg7[%get3A_810, %get3A_811] {strides = array<i32>} : memref<8x128xi32, #tpu.memory_space<vmem>>, vector<16xi32>,
    %gather3A_813 = tpu.vector_load_idx %arg10[%get3A_812] : memref<1024xf32, #tpu.memory_space<vmem>>[vector<16xi32>], vector<16xf32>,
    %get3A_814 = arith.constant 2 : i32
    %get3A_815 = arith.index_cast %get3A_814 : i32 to index
    %get3A_816 = arith.constant 112 : index
    %get3A_817 = tpu.vector_load %arg8[%get3A_815, %get3A_816] {strides = array<i32>} : memref<8x128xi32, #tpu.memory_space<vmem>>, vector<16xi32>,
    %gather3A_818 = tpu.vector_load_idx %arg11[%get3A_817] : memref<1024xf32, #tpu.memory_space<vmem>>[vector<16xi32>], vector<16xf32>,
    %add3A_819 = arith.addf %gather3A_813, %gather3A_818 : vector<16xf32>
    %ge3A_820 = arith.constant 0.000000e+00 : f32
    %ge3A_821 = vector.broadcast %ge3A_820 : f32 to vector<16xf32>
    %ge3A_822 = arith.cmpf oge, %add3A_819, %ge3A_821 : vector<16xf32>
    %mul3A_823 = arith.constant 0.00999999977 : f32
    %mul3A_824 = vector.broadcast %mul3A_823 : f32 to vector<16xf32>
    %mul3A_825 = arith.mulf %mul3A_824, %add3A_819 : vector<16xf32>
    %select_n3A_826 = arith.select %ge3A_822, %add3A_819, %mul3A_825 : vector<16xi1>, vector<16xf32>
    %exp3A_827 = math.exp %select_n3A_826 : vector<16xf32>
    %swap3A_828 = arith.constant 368 : index
    %swap3A_829 = tpu.vector_load %arg9[%swap3A_828] {strides = array<i32>} : memref<1024xf32, #tpu.memory_space<vmem>>, vector<16xf32>,
    tpu.vector_store %arg9[%swap3A_828], %exp3A_827 {strides = array<i32>} : memref<1024xf32, #tpu.memory_space<vmem>>, vector<16xf32>,
    %dma_start3A_830 = arith.constant 2 : i32
    %dma_start3A_831 = arith.constant 256 : i32
    %dma_start3A_832 = tpu.memref_slice %arg9[%dma_start3A_831] : memref<1024xf32, #tpu.memory_space<vmem>> -> memref<128xf32, #tpu.memory_space<vmem>>
    %dma_start3A_833 = arith.constant 0 : i32
    %dma_start3A_834 = tpu.memref_slice %arg7[%dma_start3A_830, %dma_start3A_833] : memref<8x128xi32, #tpu.memory_space<vmem>> -> memref<1x128xi32, #tpu.memory_space<vmem>>
    %dma_start3A_835 = tpu.memref_squeeze %dma_start3A_834 : memref<1x128xi32, #tpu.memory_space<vmem>> -> memref<128xi32, #tpu.memory_space<vmem>>
    %dma_start3A_836 = arith.constant 0 : i32
    %dma_start3A_837 = tpu.memref_slice %arg13[%dma_start3A_836] : memref<1024xf32, #tpu.memory_space<vmem_shared>> -> memref<1024xf32, #tpu.memory_space<vmem_shared>>
    tpu.enqueue_indirect_dma source(%dma_start3A_832 : memref<128xf32, #tpu.memory_space<vmem>>) target(%dma_start3A_837 : memref<1024xf32, #tpu.memory_space<vmem_shared>>) offsets(%dma_start3A_835 : memref<128xi32, #tpu.memory_space<vmem>>) semaphore(%arg16 : memref<!tpu.dma_semaphore, #tpu.memory_space<semaphore_mem>>) {add = true}
    %get3A_838 = arith.constant 3 : i32
    %get3A_839 = arith.index_cast %get3A_838 : i32 to index
    %get3A_840 = arith.constant 0 : index
    %get3A_841 = tpu.vector_load %arg7[%get3A_839, %get3A_840] {strides = array<i32>} : memref<8x128xi32, #tpu.memory_space<vmem>>, vector<16xi32>,
    %gather3A_842 = tpu.vector_load_idx %arg10[%get3A_841] : memref<1024xf32, #tpu.memory_space<vmem>>[vector<16xi32>], vector<16xf32>,
    %get3A_843 = arith.constant 3 : i32
    %get3A_844 = arith.index_cast %get3A_843 : i32 to index
    %get3A_845 = arith.constant 0 : index
    %get3A_846 = tpu.vector_load %arg8[%get3A_844, %get3A_845] {strides = array<i32>} : memref<8x128xi32, #tpu.memory_space<vmem>>, vector<16xi32>,
    %gather3A_847 = tpu.vector_load_idx %arg11[%get3A_846] : memref<1024xf32, #tpu.memory_space<vmem>>[vector<16xi32>], vector<16xf32>,
    %add3A_848 = arith.addf %gather3A_842, %gather3A_847 : vector<16xf32>
    %ge3A_849 = arith.constant 0.000000e+00 : f32
    %ge3A_850 = vector.broadcast %ge3A_849 : f32 to vector<16xf32>
    %ge3A_851 = arith.cmpf oge, %add3A_848, %ge3A_850 : vector<16xf32>
    %mul3A_852 = arith.constant 0.00999999977 : f32
    %mul3A_853 = vector.broadcast %mul3A_852 : f32 to vector<16xf32>
    %mul3A_854 = arith.mulf %mul3A_853, %add3A_848 : vector<16xf32>
    %select_n3A_855 = arith.select %ge3A_851, %add3A_848, %mul3A_854 : vector<16xi1>, vector<16xf32>
    %exp3A_856 = math.exp %select_n3A_855 : vector<16xf32>
    %swap3A_857 = arith.constant 384 : index
    %swap3A_858 = tpu.vector_load %arg9[%swap3A_857] {strides = array<i32>} : memref<1024xf32, #tpu.memory_space<vmem>>, vector<16xf32>,
    tpu.vector_store %arg9[%swap3A_857], %exp3A_856 {strides = array<i32>} : memref<1024xf32, #tpu.memory_space<vmem>>, vector<16xf32>,
    %get3A_859 = arith.constant 3 : i32
    %get3A_860 = arith.index_cast %get3A_859 : i32 to index
    %get3A_861 = arith.constant 16 : index
    %get3A_862 = tpu.vector_load %arg7[%get3A_860, %get3A_861] {strides = array<i32>} : memref<8x128xi32, #tpu.memory_space<vmem>>, vector<16xi32>,
    %gather3A_863 = tpu.vector_load_idx %arg10[%get3A_862] : memref<1024xf32, #tpu.memory_space<vmem>>[vector<16xi32>], vector<16xf32>,
    %get3A_864 = arith.constant 3 : i32
    %get3A_865 = arith.index_cast %get3A_864 : i32 to index
    %get3A_866 = arith.constant 16 : index
    %get3A_867 = tpu.vector_load %arg8[%get3A_865, %get3A_866] {strides = array<i32>} : memref<8x128xi32, #tpu.memory_space<vmem>>, vector<16xi32>,
    %gather3A_868 = tpu.vector_load_idx %arg11[%get3A_867] : memref<1024xf32, #tpu.memory_space<vmem>>[vector<16xi32>], vector<16xf32>,
    %add3A_869 = arith.addf %gather3A_863, %gather3A_868 : vector<16xf32>
    %ge3A_870 = arith.constant 0.000000e+00 : f32
    %ge3A_871 = vector.broadcast %ge3A_870 : f32 to vector<16xf32>
    %ge3A_872 = arith.cmpf oge, %add3A_869, %ge3A_871 : vector<16xf32>
    %mul3A_873 = arith.constant 0.00999999977 : f32
    %mul3A_874 = vector.broadcast %mul3A_873 : f32 to vector<16xf32>
    %mul3A_875 = arith.mulf %mul3A_874, %add3A_869 : vector<16xf32>
    %select_n3A_876 = arith.select %ge3A_872, %add3A_869, %mul3A_875 : vector<16xi1>, vector<16xf32>
    %exp3A_877 = math.exp %select_n3A_876 : vector<16xf32>
    %swap3A_878 = arith.constant 400 : index
    %swap3A_879 = tpu.vector_load %arg9[%swap3A_878] {strides = array<i32>} : memref<1024xf32, #tpu.memory_space<vmem>>, vector<16xf32>,
    tpu.vector_store %arg9[%swap3A_878], %exp3A_877 {strides = array<i32>} : memref<1024xf32, #tpu.memory_space<vmem>>, vector<16xf32>,
    %get3A_880 = arith.constant 3 : i32
    %get3A_881 = arith.index_cast %get3A_880 : i32 to index
    %get3A_882 = arith.constant 32 : index
    %get3A_883 = tpu.vector_load %arg7[%get3A_881, %get3A_882] {strides = array<i32>} : memref<8x128xi32, #tpu.memory_space<vmem>>, vector<16xi32>,
    %gather3A_884 = tpu.vector_load_idx %arg10[%get3A_883] : memref<1024xf32, #tpu.memory_space<vmem>>[vector<16xi32>], vector<16xf32>,
    %get3A_885 = arith.constant 3 : i32
    %get3A_886 = arith.index_cast %get3A_885 : i32 to index
    %get3A_887 = arith.constant 32 : index
    %get3A_888 = tpu.vector_load %arg8[%get3A_886, %get3A_887] {strides = array<i32>} : memref<8x128xi32, #tpu.memory_space<vmem>>, vector<16xi32>,
    %gather3A_889 = tpu.vector_load_idx %arg11[%get3A_888] : memref<1024xf32, #tpu.memory_space<vmem>>[vector<16xi32>], vector<16xf32>,
    %add3A_890 = arith.addf %gather3A_884, %gather3A_889 : vector<16xf32>
    %ge3A_891 = arith.constant 0.000000e+00 : f32
    %ge3A_892 = vector.broadcast %ge3A_891 : f32 to vector<16xf32>
    %ge3A_893 = arith.cmpf oge, %add3A_890, %ge3A_892 : vector<16xf32>
    %mul3A_894 = arith.constant 0.00999999977 : f32
    %mul3A_895 = vector.broadcast %mul3A_894 : f32 to vector<16xf32>
    %mul3A_896 = arith.mulf %mul3A_895, %add3A_890 : vector<16xf32>
    %select_n3A_897 = arith.select %ge3A_893, %add3A_890, %mul3A_896 : vector<16xi1>, vector<16xf32>
    %exp3A_898 = math.exp %select_n3A_897 : vector<16xf32>
    %swap3A_899 = arith.constant 416 : index
    %swap3A_900 = tpu.vector_load %arg9[%swap3A_899] {strides = array<i32>} : memref<1024xf32, #tpu.memory_space<vmem>>, vector<16xf32>,
    tpu.vector_store %arg9[%swap3A_899], %exp3A_898 {strides = array<i32>} : memref<1024xf32, #tpu.memory_space<vmem>>, vector<16xf32>,
    %get3A_901 = arith.constant 3 : i32
    %get3A_902 = arith.index_cast %get3A_901 : i32 to index
    %get3A_903 = arith.constant 48 : index
    %get3A_904 = tpu.vector_load %arg7[%get3A_902, %get3A_903] {strides = array<i32>} : memref<8x128xi32, #tpu.memory_space<vmem>>, vector<16xi32>,
    %gather3A_905 = tpu.vector_load_idx %arg10[%get3A_904] : memref<1024xf32, #tpu.memory_space<vmem>>[vector<16xi32>], vector<16xf32>,
    %get3A_906 = arith.constant 3 : i32
    %get3A_907 = arith.index_cast %get3A_906 : i32 to index
    %get3A_908 = arith.constant 48 : index
    %get3A_909 = tpu.vector_load %arg8[%get3A_907, %get3A_908] {strides = array<i32>} : memref<8x128xi32, #tpu.memory_space<vmem>>, vector<16xi32>,
    %gather3A_910 = tpu.vector_load_idx %arg11[%get3A_909] : memref<1024xf32, #tpu.memory_space<vmem>>[vector<16xi32>], vector<16xf32>,
    %add3A_911 = arith.addf %gather3A_905, %gather3A_910 : vector<16xf32>
    %ge3A_912 = arith.constant 0.000000e+00 : f32
    %ge3A_913 = vector.broadcast %ge3A_912 : f32 to vector<16xf32>
    %ge3A_914 = arith.cmpf oge, %add3A_911, %ge3A_913 : vector<16xf32>
    %mul3A_915 = arith.constant 0.00999999977 : f32
    %mul3A_916 = vector.broadcast %mul3A_915 : f32 to vector<16xf32>
    %mul3A_917 = arith.mulf %mul3A_916, %add3A_911 : vector<16xf32>
    %select_n3A_918 = arith.select %ge3A_914, %add3A_911, %mul3A_917 : vector<16xi1>, vector<16xf32>
    %exp3A_919 = math.exp %select_n3A_918 : vector<16xf32>
    %swap3A_920 = arith.constant 432 : index
    %swap3A_921 = tpu.vector_load %arg9[%swap3A_920] {strides = array<i32>} : memref<1024xf32, #tpu.memory_space<vmem>>, vector<16xf32>,
    tpu.vector_store %arg9[%swap3A_920], %exp3A_919 {strides = array<i32>} : memref<1024xf32, #tpu.memory_space<vmem>>, vector<16xf32>,
    %get3A_922 = arith.constant 3 : i32
    %get3A_923 = arith.index_cast %get3A_922 : i32 to index
    %get3A_924 = arith.constant 64 : index
    %get3A_925 = tpu.vector_load %arg7[%get3A_923, %get3A_924] {strides = array<i32>} : memref<8x128xi32, #tpu.memory_space<vmem>>, vector<16xi32>,
    %gather3A_926 = tpu.vector_load_idx %arg10[%get3A_925] : memref<1024xf32, #tpu.memory_space<vmem>>[vector<16xi32>], vector<16xf32>,
    %get3A_927 = arith.constant 3 : i32
    %get3A_928 = arith.index_cast %get3A_927 : i32 to index
    %get3A_929 = arith.constant 64 : index
    %get3A_930 = tpu.vector_load %arg8[%get3A_928, %get3A_929] {strides = array<i32>} : memref<8x128xi32, #tpu.memory_space<vmem>>, vector<16xi32>,
    %gather3A_931 = tpu.vector_load_idx %arg11[%get3A_930] : memref<1024xf32, #tpu.memory_space<vmem>>[vector<16xi32>], vector<16xf32>,
    %add3A_932 = arith.addf %gather3A_926, %gather3A_931 : vector<16xf32>
    %ge3A_933 = arith.constant 0.000000e+00 : f32
    %ge3A_934 = vector.broadcast %ge3A_933 : f32 to vector<16xf32>
    %ge3A_935 = arith.cmpf oge, %add3A_932, %ge3A_934 : vector<16xf32>
    %mul3A_936 = arith.constant 0.00999999977 : f32
    %mul3A_937 = vector.broadcast %mul3A_936 : f32 to vector<16xf32>
    %mul3A_938 = arith.mulf %mul3A_937, %add3A_932 : vector<16xf32>
    %select_n3A_939 = arith.select %ge3A_935, %add3A_932, %mul3A_938 : vector<16xi1>, vector<16xf32>
    %exp3A_940 = math.exp %select_n3A_939 : vector<16xf32>
    %swap3A_941 = arith.constant 448 : index
    %swap3A_942 = tpu.vector_load %arg9[%swap3A_941] {strides = array<i32>} : memref<1024xf32, #tpu.memory_space<vmem>>, vector<16xf32>,
    tpu.vector_store %arg9[%swap3A_941], %exp3A_940 {strides = array<i32>} : memref<1024xf32, #tpu.memory_space<vmem>>, vector<16xf32>,
    %get3A_943 = arith.constant 3 : i32
    %get3A_944 = arith.index_cast %get3A_943 : i32 to index
    %get3A_945 = arith.constant 80 : index
    %get3A_946 = tpu.vector_load %arg7[%get3A_944, %get3A_945] {strides = array<i32>} : memref<8x128xi32, #tpu.memory_space<vmem>>, vector<16xi32>,
    %gather3A_947 = tpu.vector_load_idx %arg10[%get3A_946] : memref<1024xf32, #tpu.memory_space<vmem>>[vector<16xi32>], vector<16xf32>,
    %get3A_948 = arith.constant 3 : i32
    %get3A_949 = arith.index_cast %get3A_948 : i32 to index
    %get3A_950 = arith.constant 80 : index
    %get3A_951 = tpu.vector_load %arg8[%get3A_949, %get3A_950] {strides = array<i32>} : memref<8x128xi32, #tpu.memory_space<vmem>>, vector<16xi32>,
    %gather3A_952 = tpu.vector_load_idx %arg11[%get3A_951] : memref<1024xf32, #tpu.memory_space<vmem>>[vector<16xi32>], vector<16xf32>,
    %add3A_953 = arith.addf %gather3A_947, %gather3A_952 : vector<16xf32>
    %ge3A_954 = arith.constant 0.000000e+00 : f32
    %ge3A_955 = vector.broadcast %ge3A_954 : f32 to vector<16xf32>
    %ge3A_956 = arith.cmpf oge, %add3A_953, %ge3A_955 : vector<16xf32>
    %mul3A_957 = arith.constant 0.00999999977 : f32
    %mul3A_958 = vector.broadcast %mul3A_957 : f32 to vector<16xf32>
    %mul3A_959 = arith.mulf %mul3A_958, %add3A_953 : vector<16xf32>
    %select_n3A_960 = arith.select %ge3A_956, %add3A_953, %mul3A_959 : vector<16xi1>, vector<16xf32>
    %exp3A_961 = math.exp %select_n3A_960 : vector<16xf32>
    %swap3A_962 = arith.constant 464 : index
    %swap3A_963 = tpu.vector_load %arg9[%swap3A_962] {strides = array<i32>} : memref<1024xf32, #tpu.memory_space<vmem>>, vector<16xf32>,
    tpu.vector_store %arg9[%swap3A_962], %exp3A_961 {strides = array<i32>} : memref<1024xf32, #tpu.memory_space<vmem>>, vector<16xf32>,
    %get3A_964 = arith.constant 3 : i32
    %get3A_965 = arith.index_cast %get3A_964 : i32 to index
    %get3A_966 = arith.constant 96 : index
    %get3A_967 = tpu.vector_load %arg7[%get3A_965, %get3A_966] {strides = array<i32>} : memref<8x128xi32, #tpu.memory_space<vmem>>, vector<16xi32>,
    %gather3A_968 = tpu.vector_load_idx %arg10[%get3A_967] : memref<1024xf32, #tpu.memory_space<vmem>>[vector<16xi32>], vector<16xf32>,
    %get3A_969 = arith.constant 3 : i32
    %get3A_970 = arith.index_cast %get3A_969 : i32 to index
    %get3A_971 = arith.constant 96 : index
    %get3A_972 = tpu.vector_load %arg8[%get3A_970, %get3A_971] {strides = array<i32>} : memref<8x128xi32, #tpu.memory_space<vmem>>, vector<16xi32>,
    %gather3A_973 = tpu.vector_load_idx %arg11[%get3A_972] : memref<1024xf32, #tpu.memory_space<vmem>>[vector<16xi32>], vector<16xf32>,
    %add3A_974 = arith.addf %gather3A_968, %gather3A_973 : vector<16xf32>
    %ge3A_975 = arith.constant 0.000000e+00 : f32
    %ge3A_976 = vector.broadcast %ge3A_975 : f32 to vector<16xf32>
    %ge3A_977 = arith.cmpf oge, %add3A_974, %ge3A_976 : vector<16xf32>
    %mul3A_978 = arith.constant 0.00999999977 : f32
    %mul3A_979 = vector.broadcast %mul3A_978 : f32 to vector<16xf32>
    %mul3A_980 = arith.mulf %mul3A_979, %add3A_974 : vector<16xf32>
    %select_n3A_981 = arith.select %ge3A_977, %add3A_974, %mul3A_980 : vector<16xi1>, vector<16xf32>
    %exp3A_982 = math.exp %select_n3A_981 : vector<16xf32>
    %swap3A_983 = arith.constant 480 : index
    %swap3A_984 = tpu.vector_load %arg9[%swap3A_983] {strides = array<i32>} : memref<1024xf32, #tpu.memory_space<vmem>>, vector<16xf32>,
    tpu.vector_store %arg9[%swap3A_983], %exp3A_982 {strides = array<i32>} : memref<1024xf32, #tpu.memory_space<vmem>>, vector<16xf32>,
    %get3A_985 = arith.constant 3 : i32
    %get3A_986 = arith.index_cast %get3A_985 : i32 to index
    %get3A_987 = arith.constant 112 : index
    %get3A_988 = tpu.vector_load %arg7[%get3A_986, %get3A_987] {strides = array<i32>} : memref<8x128xi32, #tpu.memory_space<vmem>>, vector<16xi32>,
    %gather3A_989 = tpu.vector_load_idx %arg10[%get3A_988] : memref<1024xf32, #tpu.memory_space<vmem>>[vector<16xi32>], vector<16xf32>,
    %get3A_990 = arith.constant 3 : i32
    %get3A_991 = arith.index_cast %get3A_990 : i32 to index
    %get3A_992 = arith.constant 112 : index
    %get3A_993 = tpu.vector_load %arg8[%get3A_991, %get3A_992] {strides = array<i32>} : memref<8x128xi32, #tpu.memory_space<vmem>>, vector<16xi32>,
    %gather3A_994 = tpu.vector_load_idx %arg11[%get3A_993] : memref<1024xf32, #tpu.memory_space<vmem>>[vector<16xi32>], vector<16xf32>,
    %add3A_995 = arith.addf %gather3A_989, %gather3A_994 : vector<16xf32>
    %ge3A_996 = arith.constant 0.000000e+00 : f32
    %ge3A_997 = vector.broadcast %ge3A_996 : f32 to vector<16xf32>
    %ge3A_998 = arith.cmpf oge, %add3A_995, %ge3A_997 : vector<16xf32>
    %mul3A_999 = arith.constant 0.00999999977 : f32
    %mul3A_1000 = vector.broadcast %mul3A_999 : f32 to vector<16xf32>
    %mul3A_1001 = arith.mulf %mul3A_1000, %add3A_995 : vector<16xf32>
    %select_n3A_1002 = arith.select %ge3A_998, %add3A_995, %mul3A_1001 : vector<16xi1>, vector<16xf32>
    %exp3A_1003 = math.exp %select_n3A_1002 : vector<16xf32>
    %swap3A_1004 = arith.constant 496 : index
    %swap3A_1005 = tpu.vector_load %arg9[%swap3A_1004] {strides = array<i32>} : memref<1024xf32, #tpu.memory_space<vmem>>, vector<16xf32>,
    tpu.vector_store %arg9[%swap3A_1004], %exp3A_1003 {strides = array<i32>} : memref<1024xf32, #tpu.memory_space<vmem>>, vector<16xf32>,
    %dma_start3A_1006 = arith.constant 3 : i32
    %dma_start3A_1007 = arith.constant 384 : i32
    %dma_start3A_1008 = tpu.memref_slice %arg9[%dma_start3A_1007] : memref<1024xf32, #tpu.memory_space<vmem>> -> memref<128xf32, #tpu.memory_space<vmem>>
    %dma_start3A_1009 = arith.constant 0 : i32
    %dma_start3A_1010 = tpu.memref_slice %arg7[%dma_start3A_1006, %dma_start3A_1009] : memref<8x128xi32, #tpu.memory_space<vmem>> -> memref<1x128xi32, #tpu.memory_space<vmem>>
    %dma_start3A_1011 = tpu.memref_squeeze %dma_start3A_1010 : memref<1x128xi32, #tpu.memory_space<vmem>> -> memref<128xi32, #tpu.memory_space<vmem>>
    %dma_start3A_1012 = arith.constant 0 : i32
    %dma_start3A_1013 = tpu.memref_slice %arg13[%dma_start3A_1012] : memref<1024xf32, #tpu.memory_space<vmem_shared>> -> memref<1024xf32, #tpu.memory_space<vmem_shared>>
    tpu.enqueue_indirect_dma source(%dma_start3A_1008 : memref<128xf32, #tpu.memory_space<vmem>>) target(%dma_start3A_1013 : memref<1024xf32, #tpu.memory_space<vmem_shared>>) offsets(%dma_start3A_1011 : memref<128xi32, #tpu.memory_space<vmem>>) semaphore(%arg16 : memref<!tpu.dma_semaphore, #tpu.memory_space<semaphore_mem>>) {add = true}
    %get3A_1014 = arith.constant 4 : i32
    %get3A_1015 = arith.index_cast %get3A_1014 : i32 to index
    %get3A_1016 = arith.constant 0 : index
    %get3A_1017 = tpu.vector_load %arg7[%get3A_1015, %get3A_1016] {strides = array<i32>} : memref<8x128xi32, #tpu.memory_space<vmem>>, vector<16xi32>,
    %gather3A_1018 = tpu.vector_load_idx %arg10[%get3A_1017] : memref<1024xf32, #tpu.memory_space<vmem>>[vector<16xi32>], vector<16xf32>,
    %get3A_1019 = arith.constant 4 : i32
    %get3A_1020 = arith.index_cast %get3A_1019 : i32 to index
    %get3A_1021 = arith.constant 0 : index
    %get3A_1022 = tpu.vector_load %arg8[%get3A_1020, %get3A_1021] {strides = array<i32>} : memref<8x128xi32, #tpu.memory_space<vmem>>, vector<16xi32>,
    %gather3A_1023 = tpu.vector_load_idx %arg11[%get3A_1022] : memref<1024xf32, #tpu.memory_space<vmem>>[vector<16xi32>], vector<16xf32>,
    %add3A_1024 = arith.addf %gather3A_1018, %gather3A_1023 : vector<16xf32>
    %ge3A_1025 = arith.constant 0.000000e+00 : f32
    %ge3A_1026 = vector.broadcast %ge3A_1025 : f32 to vector<16xf32>
    %ge3A_1027 = arith.cmpf oge, %add3A_1024, %ge3A_1026 : vector<16xf32>
    %mul3A_1028 = arith.constant 0.00999999977 : f32
    %mul3A_1029 = vector.broadcast %mul3A_1028 : f32 to vector<16xf32>
    %mul3A_1030 = arith.mulf %mul3A_1029, %add3A_1024 : vector<16xf32>
    %select_n3A_1031 = arith.select %ge3A_1027, %add3A_1024, %mul3A_1030 : vector<16xi1>, vector<16xf32>
    %exp3A_1032 = math.exp %select_n3A_1031 : vector<16xf32>
    %swap3A_1033 = arith.constant 512 : index
    %swap3A_1034 = tpu.vector_load %arg9[%swap3A_1033] {strides = array<i32>} : memref<1024xf32, #tpu.memory_space<vmem>>, vector<16xf32>,
    tpu.vector_store %arg9[%swap3A_1033], %exp3A_1032 {strides = array<i32>} : memref<1024xf32, #tpu.memory_space<vmem>>, vector<16xf32>,
    %get3A_1035 = arith.constant 4 : i32
    %get3A_1036 = arith.index_cast %get3A_1035 : i32 to index
    %get3A_1037 = arith.constant 16 : index
    %get3A_1038 = tpu.vector_load %arg7[%get3A_1036, %get3A_1037] {strides = array<i32>} : memref<8x128xi32, #tpu.memory_space<vmem>>, vector<16xi32>,
    %gather3A_1039 = tpu.vector_load_idx %arg10[%get3A_1038] : memref<1024xf32, #tpu.memory_space<vmem>>[vector<16xi32>], vector<16xf32>,
    %get3A_1040 = arith.constant 4 : i32
    %get3A_1041 = arith.index_cast %get3A_1040 : i32 to index
    %get3A_1042 = arith.constant 16 : index
    %get3A_1043 = tpu.vector_load %arg8[%get3A_1041, %get3A_1042] {strides = array<i32>} : memref<8x128xi32, #tpu.memory_space<vmem>>, vector<16xi32>,
    %gather3A_1044 = tpu.vector_load_idx %arg11[%get3A_1043] : memref<1024xf32, #tpu.memory_space<vmem>>[vector<16xi32>], vector<16xf32>,
    %add3A_1045 = arith.addf %gather3A_1039, %gather3A_1044 : vector<16xf32>
    %ge3A_1046 = arith.constant 0.000000e+00 : f32
    %ge3A_1047 = vector.broadcast %ge3A_1046 : f32 to vector<16xf32>
    %ge3A_1048 = arith.cmpf oge, %add3A_1045, %ge3A_1047 : vector<16xf32>
    %mul3A_1049 = arith.constant 0.00999999977 : f32
    %mul3A_1050 = vector.broadcast %mul3A_1049 : f32 to vector<16xf32>
    %mul3A_1051 = arith.mulf %mul3A_1050, %add3A_1045 : vector<16xf32>
    %select_n3A_1052 = arith.select %ge3A_1048, %add3A_1045, %mul3A_1051 : vector<16xi1>, vector<16xf32>
    %exp3A_1053 = math.exp %select_n3A_1052 : vector<16xf32>
    %swap3A_1054 = arith.constant 528 : index
    %swap3A_1055 = tpu.vector_load %arg9[%swap3A_1054] {strides = array<i32>} : memref<1024xf32, #tpu.memory_space<vmem>>, vector<16xf32>,
    tpu.vector_store %arg9[%swap3A_1054], %exp3A_1053 {strides = array<i32>} : memref<1024xf32, #tpu.memory_space<vmem>>, vector<16xf32>,
    %get3A_1056 = arith.constant 4 : i32
    %get3A_1057 = arith.index_cast %get3A_1056 : i32 to index
    %get3A_1058 = arith.constant 32 : index
    %get3A_1059 = tpu.vector_load %arg7[%get3A_1057, %get3A_1058] {strides = array<i32>} : memref<8x128xi32, #tpu.memory_space<vmem>>, vector<16xi32>,
    %gather3A_1060 = tpu.vector_load_idx %arg10[%get3A_1059] : memref<1024xf32, #tpu.memory_space<vmem>>[vector<16xi32>], vector<16xf32>,
    %get3A_1061 = arith.constant 4 : i32
    %get3A_1062 = arith.index_cast %get3A_1061 : i32 to index
    %get3A_1063 = arith.constant 32 : index
    %get3A_1064 = tpu.vector_load %arg8[%get3A_1062, %get3A_1063] {strides = array<i32>} : memref<8x128xi32, #tpu.memory_space<vmem>>, vector<16xi32>,
    %gather3A_1065 = tpu.vector_load_idx %arg11[%get3A_1064] : memref<1024xf32, #tpu.memory_space<vmem>>[vector<16xi32>], vector<16xf32>,
    %add3A_1066 = arith.addf %gather3A_1060, %gather3A_1065 : vector<16xf32>
    %ge3A_1067 = arith.constant 0.000000e+00 : f32
    %ge3A_1068 = vector.broadcast %ge3A_1067 : f32 to vector<16xf32>
    %ge3A_1069 = arith.cmpf oge, %add3A_1066, %ge3A_1068 : vector<16xf32>
    %mul3A_1070 = arith.constant 0.00999999977 : f32
    %mul3A_1071 = vector.broadcast %mul3A_1070 : f32 to vector<16xf32>
    %mul3A_1072 = arith.mulf %mul3A_1071, %add3A_1066 : vector<16xf32>
    %select_n3A_1073 = arith.select %ge3A_1069, %add3A_1066, %mul3A_1072 : vector<16xi1>, vector<16xf32>
    %exp3A_1074 = math.exp %select_n3A_1073 : vector<16xf32>
    %swap3A_1075 = arith.constant 544 : index
    %swap3A_1076 = tpu.vector_load %arg9[%swap3A_1075] {strides = array<i32>} : memref<1024xf32, #tpu.memory_space<vmem>>, vector<16xf32>,
    tpu.vector_store %arg9[%swap3A_1075], %exp3A_1074 {strides = array<i32>} : memref<1024xf32, #tpu.memory_space<vmem>>, vector<16xf32>,
    %get3A_1077 = arith.constant 4 : i32
    %get3A_1078 = arith.index_cast %get3A_1077 : i32 to index
    %get3A_1079 = arith.constant 48 : index
    %get3A_1080 = tpu.vector_load %arg7[%get3A_1078, %get3A_1079] {strides = array<i32>} : memref<8x128xi32, #tpu.memory_space<vmem>>, vector<16xi32>,
    %gather3A_1081 = tpu.vector_load_idx %arg10[%get3A_1080] : memref<1024xf32, #tpu.memory_space<vmem>>[vector<16xi32>], vector<16xf32>,
    %get3A_1082 = arith.constant 4 : i32
    %get3A_1083 = arith.index_cast %get3A_1082 : i32 to index
    %get3A_1084 = arith.constant 48 : index
    %get3A_1085 = tpu.vector_load %arg8[%get3A_1083, %get3A_1084] {strides = array<i32>} : memref<8x128xi32, #tpu.memory_space<vmem>>, vector<16xi32>,
    %gather3A_1086 = tpu.vector_load_idx %arg11[%get3A_1085] : memref<1024xf32, #tpu.memory_space<vmem>>[vector<16xi32>], vector<16xf32>,
    %add3A_1087 = arith.addf %gather3A_1081, %gather3A_1086 : vector<16xf32>
    %ge3A_1088 = arith.constant 0.000000e+00 : f32
    %ge3A_1089 = vector.broadcast %ge3A_1088 : f32 to vector<16xf32>
    %ge3A_1090 = arith.cmpf oge, %add3A_1087, %ge3A_1089 : vector<16xf32>
    %mul3A_1091 = arith.constant 0.00999999977 : f32
    %mul3A_1092 = vector.broadcast %mul3A_1091 : f32 to vector<16xf32>
    %mul3A_1093 = arith.mulf %mul3A_1092, %add3A_1087 : vector<16xf32>
    %select_n3A_1094 = arith.select %ge3A_1090, %add3A_1087, %mul3A_1093 : vector<16xi1>, vector<16xf32>
    %exp3A_1095 = math.exp %select_n3A_1094 : vector<16xf32>
    %swap3A_1096 = arith.constant 560 : index
    %swap3A_1097 = tpu.vector_load %arg9[%swap3A_1096] {strides = array<i32>} : memref<1024xf32, #tpu.memory_space<vmem>>, vector<16xf32>,
    tpu.vector_store %arg9[%swap3A_1096], %exp3A_1095 {strides = array<i32>} : memref<1024xf32, #tpu.memory_space<vmem>>, vector<16xf32>,
    %get3A_1098 = arith.constant 4 : i32
    %get3A_1099 = arith.index_cast %get3A_1098 : i32 to index
    %get3A_1100 = arith.constant 64 : index
    %get3A_1101 = tpu.vector_load %arg7[%get3A_1099, %get3A_1100] {strides = array<i32>} : memref<8x128xi32, #tpu.memory_space<vmem>>, vector<16xi32>,
    %gather3A_1102 = tpu.vector_load_idx %arg10[%get3A_1101] : memref<1024xf32, #tpu.memory_space<vmem>>[vector<16xi32>], vector<16xf32>,
    %get3A_1103 = arith.constant 4 : i32
    %get3A_1104 = arith.index_cast %get3A_1103 : i32 to index
    %get3A_1105 = arith.constant 64 : index
    %get3A_1106 = tpu.vector_load %arg8[%get3A_1104, %get3A_1105] {strides = array<i32>} : memref<8x128xi32, #tpu.memory_space<vmem>>, vector<16xi32>,
    %gather3A_1107 = tpu.vector_load_idx %arg11[%get3A_1106] : memref<1024xf32, #tpu.memory_space<vmem>>[vector<16xi32>], vector<16xf32>,
    %add3A_1108 = arith.addf %gather3A_1102, %gather3A_1107 : vector<16xf32>
    %ge3A_1109 = arith.constant 0.000000e+00 : f32
    %ge3A_1110 = vector.broadcast %ge3A_1109 : f32 to vector<16xf32>
    %ge3A_1111 = arith.cmpf oge, %add3A_1108, %ge3A_1110 : vector<16xf32>
    %mul3A_1112 = arith.constant 0.00999999977 : f32
    %mul3A_1113 = vector.broadcast %mul3A_1112 : f32 to vector<16xf32>
    %mul3A_1114 = arith.mulf %mul3A_1113, %add3A_1108 : vector<16xf32>
    %select_n3A_1115 = arith.select %ge3A_1111, %add3A_1108, %mul3A_1114 : vector<16xi1>, vector<16xf32>
    %exp3A_1116 = math.exp %select_n3A_1115 : vector<16xf32>
    %swap3A_1117 = arith.constant 576 : index
    %swap3A_1118 = tpu.vector_load %arg9[%swap3A_1117] {strides = array<i32>} : memref<1024xf32, #tpu.memory_space<vmem>>, vector<16xf32>,
    tpu.vector_store %arg9[%swap3A_1117], %exp3A_1116 {strides = array<i32>} : memref<1024xf32, #tpu.memory_space<vmem>>, vector<16xf32>,
    %get3A_1119 = arith.constant 4 : i32
    %get3A_1120 = arith.index_cast %get3A_1119 : i32 to index
    %get3A_1121 = arith.constant 80 : index
    %get3A_1122 = tpu.vector_load %arg7[%get3A_1120, %get3A_1121] {strides = array<i32>} : memref<8x128xi32, #tpu.memory_space<vmem>>, vector<16xi32>,
    %gather3A_1123 = tpu.vector_load_idx %arg10[%get3A_1122] : memref<1024xf32, #tpu.memory_space<vmem>>[vector<16xi32>], vector<16xf32>,
    %get3A_1124 = arith.constant 4 : i32
    %get3A_1125 = arith.index_cast %get3A_1124 : i32 to index
    %get3A_1126 = arith.constant 80 : index
    %get3A_1127 = tpu.vector_load %arg8[%get3A_1125, %get3A_1126] {strides = array<i32>} : memref<8x128xi32, #tpu.memory_space<vmem>>, vector<16xi32>,
    %gather3A_1128 = tpu.vector_load_idx %arg11[%get3A_1127] : memref<1024xf32, #tpu.memory_space<vmem>>[vector<16xi32>], vector<16xf32>,
    %add3A_1129 = arith.addf %gather3A_1123, %gather3A_1128 : vector<16xf32>
    %ge3A_1130 = arith.constant 0.000000e+00 : f32
    %ge3A_1131 = vector.broadcast %ge3A_1130 : f32 to vector<16xf32>
    %ge3A_1132 = arith.cmpf oge, %add3A_1129, %ge3A_1131 : vector<16xf32>
    %mul3A_1133 = arith.constant 0.00999999977 : f32
    %mul3A_1134 = vector.broadcast %mul3A_1133 : f32 to vector<16xf32>
    %mul3A_1135 = arith.mulf %mul3A_1134, %add3A_1129 : vector<16xf32>
    %select_n3A_1136 = arith.select %ge3A_1132, %add3A_1129, %mul3A_1135 : vector<16xi1>, vector<16xf32>
    %exp3A_1137 = math.exp %select_n3A_1136 : vector<16xf32>
    %swap3A_1138 = arith.constant 592 : index
    %swap3A_1139 = tpu.vector_load %arg9[%swap3A_1138] {strides = array<i32>} : memref<1024xf32, #tpu.memory_space<vmem>>, vector<16xf32>,
    tpu.vector_store %arg9[%swap3A_1138], %exp3A_1137 {strides = array<i32>} : memref<1024xf32, #tpu.memory_space<vmem>>, vector<16xf32>,
    %get3A_1140 = arith.constant 4 : i32
    %get3A_1141 = arith.index_cast %get3A_1140 : i32 to index
    %get3A_1142 = arith.constant 96 : index
    %get3A_1143 = tpu.vector_load %arg7[%get3A_1141, %get3A_1142] {strides = array<i32>} : memref<8x128xi32, #tpu.memory_space<vmem>>, vector<16xi32>,
    %gather3A_1144 = tpu.vector_load_idx %arg10[%get3A_1143] : memref<1024xf32, #tpu.memory_space<vmem>>[vector<16xi32>], vector<16xf32>,
    %get3A_1145 = arith.constant 4 : i32
    %get3A_1146 = arith.index_cast %get3A_1145 : i32 to index
    %get3A_1147 = arith.constant 96 : index
    %get3A_1148 = tpu.vector_load %arg8[%get3A_1146, %get3A_1147] {strides = array<i32>} : memref<8x128xi32, #tpu.memory_space<vmem>>, vector<16xi32>,
    %gather3A_1149 = tpu.vector_load_idx %arg11[%get3A_1148] : memref<1024xf32, #tpu.memory_space<vmem>>[vector<16xi32>], vector<16xf32>,
    %add3A_1150 = arith.addf %gather3A_1144, %gather3A_1149 : vector<16xf32>
    %ge3A_1151 = arith.constant 0.000000e+00 : f32
    %ge3A_1152 = vector.broadcast %ge3A_1151 : f32 to vector<16xf32>
    %ge3A_1153 = arith.cmpf oge, %add3A_1150, %ge3A_1152 : vector<16xf32>
    %mul3A_1154 = arith.constant 0.00999999977 : f32
    %mul3A_1155 = vector.broadcast %mul3A_1154 : f32 to vector<16xf32>
    %mul3A_1156 = arith.mulf %mul3A_1155, %add3A_1150 : vector<16xf32>
    %select_n3A_1157 = arith.select %ge3A_1153, %add3A_1150, %mul3A_1156 : vector<16xi1>, vector<16xf32>
    %exp3A_1158 = math.exp %select_n3A_1157 : vector<16xf32>
    %swap3A_1159 = arith.constant 608 : index
    %swap3A_1160 = tpu.vector_load %arg9[%swap3A_1159] {strides = array<i32>} : memref<1024xf32, #tpu.memory_space<vmem>>, vector<16xf32>,
    tpu.vector_store %arg9[%swap3A_1159], %exp3A_1158 {strides = array<i32>} : memref<1024xf32, #tpu.memory_space<vmem>>, vector<16xf32>,
    %get3A_1161 = arith.constant 4 : i32
    %get3A_1162 = arith.index_cast %get3A_1161 : i32 to index
    %get3A_1163 = arith.constant 112 : index
    %get3A_1164 = tpu.vector_load %arg7[%get3A_1162, %get3A_1163] {strides = array<i32>} : memref<8x128xi32, #tpu.memory_space<vmem>>, vector<16xi32>,
    %gather3A_1165 = tpu.vector_load_idx %arg10[%get3A_1164] : memref<1024xf32, #tpu.memory_space<vmem>>[vector<16xi32>], vector<16xf32>,
    %get3A_1166 = arith.constant 4 : i32
    %get3A_1167 = arith.index_cast %get3A_1166 : i32 to index
    %get3A_1168 = arith.constant 112 : index
    %get3A_1169 = tpu.vector_load %arg8[%get3A_1167, %get3A_1168] {strides = array<i32>} : memref<8x128xi32, #tpu.memory_space<vmem>>, vector<16xi32>,
    %gather3A_1170 = tpu.vector_load_idx %arg11[%get3A_1169] : memref<1024xf32, #tpu.memory_space<vmem>>[vector<16xi32>], vector<16xf32>,
    %add3A_1171 = arith.addf %gather3A_1165, %gather3A_1170 : vector<16xf32>
    %ge3A_1172 = arith.constant 0.000000e+00 : f32
    %ge3A_1173 = vector.broadcast %ge3A_1172 : f32 to vector<16xf32>
    %ge3A_1174 = arith.cmpf oge, %add3A_1171, %ge3A_1173 : vector<16xf32>
    %mul3A_1175 = arith.constant 0.00999999977 : f32
    %mul3A_1176 = vector.broadcast %mul3A_1175 : f32 to vector<16xf32>
    %mul3A_1177 = arith.mulf %mul3A_1176, %add3A_1171 : vector<16xf32>
    %select_n3A_1178 = arith.select %ge3A_1174, %add3A_1171, %mul3A_1177 : vector<16xi1>, vector<16xf32>
    %exp3A_1179 = math.exp %select_n3A_1178 : vector<16xf32>
    %swap3A_1180 = arith.constant 624 : index
    %swap3A_1181 = tpu.vector_load %arg9[%swap3A_1180] {strides = array<i32>} : memref<1024xf32, #tpu.memory_space<vmem>>, vector<16xf32>,
    tpu.vector_store %arg9[%swap3A_1180], %exp3A_1179 {strides = array<i32>} : memref<1024xf32, #tpu.memory_space<vmem>>, vector<16xf32>,
    %dma_start3A_1182 = arith.constant 4 : i32
    %dma_start3A_1183 = arith.constant 512 : i32
    %dma_start3A_1184 = tpu.memref_slice %arg9[%dma_start3A_1183] : memref<1024xf32, #tpu.memory_space<vmem>> -> memref<128xf32, #tpu.memory_space<vmem>>
    %dma_start3A_1185 = arith.constant 0 : i32
    %dma_start3A_1186 = tpu.memref_slice %arg7[%dma_start3A_1182, %dma_start3A_1185] : memref<8x128xi32, #tpu.memory_space<vmem>> -> memref<1x128xi32, #tpu.memory_space<vmem>>
    %dma_start3A_1187 = tpu.memref_squeeze %dma_start3A_1186 : memref<1x128xi32, #tpu.memory_space<vmem>> -> memref<128xi32, #tpu.memory_space<vmem>>
    %dma_start3A_1188 = arith.constant 0 : i32
    %dma_start3A_1189 = tpu.memref_slice %arg13[%dma_start3A_1188] : memref<1024xf32, #tpu.memory_space<vmem_shared>> -> memref<1024xf32, #tpu.memory_space<vmem_shared>>
    tpu.enqueue_indirect_dma source(%dma_start3A_1184 : memref<128xf32, #tpu.memory_space<vmem>>) target(%dma_start3A_1189 : memref<1024xf32, #tpu.memory_space<vmem_shared>>) offsets(%dma_start3A_1187 : memref<128xi32, #tpu.memory_space<vmem>>) semaphore(%arg16 : memref<!tpu.dma_semaphore, #tpu.memory_space<semaphore_mem>>) {add = true}
    %get3A_1190 = arith.constant 5 : i32
    %get3A_1191 = arith.index_cast %get3A_1190 : i32 to index
    %get3A_1192 = arith.constant 0 : index
    %get3A_1193 = tpu.vector_load %arg7[%get3A_1191, %get3A_1192] {strides = array<i32>} : memref<8x128xi32, #tpu.memory_space<vmem>>, vector<16xi32>,
    %gather3A_1194 = tpu.vector_load_idx %arg10[%get3A_1193] : memref<1024xf32, #tpu.memory_space<vmem>>[vector<16xi32>], vector<16xf32>,
    %get3A_1195 = arith.constant 5 : i32
    %get3A_1196 = arith.index_cast %get3A_1195 : i32 to index
    %get3A_1197 = arith.constant 0 : index
    %get3A_1198 = tpu.vector_load %arg8[%get3A_1196, %get3A_1197] {strides = array<i32>} : memref<8x128xi32, #tpu.memory_space<vmem>>, vector<16xi32>,
    %gather3A_1199 = tpu.vector_load_idx %arg11[%get3A_1198] : memref<1024xf32, #tpu.memory_space<vmem>>[vector<16xi32>], vector<16xf32>,
    %add3A_1200 = arith.addf %gather3A_1194, %gather3A_1199 : vector<16xf32>
    %ge3A_1201 = arith.constant 0.000000e+00 : f32
    %ge3A_1202 = vector.broadcast %ge3A_1201 : f32 to vector<16xf32>
    %ge3A_1203 = arith.cmpf oge, %add3A_1200, %ge3A_1202 : vector<16xf32>
    %mul3A_1204 = arith.constant 0.00999999977 : f32
    %mul3A_1205 = vector.broadcast %mul3A_1204 : f32 to vector<16xf32>
    %mul3A_1206 = arith.mulf %mul3A_1205, %add3A_1200 : vector<16xf32>
    %select_n3A_1207 = arith.select %ge3A_1203, %add3A_1200, %mul3A_1206 : vector<16xi1>, vector<16xf32>
    %exp3A_1208 = math.exp %select_n3A_1207 : vector<16xf32>
    %swap3A_1209 = arith.constant 640 : index
    %swap3A_1210 = tpu.vector_load %arg9[%swap3A_1209] {strides = array<i32>} : memref<1024xf32, #tpu.memory_space<vmem>>, vector<16xf32>,
    tpu.vector_store %arg9[%swap3A_1209], %exp3A_1208 {strides = array<i32>} : memref<1024xf32, #tpu.memory_space<vmem>>, vector<16xf32>,
    %get3A_1211 = arith.constant 5 : i32
    %get3A_1212 = arith.index_cast %get3A_1211 : i32 to index
    %get3A_1213 = arith.constant 16 : index
    %get3A_1214 = tpu.vector_load %arg7[%get3A_1212, %get3A_1213] {strides = array<i32>} : memref<8x128xi32, #tpu.memory_space<vmem>>, vector<16xi32>,
    %gather3A_1215 = tpu.vector_load_idx %arg10[%get3A_1214] : memref<1024xf32, #tpu.memory_space<vmem>>[vector<16xi32>], vector<16xf32>,
    %get3A_1216 = arith.constant 5 : i32
    %get3A_1217 = arith.index_cast %get3A_1216 : i32 to index
    %get3A_1218 = arith.constant 16 : index
    %get3A_1219 = tpu.vector_load %arg8[%get3A_1217, %get3A_1218] {strides = array<i32>} : memref<8x128xi32, #tpu.memory_space<vmem>>, vector<16xi32>,
    %gather3A_1220 = tpu.vector_load_idx %arg11[%get3A_1219] : memref<1024xf32, #tpu.memory_space<vmem>>[vector<16xi32>], vector<16xf32>,
    %add3A_1221 = arith.addf %gather3A_1215, %gather3A_1220 : vector<16xf32>
    %ge3A_1222 = arith.constant 0.000000e+00 : f32
    %ge3A_1223 = vector.broadcast %ge3A_1222 : f32 to vector<16xf32>
    %ge3A_1224 = arith.cmpf oge, %add3A_1221, %ge3A_1223 : vector<16xf32>
    %mul3A_1225 = arith.constant 0.00999999977 : f32
    %mul3A_1226 = vector.broadcast %mul3A_1225 : f32 to vector<16xf32>
    %mul3A_1227 = arith.mulf %mul3A_1226, %add3A_1221 : vector<16xf32>
    %select_n3A_1228 = arith.select %ge3A_1224, %add3A_1221, %mul3A_1227 : vector<16xi1>, vector<16xf32>
    %exp3A_1229 = math.exp %select_n3A_1228 : vector<16xf32>
    %swap3A_1230 = arith.constant 656 : index
    %swap3A_1231 = tpu.vector_load %arg9[%swap3A_1230] {strides = array<i32>} : memref<1024xf32, #tpu.memory_space<vmem>>, vector<16xf32>,
    tpu.vector_store %arg9[%swap3A_1230], %exp3A_1229 {strides = array<i32>} : memref<1024xf32, #tpu.memory_space<vmem>>, vector<16xf32>,
    %get3A_1232 = arith.constant 5 : i32
    %get3A_1233 = arith.index_cast %get3A_1232 : i32 to index
    %get3A_1234 = arith.constant 32 : index
    %get3A_1235 = tpu.vector_load %arg7[%get3A_1233, %get3A_1234] {strides = array<i32>} : memref<8x128xi32, #tpu.memory_space<vmem>>, vector<16xi32>,
    %gather3A_1236 = tpu.vector_load_idx %arg10[%get3A_1235] : memref<1024xf32, #tpu.memory_space<vmem>>[vector<16xi32>], vector<16xf32>,
    %get3A_1237 = arith.constant 5 : i32
    %get3A_1238 = arith.index_cast %get3A_1237 : i32 to index
    %get3A_1239 = arith.constant 32 : index
    %get3A_1240 = tpu.vector_load %arg8[%get3A_1238, %get3A_1239] {strides = array<i32>} : memref<8x128xi32, #tpu.memory_space<vmem>>, vector<16xi32>,
    %gather3A_1241 = tpu.vector_load_idx %arg11[%get3A_1240] : memref<1024xf32, #tpu.memory_space<vmem>>[vector<16xi32>], vector<16xf32>,
    %add3A_1242 = arith.addf %gather3A_1236, %gather3A_1241 : vector<16xf32>
    %ge3A_1243 = arith.constant 0.000000e+00 : f32
    %ge3A_1244 = vector.broadcast %ge3A_1243 : f32 to vector<16xf32>
    %ge3A_1245 = arith.cmpf oge, %add3A_1242, %ge3A_1244 : vector<16xf32>
    %mul3A_1246 = arith.constant 0.00999999977 : f32
    %mul3A_1247 = vector.broadcast %mul3A_1246 : f32 to vector<16xf32>
    %mul3A_1248 = arith.mulf %mul3A_1247, %add3A_1242 : vector<16xf32>
    %select_n3A_1249 = arith.select %ge3A_1245, %add3A_1242, %mul3A_1248 : vector<16xi1>, vector<16xf32>
    %exp3A_1250 = math.exp %select_n3A_1249 : vector<16xf32>
    %swap3A_1251 = arith.constant 672 : index
    %swap3A_1252 = tpu.vector_load %arg9[%swap3A_1251] {strides = array<i32>} : memref<1024xf32, #tpu.memory_space<vmem>>, vector<16xf32>,
    tpu.vector_store %arg9[%swap3A_1251], %exp3A_1250 {strides = array<i32>} : memref<1024xf32, #tpu.memory_space<vmem>>, vector<16xf32>,
    %get3A_1253 = arith.constant 5 : i32
    %get3A_1254 = arith.index_cast %get3A_1253 : i32 to index
    %get3A_1255 = arith.constant 48 : index
    %get3A_1256 = tpu.vector_load %arg7[%get3A_1254, %get3A_1255] {strides = array<i32>} : memref<8x128xi32, #tpu.memory_space<vmem>>, vector<16xi32>,
    %gather3A_1257 = tpu.vector_load_idx %arg10[%get3A_1256] : memref<1024xf32, #tpu.memory_space<vmem>>[vector<16xi32>], vector<16xf32>,
    %get3A_1258 = arith.constant 5 : i32
    %get3A_1259 = arith.index_cast %get3A_1258 : i32 to index
    %get3A_1260 = arith.constant 48 : index
    %get3A_1261 = tpu.vector_load %arg8[%get3A_1259, %get3A_1260] {strides = array<i32>} : memref<8x128xi32, #tpu.memory_space<vmem>>, vector<16xi32>,
    %gather3A_1262 = tpu.vector_load_idx %arg11[%get3A_1261] : memref<1024xf32, #tpu.memory_space<vmem>>[vector<16xi32>], vector<16xf32>,
    %add3A_1263 = arith.addf %gather3A_1257, %gather3A_1262 : vector<16xf32>
    %ge3A_1264 = arith.constant 0.000000e+00 : f32
    %ge3A_1265 = vector.broadcast %ge3A_1264 : f32 to vector<16xf32>
    %ge3A_1266 = arith.cmpf oge, %add3A_1263, %ge3A_1265 : vector<16xf32>
    %mul3A_1267 = arith.constant 0.00999999977 : f32
    %mul3A_1268 = vector.broadcast %mul3A_1267 : f32 to vector<16xf32>
    %mul3A_1269 = arith.mulf %mul3A_1268, %add3A_1263 : vector<16xf32>
    %select_n3A_1270 = arith.select %ge3A_1266, %add3A_1263, %mul3A_1269 : vector<16xi1>, vector<16xf32>
    %exp3A_1271 = math.exp %select_n3A_1270 : vector<16xf32>
    %swap3A_1272 = arith.constant 688 : index
    %swap3A_1273 = tpu.vector_load %arg9[%swap3A_1272] {strides = array<i32>} : memref<1024xf32, #tpu.memory_space<vmem>>, vector<16xf32>,
    tpu.vector_store %arg9[%swap3A_1272], %exp3A_1271 {strides = array<i32>} : memref<1024xf32, #tpu.memory_space<vmem>>, vector<16xf32>,
    %get3A_1274 = arith.constant 5 : i32
    %get3A_1275 = arith.index_cast %get3A_1274 : i32 to index
    %get3A_1276 = arith.constant 64 : index
    %get3A_1277 = tpu.vector_load %arg7[%get3A_1275, %get3A_1276] {strides = array<i32>} : memref<8x128xi32, #tpu.memory_space<vmem>>, vector<16xi32>,
    %gather3A_1278 = tpu.vector_load_idx %arg10[%get3A_1277] : memref<1024xf32, #tpu.memory_space<vmem>>[vector<16xi32>], vector<16xf32>,
    %get3A_1279 = arith.constant 5 : i32
    %get3A_1280 = arith.index_cast %get3A_1279 : i32 to index
    %get3A_1281 = arith.constant 64 : index
    %get3A_1282 = tpu.vector_load %arg8[%get3A_1280, %get3A_1281] {strides = array<i32>} : memref<8x128xi32, #tpu.memory_space<vmem>>, vector<16xi32>,
    %gather3A_1283 = tpu.vector_load_idx %arg11[%get3A_1282] : memref<1024xf32, #tpu.memory_space<vmem>>[vector<16xi32>], vector<16xf32>,
    %add3A_1284 = arith.addf %gather3A_1278, %gather3A_1283 : vector<16xf32>
    %ge3A_1285 = arith.constant 0.000000e+00 : f32
    %ge3A_1286 = vector.broadcast %ge3A_1285 : f32 to vector<16xf32>
    %ge3A_1287 = arith.cmpf oge, %add3A_1284, %ge3A_1286 : vector<16xf32>
    %mul3A_1288 = arith.constant 0.00999999977 : f32
    %mul3A_1289 = vector.broadcast %mul3A_1288 : f32 to vector<16xf32>
    %mul3A_1290 = arith.mulf %mul3A_1289, %add3A_1284 : vector<16xf32>
    %select_n3A_1291 = arith.select %ge3A_1287, %add3A_1284, %mul3A_1290 : vector<16xi1>, vector<16xf32>
    %exp3A_1292 = math.exp %select_n3A_1291 : vector<16xf32>
    %swap3A_1293 = arith.constant 704 : index
    %swap3A_1294 = tpu.vector_load %arg9[%swap3A_1293] {strides = array<i32>} : memref<1024xf32, #tpu.memory_space<vmem>>, vector<16xf32>,
    tpu.vector_store %arg9[%swap3A_1293], %exp3A_1292 {strides = array<i32>} : memref<1024xf32, #tpu.memory_space<vmem>>, vector<16xf32>,
    %get3A_1295 = arith.constant 5 : i32
    %get3A_1296 = arith.index_cast %get3A_1295 : i32 to index
    %get3A_1297 = arith.constant 80 : index
    %get3A_1298 = tpu.vector_load %arg7[%get3A_1296, %get3A_1297] {strides = array<i32>} : memref<8x128xi32, #tpu.memory_space<vmem>>, vector<16xi32>,
    %gather3A_1299 = tpu.vector_load_idx %arg10[%get3A_1298] : memref<1024xf32, #tpu.memory_space<vmem>>[vector<16xi32>], vector<16xf32>,
    %get3A_1300 = arith.constant 5 : i32
    %get3A_1301 = arith.index_cast %get3A_1300 : i32 to index
    %get3A_1302 = arith.constant 80 : index
    %get3A_1303 = tpu.vector_load %arg8[%get3A_1301, %get3A_1302] {strides = array<i32>} : memref<8x128xi32, #tpu.memory_space<vmem>>, vector<16xi32>,
    %gather3A_1304 = tpu.vector_load_idx %arg11[%get3A_1303] : memref<1024xf32, #tpu.memory_space<vmem>>[vector<16xi32>], vector<16xf32>,
    %add3A_1305 = arith.addf %gather3A_1299, %gather3A_1304 : vector<16xf32>
    %ge3A_1306 = arith.constant 0.000000e+00 : f32
    %ge3A_1307 = vector.broadcast %ge3A_1306 : f32 to vector<16xf32>
    %ge3A_1308 = arith.cmpf oge, %add3A_1305, %ge3A_1307 : vector<16xf32>
    %mul3A_1309 = arith.constant 0.00999999977 : f32
    %mul3A_1310 = vector.broadcast %mul3A_1309 : f32 to vector<16xf32>
    %mul3A_1311 = arith.mulf %mul3A_1310, %add3A_1305 : vector<16xf32>
    %select_n3A_1312 = arith.select %ge3A_1308, %add3A_1305, %mul3A_1311 : vector<16xi1>, vector<16xf32>
    %exp3A_1313 = math.exp %select_n3A_1312 : vector<16xf32>
    %swap3A_1314 = arith.constant 720 : index
    %swap3A_1315 = tpu.vector_load %arg9[%swap3A_1314] {strides = array<i32>} : memref<1024xf32, #tpu.memory_space<vmem>>, vector<16xf32>,
    tpu.vector_store %arg9[%swap3A_1314], %exp3A_1313 {strides = array<i32>} : memref<1024xf32, #tpu.memory_space<vmem>>, vector<16xf32>,
    %get3A_1316 = arith.constant 5 : i32
    %get3A_1317 = arith.index_cast %get3A_1316 : i32 to index
    %get3A_1318 = arith.constant 96 : index
    %get3A_1319 = tpu.vector_load %arg7[%get3A_1317, %get3A_1318] {strides = array<i32>} : memref<8x128xi32, #tpu.memory_space<vmem>>, vector<16xi32>,
    %gather3A_1320 = tpu.vector_load_idx %arg10[%get3A_1319] : memref<1024xf32, #tpu.memory_space<vmem>>[vector<16xi32>], vector<16xf32>,
    %get3A_1321 = arith.constant 5 : i32
    %get3A_1322 = arith.index_cast %get3A_1321 : i32 to index
    %get3A_1323 = arith.constant 96 : index
    %get3A_1324 = tpu.vector_load %arg8[%get3A_1322, %get3A_1323] {strides = array<i32>} : memref<8x128xi32, #tpu.memory_space<vmem>>, vector<16xi32>,
    %gather3A_1325 = tpu.vector_load_idx %arg11[%get3A_1324] : memref<1024xf32, #tpu.memory_space<vmem>>[vector<16xi32>], vector<16xf32>,
    %add3A_1326 = arith.addf %gather3A_1320, %gather3A_1325 : vector<16xf32>
    %ge3A_1327 = arith.constant 0.000000e+00 : f32
    %ge3A_1328 = vector.broadcast %ge3A_1327 : f32 to vector<16xf32>
    %ge3A_1329 = arith.cmpf oge, %add3A_1326, %ge3A_1328 : vector<16xf32>
    %mul3A_1330 = arith.constant 0.00999999977 : f32
    %mul3A_1331 = vector.broadcast %mul3A_1330 : f32 to vector<16xf32>
    %mul3A_1332 = arith.mulf %mul3A_1331, %add3A_1326 : vector<16xf32>
    %select_n3A_1333 = arith.select %ge3A_1329, %add3A_1326, %mul3A_1332 : vector<16xi1>, vector<16xf32>
    %exp3A_1334 = math.exp %select_n3A_1333 : vector<16xf32>
    %swap3A_1335 = arith.constant 736 : index
    %swap3A_1336 = tpu.vector_load %arg9[%swap3A_1335] {strides = array<i32>} : memref<1024xf32, #tpu.memory_space<vmem>>, vector<16xf32>,
    tpu.vector_store %arg9[%swap3A_1335], %exp3A_1334 {strides = array<i32>} : memref<1024xf32, #tpu.memory_space<vmem>>, vector<16xf32>,
    %get3A_1337 = arith.constant 5 : i32
    %get3A_1338 = arith.index_cast %get3A_1337 : i32 to index
    %get3A_1339 = arith.constant 112 : index
    %get3A_1340 = tpu.vector_load %arg7[%get3A_1338, %get3A_1339] {strides = array<i32>} : memref<8x128xi32, #tpu.memory_space<vmem>>, vector<16xi32>,
    %gather3A_1341 = tpu.vector_load_idx %arg10[%get3A_1340] : memref<1024xf32, #tpu.memory_space<vmem>>[vector<16xi32>], vector<16xf32>,
    %get3A_1342 = arith.constant 5 : i32
    %get3A_1343 = arith.index_cast %get3A_1342 : i32 to index
    %get3A_1344 = arith.constant 112 : index
    %get3A_1345 = tpu.vector_load %arg8[%get3A_1343, %get3A_1344] {strides = array<i32>} : memref<8x128xi32, #tpu.memory_space<vmem>>, vector<16xi32>,
    %gather3A_1346 = tpu.vector_load_idx %arg11[%get3A_1345] : memref<1024xf32, #tpu.memory_space<vmem>>[vector<16xi32>], vector<16xf32>,
    %add3A_1347 = arith.addf %gather3A_1341, %gather3A_1346 : vector<16xf32>
    %ge3A_1348 = arith.constant 0.000000e+00 : f32
    %ge3A_1349 = vector.broadcast %ge3A_1348 : f32 to vector<16xf32>
    %ge3A_1350 = arith.cmpf oge, %add3A_1347, %ge3A_1349 : vector<16xf32>
    %mul3A_1351 = arith.constant 0.00999999977 : f32
    %mul3A_1352 = vector.broadcast %mul3A_1351 : f32 to vector<16xf32>
    %mul3A_1353 = arith.mulf %mul3A_1352, %add3A_1347 : vector<16xf32>
    %select_n3A_1354 = arith.select %ge3A_1350, %add3A_1347, %mul3A_1353 : vector<16xi1>, vector<16xf32>
    %exp3A_1355 = math.exp %select_n3A_1354 : vector<16xf32>
    %swap3A_1356 = arith.constant 752 : index
    %swap3A_1357 = tpu.vector_load %arg9[%swap3A_1356] {strides = array<i32>} : memref<1024xf32, #tpu.memory_space<vmem>>, vector<16xf32>,
    tpu.vector_store %arg9[%swap3A_1356], %exp3A_1355 {strides = array<i32>} : memref<1024xf32, #tpu.memory_space<vmem>>, vector<16xf32>,
    %dma_start3A_1358 = arith.constant 5 : i32
    %dma_start3A_1359 = arith.constant 640 : i32
    %dma_start3A_1360 = tpu.memref_slice %arg9[%dma_start3A_1359] : memref<1024xf32, #tpu.memory_space<vmem>> -> memref<128xf32, #tpu.memory_space<vmem>>
    %dma_start3A_1361 = arith.constant 0 : i32
    %dma_start3A_1362 = tpu.memref_slice %arg7[%dma_start3A_1358, %dma_start3A_1361] : memref<8x128xi32, #tpu.memory_space<vmem>> -> memref<1x128xi32, #tpu.memory_space<vmem>>
    %dma_start3A_1363 = tpu.memref_squeeze %dma_start3A_1362 : memref<1x128xi32, #tpu.memory_space<vmem>> -> memref<128xi32, #tpu.memory_space<vmem>>
    %dma_start3A_1364 = arith.constant 0 : i32
    %dma_start3A_1365 = tpu.memref_slice %arg13[%dma_start3A_1364] : memref<1024xf32, #tpu.memory_space<vmem_shared>> -> memref<1024xf32, #tpu.memory_space<vmem_shared>>
    tpu.enqueue_indirect_dma source(%dma_start3A_1360 : memref<128xf32, #tpu.memory_space<vmem>>) target(%dma_start3A_1365 : memref<1024xf32, #tpu.memory_space<vmem_shared>>) offsets(%dma_start3A_1363 : memref<128xi32, #tpu.memory_space<vmem>>) semaphore(%arg16 : memref<!tpu.dma_semaphore, #tpu.memory_space<semaphore_mem>>) {add = true}
    %get3A_1366 = arith.constant 6 : i32
    %get3A_1367 = arith.index_cast %get3A_1366 : i32 to index
    %get3A_1368 = arith.constant 0 : index
    %get3A_1369 = tpu.vector_load %arg7[%get3A_1367, %get3A_1368] {strides = array<i32>} : memref<8x128xi32, #tpu.memory_space<vmem>>, vector<16xi32>,
    %gather3A_1370 = tpu.vector_load_idx %arg10[%get3A_1369] : memref<1024xf32, #tpu.memory_space<vmem>>[vector<16xi32>], vector<16xf32>,
    %get3A_1371 = arith.constant 6 : i32
    %get3A_1372 = arith.index_cast %get3A_1371 : i32 to index
    %get3A_1373 = arith.constant 0 : index
    %get3A_1374 = tpu.vector_load %arg8[%get3A_1372, %get3A_1373] {strides = array<i32>} : memref<8x128xi32, #tpu.memory_space<vmem>>, vector<16xi32>,
    %gather3A_1375 = tpu.vector_load_idx %arg11[%get3A_1374] : memref<1024xf32, #tpu.memory_space<vmem>>[vector<16xi32>], vector<16xf32>,
    %add3A_1376 = arith.addf %gather3A_1370, %gather3A_1375 : vector<16xf32>
    %ge3A_1377 = arith.constant 0.000000e+00 : f32
    %ge3A_1378 = vector.broadcast %ge3A_1377 : f32 to vector<16xf32>
    %ge3A_1379 = arith.cmpf oge, %add3A_1376, %ge3A_1378 : vector<16xf32>
    %mul3A_1380 = arith.constant 0.00999999977 : f32
    %mul3A_1381 = vector.broadcast %mul3A_1380 : f32 to vector<16xf32>
    %mul3A_1382 = arith.mulf %mul3A_1381, %add3A_1376 : vector<16xf32>
    %select_n3A_1383 = arith.select %ge3A_1379, %add3A_1376, %mul3A_1382 : vector<16xi1>, vector<16xf32>
    %exp3A_1384 = math.exp %select_n3A_1383 : vector<16xf32>
    %swap3A_1385 = arith.constant 768 : index
    %swap3A_1386 = tpu.vector_load %arg9[%swap3A_1385] {strides = array<i32>} : memref<1024xf32, #tpu.memory_space<vmem>>, vector<16xf32>,
    tpu.vector_store %arg9[%swap3A_1385], %exp3A_1384 {strides = array<i32>} : memref<1024xf32, #tpu.memory_space<vmem>>, vector<16xf32>,
    %get3A_1387 = arith.constant 6 : i32
    %get3A_1388 = arith.index_cast %get3A_1387 : i32 to index
    %get3A_1389 = arith.constant 16 : index
    %get3A_1390 = tpu.vector_load %arg7[%get3A_1388, %get3A_1389] {strides = array<i32>} : memref<8x128xi32, #tpu.memory_space<vmem>>, vector<16xi32>,
    %gather3A_1391 = tpu.vector_load_idx %arg10[%get3A_1390] : memref<1024xf32, #tpu.memory_space<vmem>>[vector<16xi32>], vector<16xf32>,
    %get3A_1392 = arith.constant 6 : i32
    %get3A_1393 = arith.index_cast %get3A_1392 : i32 to index
    %get3A_1394 = arith.constant 16 : index
    %get3A_1395 = tpu.vector_load %arg8[%get3A_1393, %get3A_1394] {strides = array<i32>} : memref<8x128xi32, #tpu.memory_space<vmem>>, vector<16xi32>,
    %gather3A_1396 = tpu.vector_load_idx %arg11[%get3A_1395] : memref<1024xf32, #tpu.memory_space<vmem>>[vector<16xi32>], vector<16xf32>,
    %add3A_1397 = arith.addf %gather3A_1391, %gather3A_1396 : vector<16xf32>
    %ge3A_1398 = arith.constant 0.000000e+00 : f32
    %ge3A_1399 = vector.broadcast %ge3A_1398 : f32 to vector<16xf32>
    %ge3A_1400 = arith.cmpf oge, %add3A_1397, %ge3A_1399 : vector<16xf32>
    %mul3A_1401 = arith.constant 0.00999999977 : f32
    %mul3A_1402 = vector.broadcast %mul3A_1401 : f32 to vector<16xf32>
    %mul3A_1403 = arith.mulf %mul3A_1402, %add3A_1397 : vector<16xf32>
    %select_n3A_1404 = arith.select %ge3A_1400, %add3A_1397, %mul3A_1403 : vector<16xi1>, vector<16xf32>
    %exp3A_1405 = math.exp %select_n3A_1404 : vector<16xf32>
    %swap3A_1406 = arith.constant 784 : index
    %swap3A_1407 = tpu.vector_load %arg9[%swap3A_1406] {strides = array<i32>} : memref<1024xf32, #tpu.memory_space<vmem>>, vector<16xf32>,
    tpu.vector_store %arg9[%swap3A_1406], %exp3A_1405 {strides = array<i32>} : memref<1024xf32, #tpu.memory_space<vmem>>, vector<16xf32>,
    %get3A_1408 = arith.constant 6 : i32
    %get3A_1409 = arith.index_cast %get3A_1408 : i32 to index
    %get3A_1410 = arith.constant 32 : index
    %get3A_1411 = tpu.vector_load %arg7[%get3A_1409, %get3A_1410] {strides = array<i32>} : memref<8x128xi32, #tpu.memory_space<vmem>>, vector<16xi32>,
    %gather3A_1412 = tpu.vector_load_idx %arg10[%get3A_1411] : memref<1024xf32, #tpu.memory_space<vmem>>[vector<16xi32>], vector<16xf32>,
    %get3A_1413 = arith.constant 6 : i32
    %get3A_1414 = arith.index_cast %get3A_1413 : i32 to index
    %get3A_1415 = arith.constant 32 : index
    %get3A_1416 = tpu.vector_load %arg8[%get3A_1414, %get3A_1415] {strides = array<i32>} : memref<8x128xi32, #tpu.memory_space<vmem>>, vector<16xi32>,
    %gather3A_1417 = tpu.vector_load_idx %arg11[%get3A_1416] : memref<1024xf32, #tpu.memory_space<vmem>>[vector<16xi32>], vector<16xf32>,
    %add3A_1418 = arith.addf %gather3A_1412, %gather3A_1417 : vector<16xf32>
    %ge3A_1419 = arith.constant 0.000000e+00 : f32
    %ge3A_1420 = vector.broadcast %ge3A_1419 : f32 to vector<16xf32>
    %ge3A_1421 = arith.cmpf oge, %add3A_1418, %ge3A_1420 : vector<16xf32>
    %mul3A_1422 = arith.constant 0.00999999977 : f32
    %mul3A_1423 = vector.broadcast %mul3A_1422 : f32 to vector<16xf32>
    %mul3A_1424 = arith.mulf %mul3A_1423, %add3A_1418 : vector<16xf32>
    %select_n3A_1425 = arith.select %ge3A_1421, %add3A_1418, %mul3A_1424 : vector<16xi1>, vector<16xf32>
    %exp3A_1426 = math.exp %select_n3A_1425 : vector<16xf32>
    %swap3A_1427 = arith.constant 800 : index
    %swap3A_1428 = tpu.vector_load %arg9[%swap3A_1427] {strides = array<i32>} : memref<1024xf32, #tpu.memory_space<vmem>>, vector<16xf32>,
    tpu.vector_store %arg9[%swap3A_1427], %exp3A_1426 {strides = array<i32>} : memref<1024xf32, #tpu.memory_space<vmem>>, vector<16xf32>,
    %get3A_1429 = arith.constant 6 : i32
    %get3A_1430 = arith.index_cast %get3A_1429 : i32 to index
    %get3A_1431 = arith.constant 48 : index
    %get3A_1432 = tpu.vector_load %arg7[%get3A_1430, %get3A_1431] {strides = array<i32>} : memref<8x128xi32, #tpu.memory_space<vmem>>, vector<16xi32>,
    %gather3A_1433 = tpu.vector_load_idx %arg10[%get3A_1432] : memref<1024xf32, #tpu.memory_space<vmem>>[vector<16xi32>], vector<16xf32>,
    %get3A_1434 = arith.constant 6 : i32
    %get3A_1435 = arith.index_cast %get3A_1434 : i32 to index
    %get3A_1436 = arith.constant 48 : index
    %get3A_1437 = tpu.vector_load %arg8[%get3A_1435, %get3A_1436] {strides = array<i32>} : memref<8x128xi32, #tpu.memory_space<vmem>>, vector<16xi32>,
    %gather3A_1438 = tpu.vector_load_idx %arg11[%get3A_1437] : memref<1024xf32, #tpu.memory_space<vmem>>[vector<16xi32>], vector<16xf32>,
    %add3A_1439 = arith.addf %gather3A_1433, %gather3A_1438 : vector<16xf32>
    %ge3A_1440 = arith.constant 0.000000e+00 : f32
    %ge3A_1441 = vector.broadcast %ge3A_1440 : f32 to vector<16xf32>
    %ge3A_1442 = arith.cmpf oge, %add3A_1439, %ge3A_1441 : vector<16xf32>
    %mul3A_1443 = arith.constant 0.00999999977 : f32
    %mul3A_1444 = vector.broadcast %mul3A_1443 : f32 to vector<16xf32>
    %mul3A_1445 = arith.mulf %mul3A_1444, %add3A_1439 : vector<16xf32>
    %select_n3A_1446 = arith.select %ge3A_1442, %add3A_1439, %mul3A_1445 : vector<16xi1>, vector<16xf32>
    %exp3A_1447 = math.exp %select_n3A_1446 : vector<16xf32>
    %swap3A_1448 = arith.constant 816 : index
    %swap3A_1449 = tpu.vector_load %arg9[%swap3A_1448] {strides = array<i32>} : memref<1024xf32, #tpu.memory_space<vmem>>, vector<16xf32>,
    tpu.vector_store %arg9[%swap3A_1448], %exp3A_1447 {strides = array<i32>} : memref<1024xf32, #tpu.memory_space<vmem>>, vector<16xf32>,
    %get3A_1450 = arith.constant 6 : i32
    %get3A_1451 = arith.index_cast %get3A_1450 : i32 to index
    %get3A_1452 = arith.constant 64 : index
    %get3A_1453 = tpu.vector_load %arg7[%get3A_1451, %get3A_1452] {strides = array<i32>} : memref<8x128xi32, #tpu.memory_space<vmem>>, vector<16xi32>,
    %gather3A_1454 = tpu.vector_load_idx %arg10[%get3A_1453] : memref<1024xf32, #tpu.memory_space<vmem>>[vector<16xi32>], vector<16xf32>,
    %get3A_1455 = arith.constant 6 : i32
    %get3A_1456 = arith.index_cast %get3A_1455 : i32 to index
    %get3A_1457 = arith.constant 64 : index
    %get3A_1458 = tpu.vector_load %arg8[%get3A_1456, %get3A_1457] {strides = array<i32>} : memref<8x128xi32, #tpu.memory_space<vmem>>, vector<16xi32>,
    %gather3A_1459 = tpu.vector_load_idx %arg11[%get3A_1458] : memref<1024xf32, #tpu.memory_space<vmem>>[vector<16xi32>], vector<16xf32>,
    %add3A_1460 = arith.addf %gather3A_1454, %gather3A_1459 : vector<16xf32>
    %ge3A_1461 = arith.constant 0.000000e+00 : f32
    %ge3A_1462 = vector.broadcast %ge3A_1461 : f32 to vector<16xf32>
    %ge3A_1463 = arith.cmpf oge, %add3A_1460, %ge3A_1462 : vector<16xf32>
    %mul3A_1464 = arith.constant 0.00999999977 : f32
    %mul3A_1465 = vector.broadcast %mul3A_1464 : f32 to vector<16xf32>
    %mul3A_1466 = arith.mulf %mul3A_1465, %add3A_1460 : vector<16xf32>
    %select_n3A_1467 = arith.select %ge3A_1463, %add3A_1460, %mul3A_1466 : vector<16xi1>, vector<16xf32>
    %exp3A_1468 = math.exp %select_n3A_1467 : vector<16xf32>
    %swap3A_1469 = arith.constant 832 : index
    %swap3A_1470 = tpu.vector_load %arg9[%swap3A_1469] {strides = array<i32>} : memref<1024xf32, #tpu.memory_space<vmem>>, vector<16xf32>,
    tpu.vector_store %arg9[%swap3A_1469], %exp3A_1468 {strides = array<i32>} : memref<1024xf32, #tpu.memory_space<vmem>>, vector<16xf32>,
    %get3A_1471 = arith.constant 6 : i32
    %get3A_1472 = arith.index_cast %get3A_1471 : i32 to index
    %get3A_1473 = arith.constant 80 : index
    %get3A_1474 = tpu.vector_load %arg7[%get3A_1472, %get3A_1473] {strides = array<i32>} : memref<8x128xi32, #tpu.memory_space<vmem>>, vector<16xi32>,
    %gather3A_1475 = tpu.vector_load_idx %arg10[%get3A_1474] : memref<1024xf32, #tpu.memory_space<vmem>>[vector<16xi32>], vector<16xf32>,
    %get3A_1476 = arith.constant 6 : i32
    %get3A_1477 = arith.index_cast %get3A_1476 : i32 to index
    %get3A_1478 = arith.constant 80 : index
    %get3A_1479 = tpu.vector_load %arg8[%get3A_1477, %get3A_1478] {strides = array<i32>} : memref<8x128xi32, #tpu.memory_space<vmem>>, vector<16xi32>,
    %gather3A_1480 = tpu.vector_load_idx %arg11[%get3A_1479] : memref<1024xf32, #tpu.memory_space<vmem>>[vector<16xi32>], vector<16xf32>,
    %add3A_1481 = arith.addf %gather3A_1475, %gather3A_1480 : vector<16xf32>
    %ge3A_1482 = arith.constant 0.000000e+00 : f32
    %ge3A_1483 = vector.broadcast %ge3A_1482 : f32 to vector<16xf32>
    %ge3A_1484 = arith.cmpf oge, %add3A_1481, %ge3A_1483 : vector<16xf32>
    %mul3A_1485 = arith.constant 0.00999999977 : f32
    %mul3A_1486 = vector.broadcast %mul3A_1485 : f32 to vector<16xf32>
    %mul3A_1487 = arith.mulf %mul3A_1486, %add3A_1481 : vector<16xf32>
    %select_n3A_1488 = arith.select %ge3A_1484, %add3A_1481, %mul3A_1487 : vector<16xi1>, vector<16xf32>
    %exp3A_1489 = math.exp %select_n3A_1488 : vector<16xf32>
    %swap3A_1490 = arith.constant 848 : index
    %swap3A_1491 = tpu.vector_load %arg9[%swap3A_1490] {strides = array<i32>} : memref<1024xf32, #tpu.memory_space<vmem>>, vector<16xf32>,
    tpu.vector_store %arg9[%swap3A_1490], %exp3A_1489 {strides = array<i32>} : memref<1024xf32, #tpu.memory_space<vmem>>, vector<16xf32>,
    %get3A_1492 = arith.constant 6 : i32
    %get3A_1493 = arith.index_cast %get3A_1492 : i32 to index
    %get3A_1494 = arith.constant 96 : index
    %get3A_1495 = tpu.vector_load %arg7[%get3A_1493, %get3A_1494] {strides = array<i32>} : memref<8x128xi32, #tpu.memory_space<vmem>>, vector<16xi32>,
    %gather3A_1496 = tpu.vector_load_idx %arg10[%get3A_1495] : memref<1024xf32, #tpu.memory_space<vmem>>[vector<16xi32>], vector<16xf32>,
    %get3A_1497 = arith.constant 6 : i32
    %get3A_1498 = arith.index_cast %get3A_1497 : i32 to index
    %get3A_1499 = arith.constant 96 : index
    %get3A_1500 = tpu.vector_load %arg8[%get3A_1498, %get3A_1499] {strides = array<i32>} : memref<8x128xi32, #tpu.memory_space<vmem>>, vector<16xi32>,
    %gather3A_1501 = tpu.vector_load_idx %arg11[%get3A_1500] : memref<1024xf32, #tpu.memory_space<vmem>>[vector<16xi32>], vector<16xf32>,
    %add3A_1502 = arith.addf %gather3A_1496, %gather3A_1501 : vector<16xf32>
    %ge3A_1503 = arith.constant 0.000000e+00 : f32
    %ge3A_1504 = vector.broadcast %ge3A_1503 : f32 to vector<16xf32>
    %ge3A_1505 = arith.cmpf oge, %add3A_1502, %ge3A_1504 : vector<16xf32>
    %mul3A_1506 = arith.constant 0.00999999977 : f32
    %mul3A_1507 = vector.broadcast %mul3A_1506 : f32 to vector<16xf32>
    %mul3A_1508 = arith.mulf %mul3A_1507, %add3A_1502 : vector<16xf32>
    %select_n3A_1509 = arith.select %ge3A_1505, %add3A_1502, %mul3A_1508 : vector<16xi1>, vector<16xf32>
    %exp3A_1510 = math.exp %select_n3A_1509 : vector<16xf32>
    %swap3A_1511 = arith.constant 864 : index
    %swap3A_1512 = tpu.vector_load %arg9[%swap3A_1511] {strides = array<i32>} : memref<1024xf32, #tpu.memory_space<vmem>>, vector<16xf32>,
    tpu.vector_store %arg9[%swap3A_1511], %exp3A_1510 {strides = array<i32>} : memref<1024xf32, #tpu.memory_space<vmem>>, vector<16xf32>,
    %get3A_1513 = arith.constant 6 : i32
    %get3A_1514 = arith.index_cast %get3A_1513 : i32 to index
    %get3A_1515 = arith.constant 112 : index
    %get3A_1516 = tpu.vector_load %arg7[%get3A_1514, %get3A_1515] {strides = array<i32>} : memref<8x128xi32, #tpu.memory_space<vmem>>, vector<16xi32>,
    %gather3A_1517 = tpu.vector_load_idx %arg10[%get3A_1516] : memref<1024xf32, #tpu.memory_space<vmem>>[vector<16xi32>], vector<16xf32>,
    %get3A_1518 = arith.constant 6 : i32
    %get3A_1519 = arith.index_cast %get3A_1518 : i32 to index
    %get3A_1520 = arith.constant 112 : index
    %get3A_1521 = tpu.vector_load %arg8[%get3A_1519, %get3A_1520] {strides = array<i32>} : memref<8x128xi32, #tpu.memory_space<vmem>>, vector<16xi32>,
    %gather3A_1522 = tpu.vector_load_idx %arg11[%get3A_1521] : memref<1024xf32, #tpu.memory_space<vmem>>[vector<16xi32>], vector<16xf32>,
    %add3A_1523 = arith.addf %gather3A_1517, %gather3A_1522 : vector<16xf32>
    %ge3A_1524 = arith.constant 0.000000e+00 : f32
    %ge3A_1525 = vector.broadcast %ge3A_1524 : f32 to vector<16xf32>
    %ge3A_1526 = arith.cmpf oge, %add3A_1523, %ge3A_1525 : vector<16xf32>
    %mul3A_1527 = arith.constant 0.00999999977 : f32
    %mul3A_1528 = vector.broadcast %mul3A_1527 : f32 to vector<16xf32>
    %mul3A_1529 = arith.mulf %mul3A_1528, %add3A_1523 : vector<16xf32>
    %select_n3A_1530 = arith.select %ge3A_1526, %add3A_1523, %mul3A_1529 : vector<16xi1>, vector<16xf32>
    %exp3A_1531 = math.exp %select_n3A_1530 : vector<16xf32>
    %swap3A_1532 = arith.constant 880 : index
    %swap3A_1533 = tpu.vector_load %arg9[%swap3A_1532] {strides = array<i32>} : memref<1024xf32, #tpu.memory_space<vmem>>, vector<16xf32>,
    tpu.vector_store %arg9[%swap3A_1532], %exp3A_1531 {strides = array<i32>} : memref<1024xf32, #tpu.memory_space<vmem>>, vector<16xf32>,
    %dma_start3A_1534 = arith.constant 6 : i32
    %dma_start3A_1535 = arith.constant 768 : i32
    %dma_start3A_1536 = tpu.memref_slice %arg9[%dma_start3A_1535] : memref<1024xf32, #tpu.memory_space<vmem>> -> memref<128xf32, #tpu.memory_space<vmem>>
    %dma_start3A_1537 = arith.constant 0 : i32
    %dma_start3A_1538 = tpu.memref_slice %arg7[%dma_start3A_1534, %dma_start3A_1537] : memref<8x128xi32, #tpu.memory_space<vmem>> -> memref<1x128xi32, #tpu.memory_space<vmem>>
    %dma_start3A_1539 = tpu.memref_squeeze %dma_start3A_1538 : memref<1x128xi32, #tpu.memory_space<vmem>> -> memref<128xi32, #tpu.memory_space<vmem>>
    %dma_start3A_1540 = arith.constant 0 : i32
    %dma_start3A_1541 = tpu.memref_slice %arg13[%dma_start3A_1540] : memref<1024xf32, #tpu.memory_space<vmem_shared>> -> memref<1024xf32, #tpu.memory_space<vmem_shared>>
    tpu.enqueue_indirect_dma source(%dma_start3A_1536 : memref<128xf32, #tpu.memory_space<vmem>>) target(%dma_start3A_1541 : memref<1024xf32, #tpu.memory_space<vmem_shared>>) offsets(%dma_start3A_1539 : memref<128xi32, #tpu.memory_space<vmem>>) semaphore(%arg16 : memref<!tpu.dma_semaphore, #tpu.memory_space<semaphore_mem>>) {add = true}
    %get3A_1542 = arith.constant 7 : i32
    %get3A_1543 = arith.index_cast %get3A_1542 : i32 to index
    %get3A_1544 = arith.constant 0 : index
    %get3A_1545 = tpu.vector_load %arg7[%get3A_1543, %get3A_1544] {strides = array<i32>} : memref<8x128xi32, #tpu.memory_space<vmem>>, vector<16xi32>,
    %gather3A_1546 = tpu.vector_load_idx %arg10[%get3A_1545] : memref<1024xf32, #tpu.memory_space<vmem>>[vector<16xi32>], vector<16xf32>,
    %get3A_1547 = arith.constant 7 : i32
    %get3A_1548 = arith.index_cast %get3A_1547 : i32 to index
    %get3A_1549 = arith.constant 0 : index
    %get3A_1550 = tpu.vector_load %arg8[%get3A_1548, %get3A_1549] {strides = array<i32>} : memref<8x128xi32, #tpu.memory_space<vmem>>, vector<16xi32>,
    %gather3A_1551 = tpu.vector_load_idx %arg11[%get3A_1550] : memref<1024xf32, #tpu.memory_space<vmem>>[vector<16xi32>], vector<16xf32>,
    %add3A_1552 = arith.addf %gather3A_1546, %gather3A_1551 : vector<16xf32>
    %ge3A_1553 = arith.constant 0.000000e+00 : f32
    %ge3A_1554 = vector.broadcast %ge3A_1553 : f32 to vector<16xf32>
    %ge3A_1555 = arith.cmpf oge, %add3A_1552, %ge3A_1554 : vector<16xf32>
    %mul3A_1556 = arith.constant 0.00999999977 : f32
    %mul3A_1557 = vector.broadcast %mul3A_1556 : f32 to vector<16xf32>
    %mul3A_1558 = arith.mulf %mul3A_1557, %add3A_1552 : vector<16xf32>
    %select_n3A_1559 = arith.select %ge3A_1555, %add3A_1552, %mul3A_1558 : vector<16xi1>, vector<16xf32>
    %exp3A_1560 = math.exp %select_n3A_1559 : vector<16xf32>
    %swap3A_1561 = arith.constant 896 : index
    %swap3A_1562 = tpu.vector_load %arg9[%swap3A_1561] {strides = array<i32>} : memref<1024xf32, #tpu.memory_space<vmem>>, vector<16xf32>,
    tpu.vector_store %arg9[%swap3A_1561], %exp3A_1560 {strides = array<i32>} : memref<1024xf32, #tpu.memory_space<vmem>>, vector<16xf32>,
    %get3A_1563 = arith.constant 7 : i32
    %get3A_1564 = arith.index_cast %get3A_1563 : i32 to index
    %get3A_1565 = arith.constant 16 : index
    %get3A_1566 = tpu.vector_load %arg7[%get3A_1564, %get3A_1565] {strides = array<i32>} : memref<8x128xi32, #tpu.memory_space<vmem>>, vector<16xi32>,
    %gather3A_1567 = tpu.vector_load_idx %arg10[%get3A_1566] : memref<1024xf32, #tpu.memory_space<vmem>>[vector<16xi32>], vector<16xf32>,
    %get3A_1568 = arith.constant 7 : i32
    %get3A_1569 = arith.index_cast %get3A_1568 : i32 to index
    %get3A_1570 = arith.constant 16 : index
    %get3A_1571 = tpu.vector_load %arg8[%get3A_1569, %get3A_1570] {strides = array<i32>} : memref<8x128xi32, #tpu.memory_space<vmem>>, vector<16xi32>,
    %gather3A_1572 = tpu.vector_load_idx %arg11[%get3A_1571] : memref<1024xf32, #tpu.memory_space<vmem>>[vector<16xi32>], vector<16xf32>,
    %add3A_1573 = arith.addf %gather3A_1567, %gather3A_1572 : vector<16xf32>
    %ge3A_1574 = arith.constant 0.000000e+00 : f32
    %ge3A_1575 = vector.broadcast %ge3A_1574 : f32 to vector<16xf32>
    %ge3A_1576 = arith.cmpf oge, %add3A_1573, %ge3A_1575 : vector<16xf32>
    %mul3A_1577 = arith.constant 0.00999999977 : f32
    %mul3A_1578 = vector.broadcast %mul3A_1577 : f32 to vector<16xf32>
    %mul3A_1579 = arith.mulf %mul3A_1578, %add3A_1573 : vector<16xf32>
    %select_n3A_1580 = arith.select %ge3A_1576, %add3A_1573, %mul3A_1579 : vector<16xi1>, vector<16xf32>
    %exp3A_1581 = math.exp %select_n3A_1580 : vector<16xf32>
    %swap3A_1582 = arith.constant 912 : index
    %swap3A_1583 = tpu.vector_load %arg9[%swap3A_1582] {strides = array<i32>} : memref<1024xf32, #tpu.memory_space<vmem>>, vector<16xf32>,
    tpu.vector_store %arg9[%swap3A_1582], %exp3A_1581 {strides = array<i32>} : memref<1024xf32, #tpu.memory_space<vmem>>, vector<16xf32>,
    %get3A_1584 = arith.constant 7 : i32
    %get3A_1585 = arith.index_cast %get3A_1584 : i32 to index
    %get3A_1586 = arith.constant 32 : index
    %get3A_1587 = tpu.vector_load %arg7[%get3A_1585, %get3A_1586] {strides = array<i32>} : memref<8x128xi32, #tpu.memory_space<vmem>>, vector<16xi32>,
    %gather3A_1588 = tpu.vector_load_idx %arg10[%get3A_1587] : memref<1024xf32, #tpu.memory_space<vmem>>[vector<16xi32>], vector<16xf32>,
    %get3A_1589 = arith.constant 7 : i32
    %get3A_1590 = arith.index_cast %get3A_1589 : i32 to index
    %get3A_1591 = arith.constant 32 : index
    %get3A_1592 = tpu.vector_load %arg8[%get3A_1590, %get3A_1591] {strides = array<i32>} : memref<8x128xi32, #tpu.memory_space<vmem>>, vector<16xi32>,
    %gather3A_1593 = tpu.vector_load_idx %arg11[%get3A_1592] : memref<1024xf32, #tpu.memory_space<vmem>>[vector<16xi32>], vector<16xf32>,
    %add3A_1594 = arith.addf %gather3A_1588, %gather3A_1593 : vector<16xf32>
    %ge3A_1595 = arith.constant 0.000000e+00 : f32
    %ge3A_1596 = vector.broadcast %ge3A_1595 : f32 to vector<16xf32>
    %ge3A_1597 = arith.cmpf oge, %add3A_1594, %ge3A_1596 : vector<16xf32>
    %mul3A_1598 = arith.constant 0.00999999977 : f32
    %mul3A_1599 = vector.broadcast %mul3A_1598 : f32 to vector<16xf32>
    %mul3A_1600 = arith.mulf %mul3A_1599, %add3A_1594 : vector<16xf32>
    %select_n3A_1601 = arith.select %ge3A_1597, %add3A_1594, %mul3A_1600 : vector<16xi1>, vector<16xf32>
    %exp3A_1602 = math.exp %select_n3A_1601 : vector<16xf32>
    %swap3A_1603 = arith.constant 928 : index
    %swap3A_1604 = tpu.vector_load %arg9[%swap3A_1603] {strides = array<i32>} : memref<1024xf32, #tpu.memory_space<vmem>>, vector<16xf32>,
    tpu.vector_store %arg9[%swap3A_1603], %exp3A_1602 {strides = array<i32>} : memref<1024xf32, #tpu.memory_space<vmem>>, vector<16xf32>,
    %get3A_1605 = arith.constant 7 : i32
    %get3A_1606 = arith.index_cast %get3A_1605 : i32 to index
    %get3A_1607 = arith.constant 48 : index
    %get3A_1608 = tpu.vector_load %arg7[%get3A_1606, %get3A_1607] {strides = array<i32>} : memref<8x128xi32, #tpu.memory_space<vmem>>, vector<16xi32>,
    %gather3A_1609 = tpu.vector_load_idx %arg10[%get3A_1608] : memref<1024xf32, #tpu.memory_space<vmem>>[vector<16xi32>], vector<16xf32>,
    %get3A_1610 = arith.constant 7 : i32
    %get3A_1611 = arith.index_cast %get3A_1610 : i32 to index
    %get3A_1612 = arith.constant 48 : index
    %get3A_1613 = tpu.vector_load %arg8[%get3A_1611, %get3A_1612] {strides = array<i32>} : memref<8x128xi32, #tpu.memory_space<vmem>>, vector<16xi32>,
    %gather3A_1614 = tpu.vector_load_idx %arg11[%get3A_1613] : memref<1024xf32, #tpu.memory_space<vmem>>[vector<16xi32>], vector<16xf32>,
    %add3A_1615 = arith.addf %gather3A_1609, %gather3A_1614 : vector<16xf32>
    %ge3A_1616 = arith.constant 0.000000e+00 : f32
    %ge3A_1617 = vector.broadcast %ge3A_1616 : f32 to vector<16xf32>
    %ge3A_1618 = arith.cmpf oge, %add3A_1615, %ge3A_1617 : vector<16xf32>
    %mul3A_1619 = arith.constant 0.00999999977 : f32
    %mul3A_1620 = vector.broadcast %mul3A_1619 : f32 to vector<16xf32>
    %mul3A_1621 = arith.mulf %mul3A_1620, %add3A_1615 : vector<16xf32>
    %select_n3A_1622 = arith.select %ge3A_1618, %add3A_1615, %mul3A_1621 : vector<16xi1>, vector<16xf32>
    %exp3A_1623 = math.exp %select_n3A_1622 : vector<16xf32>
    %swap3A_1624 = arith.constant 944 : index
    %swap3A_1625 = tpu.vector_load %arg9[%swap3A_1624] {strides = array<i32>} : memref<1024xf32, #tpu.memory_space<vmem>>, vector<16xf32>,
    tpu.vector_store %arg9[%swap3A_1624], %exp3A_1623 {strides = array<i32>} : memref<1024xf32, #tpu.memory_space<vmem>>, vector<16xf32>,
    %get3A_1626 = arith.constant 7 : i32
    %get3A_1627 = arith.index_cast %get3A_1626 : i32 to index
    %get3A_1628 = arith.constant 64 : index
    %get3A_1629 = tpu.vector_load %arg7[%get3A_1627, %get3A_1628] {strides = array<i32>} : memref<8x128xi32, #tpu.memory_space<vmem>>, vector<16xi32>,
    %gather3A_1630 = tpu.vector_load_idx %arg10[%get3A_1629] : memref<1024xf32, #tpu.memory_space<vmem>>[vector<16xi32>], vector<16xf32>,
    %get3A_1631 = arith.constant 7 : i32
    %get3A_1632 = arith.index_cast %get3A_1631 : i32 to index
    %get3A_1633 = arith.constant 64 : index
    %get3A_1634 = tpu.vector_load %arg8[%get3A_1632, %get3A_1633] {strides = array<i32>} : memref<8x128xi32, #tpu.memory_space<vmem>>, vector<16xi32>,
    %gather3A_1635 = tpu.vector_load_idx %arg11[%get3A_1634] : memref<1024xf32, #tpu.memory_space<vmem>>[vector<16xi32>], vector<16xf32>,
    %add3A_1636 = arith.addf %gather3A_1630, %gather3A_1635 : vector<16xf32>
    %ge3A_1637 = arith.constant 0.000000e+00 : f32
    %ge3A_1638 = vector.broadcast %ge3A_1637 : f32 to vector<16xf32>
    %ge3A_1639 = arith.cmpf oge, %add3A_1636, %ge3A_1638 : vector<16xf32>
    %mul3A_1640 = arith.constant 0.00999999977 : f32
    %mul3A_1641 = vector.broadcast %mul3A_1640 : f32 to vector<16xf32>
    %mul3A_1642 = arith.mulf %mul3A_1641, %add3A_1636 : vector<16xf32>
    %select_n3A_1643 = arith.select %ge3A_1639, %add3A_1636, %mul3A_1642 : vector<16xi1>, vector<16xf32>
    %exp3A_1644 = math.exp %select_n3A_1643 : vector<16xf32>
    %swap3A_1645 = arith.constant 960 : index
    %swap3A_1646 = tpu.vector_load %arg9[%swap3A_1645] {strides = array<i32>} : memref<1024xf32, #tpu.memory_space<vmem>>, vector<16xf32>,
    tpu.vector_store %arg9[%swap3A_1645], %exp3A_1644 {strides = array<i32>} : memref<1024xf32, #tpu.memory_space<vmem>>, vector<16xf32>,
    %get3A_1647 = arith.constant 7 : i32
    %get3A_1648 = arith.index_cast %get3A_1647 : i32 to index
    %get3A_1649 = arith.constant 80 : index
    %get3A_1650 = tpu.vector_load %arg7[%get3A_1648, %get3A_1649] {strides = array<i32>} : memref<8x128xi32, #tpu.memory_space<vmem>>, vector<16xi32>,
    %gather3A_1651 = tpu.vector_load_idx %arg10[%get3A_1650] : memref<1024xf32, #tpu.memory_space<vmem>>[vector<16xi32>], vector<16xf32>,
    %get3A_1652 = arith.constant 7 : i32
    %get3A_1653 = arith.index_cast %get3A_1652 : i32 to index
    %get3A_1654 = arith.constant 80 : index
    %get3A_1655 = tpu.vector_load %arg8[%get3A_1653, %get3A_1654] {strides = array<i32>} : memref<8x128xi32, #tpu.memory_space<vmem>>, vector<16xi32>,
    %gather3A_1656 = tpu.vector_load_idx %arg11[%get3A_1655] : memref<1024xf32, #tpu.memory_space<vmem>>[vector<16xi32>], vector<16xf32>,
    %add3A_1657 = arith.addf %gather3A_1651, %gather3A_1656 : vector<16xf32>
    %ge3A_1658 = arith.constant 0.000000e+00 : f32
    %ge3A_1659 = vector.broadcast %ge3A_1658 : f32 to vector<16xf32>
    %ge3A_1660 = arith.cmpf oge, %add3A_1657, %ge3A_1659 : vector<16xf32>
    %mul3A_1661 = arith.constant 0.00999999977 : f32
    %mul3A_1662 = vector.broadcast %mul3A_1661 : f32 to vector<16xf32>
    %mul3A_1663 = arith.mulf %mul3A_1662, %add3A_1657 : vector<16xf32>
    %select_n3A_1664 = arith.select %ge3A_1660, %add3A_1657, %mul3A_1663 : vector<16xi1>, vector<16xf32>
    %exp3A_1665 = math.exp %select_n3A_1664 : vector<16xf32>
    %swap3A_1666 = arith.constant 976 : index
    %swap3A_1667 = tpu.vector_load %arg9[%swap3A_1666] {strides = array<i32>} : memref<1024xf32, #tpu.memory_space<vmem>>, vector<16xf32>,
    tpu.vector_store %arg9[%swap3A_1666], %exp3A_1665 {strides = array<i32>} : memref<1024xf32, #tpu.memory_space<vmem>>, vector<16xf32>,
    %get3A_1668 = arith.constant 7 : i32
    %get3A_1669 = arith.index_cast %get3A_1668 : i32 to index
    %get3A_1670 = arith.constant 96 : index
    %get3A_1671 = tpu.vector_load %arg7[%get3A_1669, %get3A_1670] {strides = array<i32>} : memref<8x128xi32, #tpu.memory_space<vmem>>, vector<16xi32>,
    %gather3A_1672 = tpu.vector_load_idx %arg10[%get3A_1671] : memref<1024xf32, #tpu.memory_space<vmem>>[vector<16xi32>], vector<16xf32>,
    %get3A_1673 = arith.constant 7 : i32
    %get3A_1674 = arith.index_cast %get3A_1673 : i32 to index
    %get3A_1675 = arith.constant 96 : index
    %get3A_1676 = tpu.vector_load %arg8[%get3A_1674, %get3A_1675] {strides = array<i32>} : memref<8x128xi32, #tpu.memory_space<vmem>>, vector<16xi32>,
    %gather3A_1677 = tpu.vector_load_idx %arg11[%get3A_1676] : memref<1024xf32, #tpu.memory_space<vmem>>[vector<16xi32>], vector<16xf32>,
    %add3A_1678 = arith.addf %gather3A_1672, %gather3A_1677 : vector<16xf32>
    %ge3A_1679 = arith.constant 0.000000e+00 : f32
    %ge3A_1680 = vector.broadcast %ge3A_1679 : f32 to vector<16xf32>
    %ge3A_1681 = arith.cmpf oge, %add3A_1678, %ge3A_1680 : vector<16xf32>
    %mul3A_1682 = arith.constant 0.00999999977 : f32
    %mul3A_1683 = vector.broadcast %mul3A_1682 : f32 to vector<16xf32>
    %mul3A_1684 = arith.mulf %mul3A_1683, %add3A_1678 : vector<16xf32>
    %select_n3A_1685 = arith.select %ge3A_1681, %add3A_1678, %mul3A_1684 : vector<16xi1>, vector<16xf32>
    %exp3A_1686 = math.exp %select_n3A_1685 : vector<16xf32>
    %swap3A_1687 = arith.constant 992 : index
    %swap3A_1688 = tpu.vector_load %arg9[%swap3A_1687] {strides = array<i32>} : memref<1024xf32, #tpu.memory_space<vmem>>, vector<16xf32>,
    tpu.vector_store %arg9[%swap3A_1687], %exp3A_1686 {strides = array<i32>} : memref<1024xf32, #tpu.memory_space<vmem>>, vector<16xf32>,
    %get3A_1689 = arith.constant 7 : i32
    %get3A_1690 = arith.index_cast %get3A_1689 : i32 to index
    %get3A_1691 = arith.constant 112 : index
    %get3A_1692 = tpu.vector_load %arg7[%get3A_1690, %get3A_1691] {strides = array<i32>} : memref<8x128xi32, #tpu.memory_space<vmem>>, vector<16xi32>,
    %gather3A_1693 = tpu.vector_load_idx %arg10[%get3A_1692] : memref<1024xf32, #tpu.memory_space<vmem>>[vector<16xi32>], vector<16xf32>,
    %get3A_1694 = arith.constant 7 : i32
    %get3A_1695 = arith.index_cast %get3A_1694 : i32 to index
    %get3A_1696 = arith.constant 112 : index
    %get3A_1697 = tpu.vector_load %arg8[%get3A_1695, %get3A_1696] {strides = array<i32>} : memref<8x128xi32, #tpu.memory_space<vmem>>, vector<16xi32>,
    %gather3A_1698 = tpu.vector_load_idx %arg11[%get3A_1697] : memref<1024xf32, #tpu.memory_space<vmem>>[vector<16xi32>], vector<16xf32>,
    %add3A_1699 = arith.addf %gather3A_1693, %gather3A_1698 : vector<16xf32>
    %ge3A_1700 = arith.constant 0.000000e+00 : f32
    %ge3A_1701 = vector.broadcast %ge3A_1700 : f32 to vector<16xf32>
    %ge3A_1702 = arith.cmpf oge, %add3A_1699, %ge3A_1701 : vector<16xf32>
    %mul3A_1703 = arith.constant 0.00999999977 : f32
    %mul3A_1704 = vector.broadcast %mul3A_1703 : f32 to vector<16xf32>
    %mul3A_1705 = arith.mulf %mul3A_1704, %add3A_1699 : vector<16xf32>
    %select_n3A_1706 = arith.select %ge3A_1702, %add3A_1699, %mul3A_1705 : vector<16xi1>, vector<16xf32>
    %exp3A_1707 = math.exp %select_n3A_1706 : vector<16xf32>
    %swap3A_1708 = arith.constant 1008 : index
    %swap3A_1709 = tpu.vector_load %arg9[%swap3A_1708] {strides = array<i32>} : memref<1024xf32, #tpu.memory_space<vmem>>, vector<16xf32>,
    tpu.vector_store %arg9[%swap3A_1708], %exp3A_1707 {strides = array<i32>} : memref<1024xf32, #tpu.memory_space<vmem>>, vector<16xf32>,
    %dma_start3A_1710 = arith.constant 7 : i32
    %dma_start3A_1711 = arith.constant 896 : i32
    %dma_start3A_1712 = tpu.memref_slice %arg9[%dma_start3A_1711] : memref<1024xf32, #tpu.memory_space<vmem>> -> memref<128xf32, #tpu.memory_space<vmem>>
    %dma_start3A_1713 = arith.constant 0 : i32
    %dma_start3A_1714 = tpu.memref_slice %arg7[%dma_start3A_1710, %dma_start3A_1713] : memref<8x128xi32, #tpu.memory_space<vmem>> -> memref<1x128xi32, #tpu.memory_space<vmem>>
    %dma_start3A_1715 = tpu.memref_squeeze %dma_start3A_1714 : memref<1x128xi32, #tpu.memory_space<vmem>> -> memref<128xi32, #tpu.memory_space<vmem>>
    %dma_start3A_1716 = arith.constant 0 : i32
    %dma_start3A_1717 = tpu.memref_slice %arg13[%dma_start3A_1716] : memref<1024xf32, #tpu.memory_space<vmem_shared>> -> memref<1024xf32, #tpu.memory_space<vmem_shared>>
    tpu.enqueue_indirect_dma source(%dma_start3A_1712 : memref<128xf32, #tpu.memory_space<vmem>>) target(%dma_start3A_1717 : memref<1024xf32, #tpu.memory_space<vmem_shared>>) offsets(%dma_start3A_1715 : memref<128xi32, #tpu.memory_space<vmem>>) semaphore(%arg16 : memref<!tpu.dma_semaphore, #tpu.memory_space<semaphore_mem>>) {add = true}
    %mul3A_1718 = arith.constant 1024 : i32
    %mul3A_1719 = arith.muli %add3A, %mul3A_1718 : i32
    %dma_start3A_1720 = tpu.memref_slice %arg5[%mul3A_1719] : memref<32768xf32, #tpu.memory_space<hbm>> -> memref<1024xf32, #tpu.memory_space<hbm>>
    %dma_start3A_1721 = tpu.memref_slice %arg5[%mul3A_1719] : memref<32768xf32, #tpu.memory_space<hbm>> -> memref<1024xf32, #tpu.memory_space<hbm>>
    tpu.enqueue_dma source(%arg9 : memref<1024xf32, #tpu.memory_space<vmem>>) target(%dma_start3A_1721 : memref<1024xf32, #tpu.memory_space<hbm>>) target_semaphore(%arg15 : memref<!tpu.dma_semaphore, #tpu.memory_space<semaphore_mem>>)
    %dma_wait3A_1722 = arith.constant 0 : i32
    %dma_wait3A_1723 = arith.constant 0 : i32
    %dma_wait3A_1724 = tpu.memref_slice %arg9[%dma_wait3A_1723] : memref<1024xf32, #tpu.memory_space<vmem>> -> memref<128xf32, #tpu.memory_space<vmem>>
    %dma_wait3A_1725 = arith.constant 0 : i32
    %dma_wait3A_1726 = tpu.memref_slice %arg7[%dma_wait3A_1722, %dma_wait3A_1725] : memref<8x128xi32, #tpu.memory_space<vmem>> -> memref<1x128xi32, #tpu.memory_space<vmem>>
    %dma_wait3A_1727 = tpu.memref_squeeze %dma_wait3A_1726 : memref<1x128xi32, #tpu.memory_space<vmem>> -> memref<128xi32, #tpu.memory_space<vmem>>
    %dma_wait3A_1728 = arith.constant 0 : i32
    %dma_wait3A_1729 = tpu.memref_slice %arg13[%dma_wait3A_1728] : memref<1024xf32, #tpu.memory_space<vmem_shared>> -> memref<1024xf32, #tpu.memory_space<vmem_shared>>
    tpu.wait_indirect_dma semaphore(%arg16 : memref<!tpu.dma_semaphore, #tpu.memory_space<semaphore_mem>>) src(%dma_wait3A_1724 : memref<128xf32, #tpu.memory_space<vmem>>) dst(%dma_wait3A_1729 : memref<1024xf32, #tpu.memory_space<vmem_shared>>)
    %dma_wait3A_1730 = arith.constant 1 : i32
    %dma_wait3A_1731 = arith.constant 128 : i32
    %dma_wait3A_1732 = tpu.memref_slice %arg9[%dma_wait3A_1731] : memref<1024xf32, #tpu.memory_space<vmem>> -> memref<128xf32, #tpu.memory_space<vmem>>
    %dma_wait3A_1733 = arith.constant 0 : i32
    %dma_wait3A_1734 = tpu.memref_slice %arg7[%dma_wait3A_1730, %dma_wait3A_1733] : memref<8x128xi32, #tpu.memory_space<vmem>> -> memref<1x128xi32, #tpu.memory_space<vmem>>
    %dma_wait3A_1735 = tpu.memref_squeeze %dma_wait3A_1734 : memref<1x128xi32, #tpu.memory_space<vmem>> -> memref<128xi32, #tpu.memory_space<vmem>>
    %dma_wait3A_1736 = arith.constant 0 : i32
    %dma_wait3A_1737 = tpu.memref_slice %arg13[%dma_wait3A_1736] : memref<1024xf32, #tpu.memory_space<vmem_shared>> -> memref<1024xf32, #tpu.memory_space<vmem_shared>>
    tpu.wait_indirect_dma semaphore(%arg16 : memref<!tpu.dma_semaphore, #tpu.memory_space<semaphore_mem>>) src(%dma_wait3A_1732 : memref<128xf32, #tpu.memory_space<vmem>>) dst(%dma_wait3A_1737 : memref<1024xf32, #tpu.memory_space<vmem_shared>>)
    %dma_wait3A_1738 = arith.constant 2 : i32
    %dma_wait3A_1739 = arith.constant 256 : i32
    %dma_wait3A_1740 = tpu.memref_slice %arg9[%dma_wait3A_1739] : memref<1024xf32, #tpu.memory_space<vmem>> -> memref<128xf32, #tpu.memory_space<vmem>>
    %dma_wait3A_1741 = arith.constant 0 : i32
    %dma_wait3A_1742 = tpu.memref_slice %arg7[%dma_wait3A_1738, %dma_wait3A_1741] : memref<8x128xi32, #tpu.memory_space<vmem>> -> memref<1x128xi32, #tpu.memory_space<vmem>>
    %dma_wait3A_1743 = tpu.memref_squeeze %dma_wait3A_1742 : memref<1x128xi32, #tpu.memory_space<vmem>> -> memref<128xi32, #tpu.memory_space<vmem>>
    %dma_wait3A_1744 = arith.constant 0 : i32
    %dma_wait3A_1745 = tpu.memref_slice %arg13[%dma_wait3A_1744] : memref<1024xf32, #tpu.memory_space<vmem_shared>> -> memref<1024xf32, #tpu.memory_space<vmem_shared>>
    tpu.wait_indirect_dma semaphore(%arg16 : memref<!tpu.dma_semaphore, #tpu.memory_space<semaphore_mem>>) src(%dma_wait3A_1740 : memref<128xf32, #tpu.memory_space<vmem>>) dst(%dma_wait3A_1745 : memref<1024xf32, #tpu.memory_space<vmem_shared>>)
    %dma_wait3A_1746 = arith.constant 3 : i32
    %dma_wait3A_1747 = arith.constant 384 : i32
    %dma_wait3A_1748 = tpu.memref_slice %arg9[%dma_wait3A_1747] : memref<1024xf32, #tpu.memory_space<vmem>> -> memref<128xf32, #tpu.memory_space<vmem>>
    %dma_wait3A_1749 = arith.constant 0 : i32
    %dma_wait3A_1750 = tpu.memref_slice %arg7[%dma_wait3A_1746, %dma_wait3A_1749] : memref<8x128xi32, #tpu.memory_space<vmem>> -> memref<1x128xi32, #tpu.memory_space<vmem>>
    %dma_wait3A_1751 = tpu.memref_squeeze %dma_wait3A_1750 : memref<1x128xi32, #tpu.memory_space<vmem>> -> memref<128xi32, #tpu.memory_space<vmem>>
    %dma_wait3A_1752 = arith.constant 0 : i32
    %dma_wait3A_1753 = tpu.memref_slice %arg13[%dma_wait3A_1752] : memref<1024xf32, #tpu.memory_space<vmem_shared>> -> memref<1024xf32, #tpu.memory_space<vmem_shared>>
    tpu.wait_indirect_dma semaphore(%arg16 : memref<!tpu.dma_semaphore, #tpu.memory_space<semaphore_mem>>) src(%dma_wait3A_1748 : memref<128xf32, #tpu.memory_space<vmem>>) dst(%dma_wait3A_1753 : memref<1024xf32, #tpu.memory_space<vmem_shared>>)
    %dma_wait3A_1754 = arith.constant 4 : i32
    %dma_wait3A_1755 = arith.constant 512 : i32
    %dma_wait3A_1756 = tpu.memref_slice %arg9[%dma_wait3A_1755] : memref<1024xf32, #tpu.memory_space<vmem>> -> memref<128xf32, #tpu.memory_space<vmem>>
    %dma_wait3A_1757 = arith.constant 0 : i32
    %dma_wait3A_1758 = tpu.memref_slice %arg7[%dma_wait3A_1754, %dma_wait3A_1757] : memref<8x128xi32, #tpu.memory_space<vmem>> -> memref<1x128xi32, #tpu.memory_space<vmem>>
    %dma_wait3A_1759 = tpu.memref_squeeze %dma_wait3A_1758 : memref<1x128xi32, #tpu.memory_space<vmem>> -> memref<128xi32, #tpu.memory_space<vmem>>
    %dma_wait3A_1760 = arith.constant 0 : i32
    %dma_wait3A_1761 = tpu.memref_slice %arg13[%dma_wait3A_1760] : memref<1024xf32, #tpu.memory_space<vmem_shared>> -> memref<1024xf32, #tpu.memory_space<vmem_shared>>
    tpu.wait_indirect_dma semaphore(%arg16 : memref<!tpu.dma_semaphore, #tpu.memory_space<semaphore_mem>>) src(%dma_wait3A_1756 : memref<128xf32, #tpu.memory_space<vmem>>) dst(%dma_wait3A_1761 : memref<1024xf32, #tpu.memory_space<vmem_shared>>)
    %dma_wait3A_1762 = arith.constant 5 : i32
    %dma_wait3A_1763 = arith.constant 640 : i32
    %dma_wait3A_1764 = tpu.memref_slice %arg9[%dma_wait3A_1763] : memref<1024xf32, #tpu.memory_space<vmem>> -> memref<128xf32, #tpu.memory_space<vmem>>
    %dma_wait3A_1765 = arith.constant 0 : i32
    %dma_wait3A_1766 = tpu.memref_slice %arg7[%dma_wait3A_1762, %dma_wait3A_1765] : memref<8x128xi32, #tpu.memory_space<vmem>> -> memref<1x128xi32, #tpu.memory_space<vmem>>
    %dma_wait3A_1767 = tpu.memref_squeeze %dma_wait3A_1766 : memref<1x128xi32, #tpu.memory_space<vmem>> -> memref<128xi32, #tpu.memory_space<vmem>>
    %dma_wait3A_1768 = arith.constant 0 : i32
    %dma_wait3A_1769 = tpu.memref_slice %arg13[%dma_wait3A_1768] : memref<1024xf32, #tpu.memory_space<vmem_shared>> -> memref<1024xf32, #tpu.memory_space<vmem_shared>>
    tpu.wait_indirect_dma semaphore(%arg16 : memref<!tpu.dma_semaphore, #tpu.memory_space<semaphore_mem>>) src(%dma_wait3A_1764 : memref<128xf32, #tpu.memory_space<vmem>>) dst(%dma_wait3A_1769 : memref<1024xf32, #tpu.memory_space<vmem_shared>>)
    %dma_wait3A_1770 = arith.constant 6 : i32
    %dma_wait3A_1771 = arith.constant 768 : i32
    %dma_wait3A_1772 = tpu.memref_slice %arg9[%dma_wait3A_1771] : memref<1024xf32, #tpu.memory_space<vmem>> -> memref<128xf32, #tpu.memory_space<vmem>>
    %dma_wait3A_1773 = arith.constant 0 : i32
    %dma_wait3A_1774 = tpu.memref_slice %arg7[%dma_wait3A_1770, %dma_wait3A_1773] : memref<8x128xi32, #tpu.memory_space<vmem>> -> memref<1x128xi32, #tpu.memory_space<vmem>>
    %dma_wait3A_1775 = tpu.memref_squeeze %dma_wait3A_1774 : memref<1x128xi32, #tpu.memory_space<vmem>> -> memref<128xi32, #tpu.memory_space<vmem>>
    %dma_wait3A_1776 = arith.constant 0 : i32
    %dma_wait3A_1777 = tpu.memref_slice %arg13[%dma_wait3A_1776] : memref<1024xf32, #tpu.memory_space<vmem_shared>> -> memref<1024xf32, #tpu.memory_space<vmem_shared>>
    tpu.wait_indirect_dma semaphore(%arg16 : memref<!tpu.dma_semaphore, #tpu.memory_space<semaphore_mem>>) src(%dma_wait3A_1772 : memref<128xf32, #tpu.memory_space<vmem>>) dst(%dma_wait3A_1777 : memref<1024xf32, #tpu.memory_space<vmem_shared>>)
    %dma_wait3A_1778 = arith.constant 7 : i32
    %dma_wait3A_1779 = arith.constant 896 : i32
    %dma_wait3A_1780 = tpu.memref_slice %arg9[%dma_wait3A_1779] : memref<1024xf32, #tpu.memory_space<vmem>> -> memref<128xf32, #tpu.memory_space<vmem>>
    %dma_wait3A_1781 = arith.constant 0 : i32
    %dma_wait3A_1782 = tpu.memref_slice %arg7[%dma_wait3A_1778, %dma_wait3A_1781] : memref<8x128xi32, #tpu.memory_space<vmem>> -> memref<1x128xi32, #tpu.memory_space<vmem>>
    %dma_wait3A_1783 = tpu.memref_squeeze %dma_wait3A_1782 : memref<1x128xi32, #tpu.memory_space<vmem>> -> memref<128xi32, #tpu.memory_space<vmem>>
    %dma_wait3A_1784 = arith.constant 0 : i32
    %dma_wait3A_1785 = tpu.memref_slice %arg13[%dma_wait3A_1784] : memref<1024xf32, #tpu.memory_space<vmem_shared>> -> memref<1024xf32, #tpu.memory_space<vmem_shared>>
    tpu.wait_indirect_dma semaphore(%arg16 : memref<!tpu.dma_semaphore, #tpu.memory_space<semaphore_mem>>) src(%dma_wait3A_1780 : memref<128xf32, #tpu.memory_space<vmem>>) dst(%dma_wait3A_1785 : memref<1024xf32, #tpu.memory_space<vmem_shared>>)
    %barrier3A_1786 = arith.constant 0 : index
    tpu.barrier barrier_id(%barrier3A_1786)
    %eq3A_1787 = arith.constant 0 : i32
    %eq3A_1788 = arith.cmpi eq, %arg1, %eq3A_1787 : i32
    %convert_element_type3A_1789 = arith.extui %eq3A_1788 : i1 to i32
    %cond3A_1790 = arith.constant 0 : i32
    %cond3A_1791 = arith.cmpi ne, %convert_element_type3A_1789, %cond3A_1790 : i32
    scf.if %cond3A_1791 {
      "tpu.region"() ({
        %run_scoped3A = tpu.sem_alloc : memref<!tpu.dma_semaphore, #tpu.memory_space<semaphore_mem>>
        %dma_start3A_1794 = arith.constant 0 : i32
        %dma_start3A_1795 = tpu.memref_slice %arg6[%arg0, %dma_start3A_1794] : memref<2x1024xf32, #tpu.memory_space<hbm>> -> memref<1x1024xf32, #tpu.memory_space<hbm>>
        %dma_start3A_1796 = tpu.memref_squeeze %dma_start3A_1795 : memref<1x1024xf32, #tpu.memory_space<hbm>> -> memref<1024xf32, #tpu.memory_space<hbm>>
        tpu.enqueue_dma source(%arg13 : memref<1024xf32, #tpu.memory_space<vmem_shared>>) target(%dma_start3A_1796 : memref<1024xf32, #tpu.memory_space<hbm>>) target_semaphore(%run_scoped3A : memref<!tpu.dma_semaphore, #tpu.memory_space<semaphore_mem>>)
        %dma_wait3A_1797 = arith.constant 0 : i32
        %dma_wait3A_1798 = tpu.memref_slice %arg6[%arg0, %dma_wait3A_1797] : memref<2x1024xf32, #tpu.memory_space<hbm>> -> memref<1x1024xf32, #tpu.memory_space<hbm>>
        %dma_wait3A_1799 = tpu.memref_squeeze %dma_wait3A_1798 : memref<1x1024xf32, #tpu.memory_space<hbm>> -> memref<1024xf32, #tpu.memory_space<hbm>>
        tpu.wait_dma2 semaphore(%run_scoped3A : memref<!tpu.dma_semaphore, #tpu.memory_space<semaphore_mem>>) src(%arg13 : memref<1024xf32, #tpu.memory_space<vmem_shared>>) dst(%dma_wait3A_1799 : memref<1024xf32, #tpu.memory_space<hbm>>)
        tpu.yield
      }) : () -> ()
    } else {
    }
    %dma_wait3A_1792 = tpu.memref_slice %arg5[%mul3A_1719] : memref<32768xf32, #tpu.memory_space<hbm>> -> memref<1024xf32, #tpu.memory_space<hbm>>
    %dma_wait3A_1793 = tpu.memref_slice %arg5[%mul3A_1719] : memref<32768xf32, #tpu.memory_space<hbm>> -> memref<1024xf32, #tpu.memory_space<hbm>>
    tpu.wait_dma2 semaphore(%arg15 : memref<!tpu.dma_semaphore, #tpu.memory_space<semaphore_mem>>) src(%arg9 : memref<1024xf32, #tpu.memory_space<vmem>>) dst(%dma_wait3A_1793 : memref<1024xf32, #tpu.memory_space<hbm>>)
    return
  }
}

module attributes {stable_mosaic.version = 14 : i64} {
  func.func @_uv_body(%arg0: memref<1024x512xf32, #tpu.memory_space<vmem>>, %arg1: memref<512x512xf32, #tpu.memory_space<vmem>>, %arg2: memref<2x512xf32, #tpu.memory_space<vmem>>, %arg3: memref<2x1024xf32, #tpu.memory_space<vmem>>) attributes {dimension_semantics = [], scalar_prefetch = 0 : i64, scratch_operands = 0 : i64, tpu.core_type = #tpu.core_type<tc>} {
    %get3A = arith.constant 0 : index
    %get3A_0 = arith.constant 0 : index
    %get3A_1 = vector.load %arg2[%get3A, %get3A_0] : memref<2x512xf32, #tpu.memory_space<vmem>>, vector<2x512xf32>
    %get3A_2 = arith.constant 0 : index
    %get3A_3 = arith.constant 0 : index
    %get3A_4 = vector.load %arg1[%get3A_2, %get3A_3] : memref<512x512xf32, #tpu.memory_space<vmem>>, vector<512x512xf32>
    %dot_general3A = arith.constant dense<0.000000e+00> : vector<2x512xf32>
    %dot_general3A_5 = tpu.matmul %get3A_1, %get3A_4, %dot_general3A {dimension_numbers = #tpu.dot_dimension_numbers<[1], [0], [0], [1], [0, 0, 1, 1], [], []>, precision = #tpu.contract_precision<fp32>, transpose_lhs_hint = false} : vector<2x512xf32>, vector<512x512xf32>, vector<2x512xf32> -> vector<2x512xf32>
    %get3A_6 = arith.constant 0 : index
    %get3A_7 = arith.constant 0 : index
    %get3A_8 = vector.load %arg0[%get3A_6, %get3A_7] : memref<1024x512xf32, #tpu.memory_space<vmem>>, vector<1024x512xf32>
    %dot_general3A_9 = arith.constant dense<0.000000e+00> : vector<2x1024xf32>
    %dot_general3A_10 = tpu.matmul %dot_general3A_5, %get3A_8, %dot_general3A_9 {dimension_numbers = #tpu.dot_dimension_numbers<[1], [1], [0], [0], [0, 0, 1, 0], [], []>, precision = #tpu.contract_precision<fp32>, transpose_lhs_hint = false} : vector<2x512xf32>, vector<1024x512xf32>, vector<2x1024xf32> -> vector<2x1024xf32>
    %swap3A = arith.constant 0 : index
    %swap3A_11 = arith.constant 0 : index
    %swap3A_12 = vector.load %arg3[%swap3A, %swap3A_11] : memref<2x1024xf32, #tpu.memory_space<vmem>>, vector<2x1024xf32>
    tpu.vector_store %arg3[%swap3A, %swap3A_11], %dot_general3A_10 {strides = array<i32>} : memref<2x1024xf32, #tpu.memory_space<vmem>>, vector<2x1024xf32>,
    return
  }
}

module attributes {stable_mosaic.version = 14 : i64} {
  func.func @_dense_body(%arg0: i32, %arg1: memref<32768xi32, #tpu.memory_space<vmem>>, %arg2: memref<32768xf32, #tpu.memory_space<vmem>>, %arg3: memref<2x1024xf32, #tpu.memory_space<vmem>>, %arg4: memref<1024x2048xf32, #tpu.memory_space<vmem>>) attributes {dimension_semantics = [#tpu.dimension_semantics<arbitrary>], iteration_bounds = array<i64: 16>, scalar_prefetch = 0 : i64, scratch_operands = 0 : i64, tpu.core_type = #tpu.core_type<tc>, window_params = [{pipeline_mode = #tpu.pipeline_mode<synchronous>, transform_indices = @transform_0, window_bounds = array<i64: 32768>}, {pipeline_mode = #tpu.pipeline_mode<synchronous>, transform_indices = @transform_1, window_bounds = array<i64: 32768>}, {pipeline_mode = #tpu.pipeline_mode<synchronous>, transform_indices = @transform_2, window_bounds = array<i64: 2, 1024>}, {transform_indices = @transform_3, window_bounds = array<i64: 1024, 2048>}]} {
    %mul3A = arith.constant 2048 : i32
    %mul3A_0 = arith.muli %arg0, %mul3A : i32
    %get3A = arith.index_cast %mul3A_0 : i32 to index
    %get3A_1 = vector.load %arg1[%get3A] : memref<32768xi32, #tpu.memory_space<vmem>>, vector<2048xi32>
    %mul3A_2 = arith.constant 2048 : i32
    %mul3A_3 = arith.muli %arg0, %mul3A_2 : i32
    %get3A_4 = arith.index_cast %mul3A_3 : i32 to index
    %get3A_5 = vector.load %arg2[%get3A_4] : memref<32768xf32, #tpu.memory_space<vmem>>, vector<2048xf32>
    %get3A_6 = arith.constant 0 : index
    %get3A_7 = arith.constant 0 : index
    %get3A_8 = vector.load %arg3[%get3A_6, %get3A_7] : memref<2x1024xf32, #tpu.memory_space<vmem>>, vector<1x1024xf32>
    %get3A_9 = vector.shape_cast %get3A_8 : vector<1x1024xf32> to vector<1024xf32>
    %get3A_10 = arith.constant 1 : index
    %get3A_11 = arith.constant 0 : index
    %get3A_12 = vector.load %arg3[%get3A_10, %get3A_11] : memref<2x1024xf32, #tpu.memory_space<vmem>>, vector<1x1024xf32>
    %get3A_13 = vector.shape_cast %get3A_12 : vector<1x1024xf32> to vector<1024xf32>
    %add3A = arith.addf %get3A_9, %get3A_13 : vector<1024xf32>
    %div3A = arith.constant 1.000000e+00 : f32
    %div3A_14 = vector.broadcast %div3A : f32 to vector<1024xf32>
    %div3A_15 = arith.divf %div3A_14, %add3A : vector<1024xf32>
    %iota3A = tpu.iota {dimensions = array<i32: 0>} : vector<1024x2048xi32>
    %broadcast_in_dim3A = vector.shape_cast %get3A_1 : vector<2048xi32> to vector<1x2048xi32>
    %eq3A = vector.broadcast %broadcast_in_dim3A : vector<1x2048xi32> to vector<1024x2048xi32>
    %eq3A_16 = arith.cmpi eq, %iota3A, %eq3A : vector<1024x2048xi32>
    %broadcast_in_dim3A_17 = vector.shape_cast %get3A_5 : vector<2048xf32> to vector<1x2048xf32>
    %broadcast_in_dim3A_18 = vector.shape_cast %div3A_15 : vector<1024xf32> to vector<1024x1xf32>
    %mul3A_19 = vector.broadcast %broadcast_in_dim3A_17 : vector<1x2048xf32> to vector<1024x2048xf32>
    %mul3A_20 = vector.broadcast %broadcast_in_dim3A_18 : vector<1024x1xf32> to vector<1024x2048xf32>
    %mul3A_21 = arith.mulf %mul3A_19, %mul3A_20 : vector<1024x2048xf32>
    %jit3A = arith.constant 0.000000e+00 : f32
    %broadcast_in_dim3A_22 = vector.broadcast %jit3A : f32 to vector<1024x2048xf32>
    %select_n3A = arith.select %eq3A_16, %mul3A_21, %broadcast_in_dim3A_22 : vector<1024x2048xi1>, vector<1024x2048xf32>
    %swap3A = arith.constant 0 : index
    %swap3A_23 = arith.constant 0 : index
    %swap3A_24 = vector.load %arg4[%swap3A, %swap3A_23] : memref<1024x2048xf32, #tpu.memory_space<vmem>>, vector<1024x2048xf32>
    tpu.vector_store %arg4[%swap3A, %swap3A_23], %select_n3A {strides = array<i32>} : memref<1024x2048xf32, #tpu.memory_space<vmem>>, vector<1024x2048xf32>,
    return
  }
  func.func @transform_0(%arg0: i32) -> i32 {
    %c0_i32 = arith.constant 0 : i32
    %c0_i32_0 = arith.constant 0 : i32
    return %c0_i32 : i32
  }
  func.func @transform_1(%arg0: i32) -> i32 {
    %c0_i32 = arith.constant 0 : i32
    %c0_i32_0 = arith.constant 0 : i32
    return %c0_i32 : i32
  }
  func.func @transform_2(%arg0: i32) -> (i32, i32) {
    %c0_i32 = arith.constant 0 : i32
    %c0_i32_0 = arith.constant 0 : i32
    %c0_i32_1 = arith.constant 0 : i32
    return %c0_i32, %c0_i32_0 : i32, i32
  }
  func.func @transform_3(%arg0: i32) -> (i32, i32) {
    %c0_i32 = arith.constant 0 : i32
    %c0_i32_0 = arith.constant 0 : i32
    return %c0_i32, %arg0 : i32, i32
  }
}

</mosaic_0001>

<sc_bundles>
// kernel: kernel.5.cloned.1.call-start
scs
__scs_entry_jumppad:
0x0: {  	(pc) =	sbr.rel $0x88, $3  }
0x1: {  	(tag) =	ssettag $0x0;
	lr =	simm.s32 $0x1  }
0x2: {  	[smem:$0x3F9D] =	sst lr;
	_ =	strace $0xD0000000  }
0x3: {  	_ = 	snop  }
0x4: {  	_ = 	snop  }
0x5: {  	_ = 	snop  }
0x6: {  	_ = 	snop  }
0x7: {  	_ = 	snop  }
__scs_overlays_trampoline_lowered:
0x8: {  	[smem:$0x3FAC] =	sst s0  }
0x9: {  	[smem:$0x3FAD] =	sst s1  }
0xa: {  	[smem:$0x3FAE] =	sst s2  }
0xb: {  	[smem:$0x3FAF] =	sst s3  }
0xc: {  	[smem:$0x3FB0] =	sst s4  }
0xd: {  	[smem:$0x3FB1] =	sst s5  }
0xe: {  	[smem:$0x3FB2] =	sst s6  }
0xf: {  	[smem:$0x3FB3] =	sst s7  }
0x10: {  	[smem:$0x3FB4] =	sst s8  }
0x11: {  	[smem:$0x3FB5] =	sst s9;
	s0 =	simm.s32 @!p0 $0x0  }
0x12: {  	s1 =	sld [smem:$0x3F9B];
	s0 =	simm.s32 @p0 $0x1  }
0x13: {  	[smem:$0x3FB6] =	sst s0;
	s0 =	simm.s32 @!p1 $0x0  }
0x14: {  	s2 =	sld [smem:$0x3F9A];
	s0 =	simm.s32 @p1 $0x1  }
0x15: {  	[smem:$0x3FB7] =	sst s0;
	s0 =	simm.s32 @!p2 $0x0  }
0x16: {  	s3 =	sld [smem:$0x3FDB];
	s0 =	simm.s32 @p2 $0x1  }
0x17: {  	s4 =	simm.s32 $0x1BF5;
	[smem:$0x3FB9] =	sst s0  }
0x18: {  	s0 =	sld [smem:$0x3F9C];
	_ =	swait.ge [sflag:s4], $0x0  }
0x19: {  	s7 =	sld [smem:$0x3F9D]  }
0x1a: {  	s8 =	sadd.s32 $0xFFFFE003, lr  }
0x1b: {  	s9 =	sadd.s32 $0xFFFFFEF7, lr;
	s5 =	simm.s32 $0xFFFFFFFF;
	p2 =	slt.u32 s8, $0xFFFFF086  }
0x1c: {  	p1 =	slt.u32 s9, $0xF7A;
	s5 =	simm.s32 @!p2 $0x0  }
0x1d: {  	s5 =	simm.s32 @p1 $0x1;
	p0 =	seq.s32 s7, s2  }
0x1e: {  	s7 =	smul.u32 @!p0 $0xF7A, s2;
	p2 =	seq.s32 @!p0 s5, $0x0  }
0x1f: {  	s9 =	smul.u32 $0xF7A, s1;
	s8 =	simm.s32 @!p0 $0x1BF5;
	p2 =	por !p2, p0  }
0x20: {  	[sflag:s8] =	ssyncset.s32 @!p0 $0xFFFFF086;
	s6 =	sadd.s32 @!p0 s3, s7;
	s7 =	simm.s32 @!p0 $0x108  }
0x21: {  	s3 =	sadd.s32 s3, s9;
	s6 =	sadd.s32 @!p0 $0x88, s6;
	s7 =	simm.s32 @p2 $0x1082  }
0x22: {  	[simem:s7], [sflag:s8] =	dma.local @!p0 [hbm:s6], $0xF7A  }
0x23: {  	s9 =	sor.u32 $0xD0000000, s2;
	s6 =	simm.s32 $0x108;
	_ =	swait.ge @!p0 [sflag:s8], $0x0  }
0x24: {  	s3 =	sadd.s32 $0x88, s3;
	s6 =	simm.s32 @!p1 $0x1082;
	[sflag:s4] =	ssyncset.s32 $0xFFFFF086  }
0x25: {  	[simem:s6], [sflag:s4] =	dma.local [hbm:s3], $0xF7A  }
0x26: {  	[smem:$0x3F9D] =	sst s1;
	(tag) =	ssettag s2;
	_ =	strace s9  }
0x27: {  	s1 =	sld [smem:$0x3FAD]  }
0x28: {  	s2 =	sld [smem:$0x3FAE]  }
0x29: {  	s4 =	sld [smem:$0x3FB0]  }
0x2a: {  	p0 =	seq.s32 s5, $0x0;
	s5 =	sld [smem:$0x3FB1]  }
0x2b: {  	s6 =	sld [smem:$0x3FB2]  }
0x2c: {  	s7 =	sld [smem:$0x3FB3]  }
0x2d: {  	s3 =	simm.s32 $0x108;
	s8 =	sld [smem:$0x3FB4]  }
0x2e: {  	s3 =	simm.s32 @!p0 $0x1082;
	s9 =	sld [smem:$0x3FB5]  }
0x2f: {  	lr =	sadd.s32 s0, s3;
	s0 =	sld [smem:$0x3FAC]  }
0x30: {  	s3 =	sld [smem:$0x3FAF]  }
0x31: {  	[smem:$0x3FB8] =	sst s10  }
0x32: {  	s10 =	sld [smem:$0x3FB6];
	_ =	sdelay $0x3  }
0x33: {  	p0 =	seq.s32 s10, $0x1;
	s10 =	sld [smem:$0x3FB8];
	_ =	sdelay $0x3  }
0x34: {  	[smem:$0x3FB8] =	sst s10  }
0x35: {  	s10 =	sld [smem:$0x3FB7];
	_ =	sdelay $0x3  }
0x36: {  	p1 =	seq.s32 s10, $0x1;
	s10 =	sld [smem:$0x3FB8];
	_ =	sdelay $0x3  }
0x37: {  	[smem:$0x3FB8] =	sst s10  }
0x38: {  	s10 =	sld [smem:$0x3FB9]  }
0x39: {  	_ = 	snop;
	(pc) =	sbr.ind lr, $3  }
0x3a: {  	_ = 	snop  }
0x3b: {  	_ = 	snop  }
0x3c: {  	p2 =	seq.s32 s10, $0x1;
	s10 =	sld [smem:$0x3FB8]  }
0x3d: {  	_ =	shalt  }
0x3e: {  	_ =	shalt  }
0x3f: {  	_ =	shalt  }
0x40: {  	_ =	shalt  }
0x41: {  	_ =	shalt  }
0x42: {  	_ =	shalt  }
0x43: {  	_ =	shalt  }
0x44: {  	_ =	shalt  }
0x45: {  	_ =	shalt  }
0x46: {  	_ =	shalt  }
0x47: {  	_ =	shalt  }
0x48: {  	_ =	shalt  }
0x49: {  	_ =	shalt  }
0x4a: {  	_ =	shalt  }
0x4b: {  	_ =	shalt  }
0x4c: {  	_ =	shalt  }
0x4d: {  	_ =	shalt  }
0x4e: {  	_ =	shalt  }
0x4f: {  	_ =	shalt  }
0x50: {  	_ =	shalt  }
0x51: {  	_ =	shalt  }
0x52: {  	_ =	shalt  }
0x53: {  	_ =	shalt  }
0x54: {  	_ =	shalt  }
0x55: {  	_ =	shalt  }
0x56: {  	_ =	shalt  }
0x57: {  	_ =	shalt  }
0x58: {  	_ =	shalt  }
0x59: {  	_ =	shalt  }
0x5a: {  	_ =	shalt  }
0x5b: {  	_ =	shalt  }
0x5c: {  	_ =	shalt  }
0x5d: {  	_ =	shalt  }
0x5e: {  	_ =	shalt  }
0x5f: {  	_ =	shalt  }
0x60: {  	_ =	shalt  }
0x61: {  	_ =	shalt  }
0x62: {  	_ =	shalt  }
0x63: {  	_ =	shalt  }
0x64: {  	_ =	shalt  }
0x65: {  	_ =	shalt  }
0x66: {  	_ =	shalt  }
0x67: {  	_ =	shalt  }
0x68: {  	_ =	shalt  }
0x69: {  	_ =	shalt  }
0x6a: {  	_ =	shalt  }
0x6b: {  	_ =	shalt  }
0x6c: {  	_ =	shalt  }
0x6d: {  	_ =	shalt  }
0x6e: {  	_ =	shalt  }
0x6f: {  	_ =	shalt  }
0x70: {  	_ =	shalt  }
0x71: {  	_ =	shalt  }
0x72: {  	_ =	shalt  }
0x73: {  	_ =	shalt  }
0x74: {  	_ =	shalt  }
0x75: {  	_ =	shalt  }
0x76: {  	_ =	shalt  }
0x77: {  	_ =	shalt  }
0x78: {  	_ =	shalt  }
0x79: {  	_ =	shalt  }
0x7a: {  	_ =	shalt  }
0x7b: {  	_ =	shalt  }
0x7c: {  	_ =	shalt  }
0x7d: {  	_ =	shalt  }
0x7e: {  	_ =	shalt  }
0x7f: {  	_ =	shalt  }
0x80: {  	_ =	shalt  }
0x81: {  	_ =	shalt  }
0x82: {  	_ =	shalt  }
0x83: {  	_ =	shalt  }
0x84: {  	_ =	shalt  }
0x85: {  	_ =	shalt  }
0x86: {  	_ =	shalt  }
0x87: {  	_ =	shalt  }
.Lfunc_end0:
.L_simem_size_0:
called_computation_lowered:
.L_overlay_start_0:
0x88: {  	s2 =	sld [smem:$0x3FD9]  }
0x89: {  	s3 =	sld [smem:$0x3FFE];
	_ =	sdelay $0x1  }
0x8a: {  	s1 =	srdreg.scid  }
0x8b: {  	s0 =	sand.u32 $0x1, s1  }
0x8c: {  	s17 =	sshll.u32 s0, $0xA;
	s2 =	sadd.s32 s3, s2  }
0x8d: {  	s2 =	sadd.s32 s2, s17  }
0x8e: {  	[smem:$0x3FC4] =	sst s2  }
0x8f: {  	_ = 	snop  }
0x90: {  	s2 =	sld [smem:$0x3FD0];
	(tm) =	ssettm $0x1  }
0x91: {  	s18 =	sld [smem:$0x3FFB];
	_ =	sdelay $0x3  }
0x92: {  	_ =	strace s18  }
0x93: {  	s3 =	sld [smem:$0x3FFC];
	_ =	sdelay $0x3  }
0x94: {  	_ =	strace s3  }
0x95: {  	s3 =	sld [smem:$0x3FFD];
	_ =	sdelay $0x3  }
0x96: {  	_ =	strace s3  }
0x97: {  	_ =	strace $0x8FFFFFFF  }
0x98: {  	s19 =	sld [smem:$0x3FDB];
	_ =	sdelay $0x1  }
0x99: {  	s4 =	simm.s32 $_scs_section_size  }
0x9a: {  	s5 =	simm.s32 $_size__tile_overlayer_lowered;
	s6 =	simm.s32 $_tile_overlayer_lowered  }
0x9b: {  	s22 =	simm.s32 $0x1BFF;
	s21 =	sshll.u32 s6, $0x1;
	s3 =	sadd.s32 s4, s19  }
0x9c: {  	s7 =	simm.s32 $0x0;
	s20 =	sshll.u32 s5, $0x1;
	s5 =	sadd.s32 s21, s3  }
0x9d: {  	[timem:s7], [sflag:s22] =	dma.local [hbm:s5], s20  }
0x9e: {  	_ =	swait.ge [sflag:s22], s20  }
0x9f: {  	s4 =	ssub.s32 $0x0, s20;
	[sflag:s22] =	ssyncset.done $0x0  }
0xa0: {  	[sflag:s22] =	ssyncadd.s32 s4;
	_ =	sdelay $0x1  }
0xa1: {  	s23 =	simm.s32 $0x1B8B  }
0xa2: {  	_ =	swait.ge [sflag:s23], $0x1  }
0xa3: {  	[sflag:s23] =	ssyncset.done $0x0  }
0xa4: {  	s25 =	simm.s32 $0x1B8E;
	s24 =	sld [smem:$0x3FFE];
	[sflag:s23] =	ssyncadd.s32 $0xFFFFFFFF  }
0xa5: {  	s26 =	simm.s32 $execute0_lowered;
	[smem:$0x3FD2] =	sst s25  }
0xa6: {  	s5 =	sshll.u32 s26, $0x1;
	_ =	strace $0x80000046;
	[dreg:$0x1] =	wrdreg $0xFFFFFFFF  }
0xa7: {  	s28 =	simm.s32 $_size_execute0_lowered;
	s3 =	sadd.s32 s3, s5;
	[dreg:$0x0] =	wrdreg $0x0  }
0xa8: {  	s5 =	sshll.u32 s28, $0x1;
	[dreg:$0x2] =	wrdreg s3  }
0xa9: {  	[dreg:$0x3] =	wrdreg s5  }
0xaa: {  	[dreg:$0x4] =	wrdreg $0xC0  }
0xab: {  	_ =	task [dreg:s7], $0x5FFFF  }
0xac: {  	[dreg:$0x1] =	wrdreg $0xFFFFFFFF  }
0xad: {  	[dreg:$0x0] =	wrdreg $0x60  }
0xae: {  	[dreg:$0x2] =	wrdreg s24  }
0xaf: {  	[dreg:$0x3] =	wrdreg s2  }
0xb0: {  	[dreg:$0x4] =	wrdreg $0x18000  }
0xb1: {  	[dreg:$0x5] =	wrdreg $0x9  }
0xb2: {  	_ =	task.clear_ibuf [dreg:s7], $0x6FFFF;
	_ =	strace $0x90000046  }
0xb3: {  	s29 =	simm.s32 $0x9;
	_ =	strace $0x80000048  }
0xb4: {  	_ =	swait.ge [sflag:s29], $0x1  }
0xb5: {  	[sflag:s29] =	ssyncadd.s32 $0xFFFFFFFF  }
0xb6: {  	_ =	strace $0x90000048  }
0xb7: {  	_ =	sfence  }
0xb8: {  	s30 =	sld [smem:$0x0];
	_ =	sdelay $0x2  }
0xb9: {  	s31 =	sshll.u32 s1, $0xD;
	s1 =	sshrl.u32 s1, $0x2  }
0xba: {  	s3 =	sand.u32 $0x4000, s31;
	s1 =	sadd.s32 s1, s30  }
0xbb: {  	s0 =	sor.u32 s3, s0;
	s1 =	sshll.u32 s1, $0x11  }
0xbc: {  	s0 =	sor.u32 s1, s0  }
0xbd: {  	s0 =	sadd.s32 $0x8F2B, s0  }
0xbe: {  	[sflag:s0] =	ssyncadd.remote.s32 $0x1  }
0xbf: {  	_ =	sfence.sel $0xFFFF  }
0xc0: {  	[dreg:$0x0] =	wrdreg $0xFFFFFFFF;
	(pc) =	sbr.abs _section_cstart, $3  }
0xc1: {  	[dreg:$0x1] =	wrdreg $0xFFFFFFFF  }
0xc2: {  	_ =	task.clear_ibuf [dreg:s7], $0x2FFFF;
	_ =	strace $0x9FFFFFFF  }
0xc3: {  	(tm) =	ssettm $0x7FFFFFFF  }
tec
execute0_lowered:
.L_overlay_start_1:
0x0: {  	(tag) =	ssettag $0x1  }
0x1: {  	s3 =	rddreg [dreg:$0x0]  }
0x2: {  	s4 =	rddreg [dreg:$0x1]  }
0x3: {  	s1 =	rddreg [dreg:$0x2];
	s2 =	simm.s32 $0x0;
	s5 =	srdreg.scid  }
0x4: {  	s6 =	stileid.u32;
	s11 =	simm.s32 $0x880;
	s12 =	simm.s32 $0x900  }
0x5: {  	s13 =	simm.s32 $0x180;
	s14 =	simm.s32 $0x980;
	s15 =	simm.s32 $0x200  }
0x6: {  	s16 =	simm.s32 $0xA00;
	s17 =	simm.s32 $0x280;
	s18 =	simm.s32 $0xA80  }
0x7: {  	s19 =	simm.s32 $0x300;
	s20 =	simm.s32 $0xB00;
	s21 =	simm.s32 $0x380  }
0x8: {  	s22 =	simm.s32 $0xB80;
	s23 =	simm.s32 $0x3;
	s24 =	simm.s32 $0x2  }
0x9: {  	[smem:$0x7FF] =	sst s2;
	s5 =	sand.u32 $0x1, s5;
	s7 =	sadd.s32 $0x2200, s3  }
0xa: {  	s8 =	sshll.u32 s6, $0x8;
	s10 =	sadd.s32 $0x2210, s3;
	p0 =	sne.s32 s6, $0x0  }
0xb: {  	s6 =	simm.s32 $0xC00;
	_ =	strace $0x80000047;
	[dreg:$0x4] =	wrdreg s7  }
0xc: {  	s9 =	sshll.u32 s5, $0x7;
	s28 =	sshll.u32 s5, $0x4;
	[dreg:$0x5] =	wrdreg s10  }
0xd: {  	s5 =	ssub.s32 $0x2, s5;
	s7 =	simm.s32 $0x1000;
	s10 =	simm.s32 $0x800  }
0xe: {  	s26 =	sor.u32 s9, s8;
	s30 =	sshrl.u32 s5, $0x1;
	s9 =	simm.s32 $0x1  }
0xf: {  	s8 =	sadd.s32 s26, s3;
	s3 =	sadd.s32 s28, s3;
	s4 =	sadd.s32 s4, s26  }
0x10: {  	s5 =	ssub.s32 s5, s30;
	s29 =	sadd.s32 $0x1200, s8;
	[dreg:$0x7] =	wrdreg s4  }
0x11: {  	s31 =	sadd.s32 $0x2400, s8;
	s3 =	sadd.s32 $0x3400, s3;
	[dreg:$0x6] =	wrdreg s29  }
0x12: {  	s4 =	simm.s32 $0x80;
	s8 =	simm.s32 $0x400;
	[dreg:$0x8] =	wrdreg s31  }
0x13: {  	v0 =	vimm.f32 $0.0e+00;
	[dreg:$0x9] =	wrdreg s3;
	s3 =	smax.u32 s5, $0x1;
	s5 =	simm.s32 $0x100  }
.LBB2_1:
0x14: {  	s25 =	rddreg [dreg:$0x4]  }
0x15: {  	[tilespmem:s6], [sflag:$0x1] =	stream.strided.gather [hbm4b:s25+s4], $0x400, s5, s4, $0x38;
	[tilespmem:$0x1840] =	vst v63  }
0x16: {  	s26 =	rddreg [dreg:$0x5]  }
0x17: {  	[tilespmem:s7], [sflag:$0x1] =	stream.strided.gather [hbm4b:s26+s4], $0x400, s5, s4, $0x38;
	[tilespmem:$0x1840] =	vst v63  }
0x18: {  	s29 =	rddreg [dreg:$0x6]  }
0x19: {  	[tilespmem:s2], [sflag:$0x1] =	stream.linear.gather [hbm4b:s29+s2], $0x400, $0x38;
	[tilespmem:$0x1840] =	vst v63  }
0x1a: {  	s30 =	rddreg [dreg:$0x7]  }
0x1b: {  	[tilespmem:s8], [sflag:$0x1] =	stream.linear.gather [hbm4b:s30+s2], $0x400, $0x38;
	[tilespmem:$0x1840] =	vst v63  }
0x1c: {  	[tilespmem:$0x1400] =	vst v0  }
0x1d: {  	[tilespmem:$0x1410] =	vst v0  }
0x1e: {  	[tilespmem:$0x1420] =	vst v0  }
0x1f: {  	[tilespmem:$0x1430] =	vst v0  }
0x20: {  	[tilespmem:$0x1440] =	vst v0  }
0x21: {  	[tilespmem:$0x1450] =	vst v0  }
0x22: {  	[tilespmem:$0x1460] =	vst v0  }
0x23: {  	[tilespmem:$0x1470] =	vst v0  }
0x24: {  	[tilespmem:$0x1480] =	vst v0  }
0x25: {  	[tilespmem:$0x1490] =	vst v0  }
0x26: {  	[tilespmem:$0x14A0] =	vst v0  }
0x27: {  	[tilespmem:$0x14B0] =	vst v0  }
0x28: {  	[tilespmem:$0x14C0] =	vst v0  }
0x29: {  	[tilespmem:$0x14D0] =	vst v0  }
0x2a: {  	[tilespmem:$0x14E0] =	vst v0  }
0x2b: {  	[tilespmem:$0x14F0] =	vst v0  }
0x2c: {  	[tilespmem:$0x1500] =	vst v0  }
0x2d: {  	[tilespmem:$0x1510] =	vst v0  }
0x2e: {  	[tilespmem:$0x1520] =	vst v0  }
0x2f: {  	[tilespmem:$0x1530] =	vst v0  }
0x30: {  	[tilespmem:$0x1540] =	vst v0  }
0x31: {  	[tilespmem:$0x1550] =	vst v0  }
0x32: {  	[tilespmem:$0x1560] =	vst v0  }
0x33: {  	[tilespmem:$0x1570] =	vst v0  }
0x34: {  	[tilespmem:$0x1580] =	vst v0  }
0x35: {  	[tilespmem:$0x1590] =	vst v0  }
0x36: {  	[tilespmem:$0x15A0] =	vst v0  }
0x37: {  	[tilespmem:$0x15B0] =	vst v0  }
0x38: {  	[tilespmem:$0x15C0] =	vst v0  }
0x39: {  	[tilespmem:$0x15D0] =	vst v0  }
0x3a: {  	[tilespmem:$0x15E0] =	vst v0  }
0x3b: {  	[tilespmem:$0x15F0] =	vst v0  }
0x3c: {  	[tilespmem:$0x1600] =	vst v0  }
0x3d: {  	[tilespmem:$0x1610] =	vst v0  }
0x3e: {  	[tilespmem:$0x1620] =	vst v0  }
0x3f: {  	[tilespmem:$0x1630] =	vst v0  }
0x40: {  	[tilespmem:$0x1640] =	vst v0  }
0x41: {  	[tilespmem:$0x1650] =	vst v0  }
0x42: {  	[tilespmem:$0x1660] =	vst v0  }
0x43: {  	[tilespmem:$0x1670] =	vst v0  }
0x44: {  	[tilespmem:$0x1680] =	vst v0  }
0x45: {  	[tilespmem:$0x1690] =	vst v0  }
0x46: {  	[tilespmem:$0x16A0] =	vst v0  }
0x47: {  	[tilespmem:$0x16B0] =	vst v0  }
0x48: {  	[tilespmem:$0x16C0] =	vst v0  }
0x49: {  	[tilespmem:$0x16D0] =	vst v0  }
0x4a: {  	[tilespmem:$0x16E0] =	vst v0  }
0x4b: {  	[tilespmem:$0x16F0] =	vst v0  }
0x4c: {  	[tilespmem:$0x1700] =	vst v0  }
0x4d: {  	[tilespmem:$0x1710] =	vst v0  }
0x4e: {  	[tilespmem:$0x1720] =	vst v0  }
0x4f: {  	[tilespmem:$0x1730] =	vst v0  }
0x50: {  	[tilespmem:$0x1740] =	vst v0  }
0x51: {  	[tilespmem:$0x1750] =	vst v0  }
0x52: {  	[tilespmem:$0x1760] =	vst v0  }
0x53: {  	[tilespmem:$0x1770] =	vst v0  }
0x54: {  	[tilespmem:$0x1780] =	vst v0  }
0x55: {  	[tilespmem:$0x1790] =	vst v0  }
0x56: {  	[tilespmem:$0x17A0] =	vst v0  }
0x57: {  	[tilespmem:$0x17B0] =	vst v0  }
0x58: {  	[tilespmem:$0x17C0] =	vst v0  }
0x59: {  	[tilespmem:$0x17D0] =	vst v0  }
0x5a: {  	[tilespmem:$0x17E0] =	vst v0  }
0x5b: {  	[tilespmem:$0x17F0] =	vst v0  }
0x5c: {  	_ =	swait.ge [sflag:s9], $0x400  }
0x5d: {  	[sflag:s9] =	ssyncset.done $0x0  }
0x5e: {  	[sflag:s9] =	ssyncadd.s32 $0xFFFFFC00  }
0x5f: {  	_ =	swait.ge [sflag:s9], $0x400  }
0x60: {  	[sflag:s9] =	ssyncset.done $0x0  }
0x61: {  	[sflag:s9] =	ssyncadd.s32 $0xFFFFFC00  }
0x62: {  	_ =	swait.ge [sflag:s9], $0x400  }
0x63: {  	[sflag:s9] =	ssyncset.done $0x0  }
0x64: {  	[sflag:s9] =	ssyncadd.s32 $0xFFFFFC00  }
0x65: {  	_ =	swait.ge [sflag:s9], $0x400  }
0x66: {  	[sflag:s9] =	ssyncset.done $0x0  }
0x67: {  	s25 =	simm.s32 @!p0 $0x1400;
	[sflag:s9] =	ssyncadd.s32 $0xFFFFFC00  }
0x68: {  	[spmem:s1] =	stream.linear.scatter @!p0 [tilespmem:s25], [sflag:$0x4], $0x400, $0x38;
	[tilespmem:$0x1840] =	vst v63  }
0x69: {  	s25 =	simm.s32 @!p0 $0x4  }
0x6a: {  	_ =	swait.ge @!p0 [sflag:s25], $0x400  }
0x6b: {  	[sflag:s25] =	ssyncset.done @!p0 $0x0  }
0x6c: {  	[sflag:s25] =	ssyncadd.s32 @!p0 $0xFFFFFC00  }
0x6d: {  	[bflag:$0x0] =	sbarrier.arrive $0xFFFF  }
0x6e: {  	v1 =	vld [tilespmem:$0x0]  }
0x6f: {  	v2 =	vld [tilespmem:$0x400];
	_ =	sdelay $0x6  }
0x70: {  	v1 =	vld.idx.msk [tilespmem:v1+s6+$0x0], $0xffff  }
0x71: {  	v2 =	vld.idx.msk [tilespmem:v2+s7+$0x0], $0xffff;
	_ =	sdelay $0x4  }
0x72: {  	v1 =	vadd.f32 v2, v1;
	_ =	sdelay $0x1  }
0x73: {  	v2 =	vmul.f32 $9.999999770e-03, v1  }
0x74: {  	vm0 =	vge.f32 v1, $0.0e+00  }
0x75: {  	v1 =	vsel vm0, v1, v2  }
0x76: {  	v1 =	vmul.f32 $1.442695020e+00, v1;
	_ =	sdelay $0x1  }
0x77: {  	(erf) = vpow2.f32 v1;
	_ =	sdelay $0x2  }
0x78: {  	v1 =	vld [tilespmem:$0x10]  }
0x79: {  	v2 =	vld [tilespmem:$0x410];
	_ =	sdelay $0x4  }
0x7a: {  	v3 =	vpop (erf)  }
0x7b: {  	[tilespmem:$0x800] =	vst v3  }
0x7c: {  	v1 =	vld.idx.msk [tilespmem:v1+s6+$0x0], $0xffff  }
0x7d: {  	v2 =	vld.idx.msk [tilespmem:v2+s7+$0x0], $0xffff;
	_ =	sdelay $0x4  }
0x7e: {  	v1 =	vadd.f32 v2, v1;
	_ =	sdelay $0x1  }
0x7f: {  	v2 =	vmul.f32 $9.999999770e-03, v1  }
0x80: {  	vm13 =	vge.f32 v1, $0.0e+00  }
0x81: {  	v1 =	vsel vm13, v1, v2  }
0x82: {  	v1 =	vmul.f32 $1.442695020e+00, v1;
	_ =	sdelay $0x1  }
0x83: {  	(erf) = vpow2.f32 v1;
	_ =	sdelay $0x2  }
0x84: {  	v1 =	vld [tilespmem:$0x20]  }
0x85: {  	v2 =	vld [tilespmem:$0x420];
	_ =	sdelay $0x4  }
0x86: {  	v3 =	vpop (erf)  }
0x87: {  	[tilespmem:$0x810] =	vst v3  }
0x88: {  	v1 =	vld.idx.msk [tilespmem:v1+s6+$0x0], $0xffff  }
0x89: {  	v2 =	vld.idx.msk [tilespmem:v2+s7+$0x0], $0xffff;
	_ =	sdelay $0x4  }
0x8a: {  	v1 =	vadd.f32 v2, v1;
	_ =	sdelay $0x1  }
0x8b: {  	v2 =	vmul.f32 $9.999999770e-03, v1  }
0x8c: {  	vm14 =	vge.f32 v1, $0.0e+00  }
0x8d: {  	v1 =	vsel vm14, v1, v2  }
0x8e: {  	v1 =	vmul.f32 $1.442695020e+00, v1;
	_ =	sdelay $0x1  }
0x8f: {  	(erf) = vpow2.f32 v1;
	_ =	sdelay $0x2  }
0x90: {  	v1 =	vld [tilespmem:$0x30]  }
0x91: {  	v2 =	vld [tilespmem:$0x430];
	_ =	sdelay $0x4  }
0x92: {  	v3 =	vpop (erf)  }
0x93: {  	[tilespmem:$0x820] =	vst v3  }
0x94: {  	v1 =	vld.idx.msk [tilespmem:v1+s6+$0x0], $0xffff  }
0x95: {  	v2 =	vld.idx.msk [tilespmem:v2+s7+$0x0], $0xffff;
	_ =	sdelay $0x4  }
0x96: {  	v1 =	vadd.f32 v2, v1;
	_ =	sdelay $0x1  }
0x97: {  	v2 =	vmul.f32 $9.999999770e-03, v1  }
0x98: {  	vm15 =	vge.f32 v1, $0.0e+00  }
0x99: {  	v1 =	vsel vm15, v1, v2  }
0x9a: {  	v1 =	vmul.f32 $1.442695020e+00, v1;
	_ =	sdelay $0x1  }
0x9b: {  	(erf) = vpow2.f32 v1;
	_ =	sdelay $0x2  }
0x9c: {  	v1 =	vld [tilespmem:$0x40]  }
0x9d: {  	v2 =	vld [tilespmem:$0x440];
	_ =	sdelay $0x4  }
0x9e: {  	v3 =	vpop (erf)  }
0x9f: {  	[tilespmem:$0x830] =	vst v3  }
0xa0: {  	v1 =	vld.idx.msk [tilespmem:v1+s6+$0x0], $0xffff  }
0xa1: {  	v2 =	vld.idx.msk [tilespmem:v2+s7+$0x0], $0xffff;
	_ =	sdelay $0x4  }
0xa2: {  	v1 =	vadd.f32 v2, v1;
	_ =	sdelay $0x1  }
0xa3: {  	v2 =	vmul.f32 $9.999999770e-03, v1  }
0xa4: {  	vm4 =	vge.f32 v1, $0.0e+00  }
0xa5: {  	v1 =	vsel vm4, v1, v2  }
0xa6: {  	v1 =	vmul.f32 $1.442695020e+00, v1;
	_ =	sdelay $0x1  }
0xa7: {  	(erf) = vpow2.f32 v1;
	_ =	sdelay $0x2  }
0xa8: {  	v1 =	vld [tilespmem:$0x50]  }
0xa9: {  	v2 =	vld [tilespmem:$0x450];
	_ =	sdelay $0x4  }
0xaa: {  	v3 =	vpop (erf)  }
0xab: {  	[tilespmem:$0x840] =	vst v3  }
0xac: {  	v1 =	vld.idx.msk [tilespmem:v1+s6+$0x0], $0xffff  }
0xad: {  	v2 =	vld.idx.msk [tilespmem:v2+s7+$0x0], $0xffff;
	_ =	sdelay $0x4  }
0xae: {  	v1 =	vadd.f32 v2, v1;
	_ =	sdelay $0x1  }
0xaf: {  	v2 =	vmul.f32 $9.999999770e-03, v1  }
0xb0: {  	vm5 =	vge.f32 v1, $0.0e+00  }
0xb1: {  	v1 =	vsel vm5, v1, v2  }
0xb2: {  	v1 =	vmul.f32 $1.442695020e+00, v1;
	_ =	sdelay $0x1  }
0xb3: {  	(erf) = vpow2.f32 v1;
	_ =	sdelay $0x2  }
0xb4: {  	v1 =	vld [tilespmem:$0x60]  }
0xb5: {  	v2 =	vld [tilespmem:$0x460];
	_ =	sdelay $0x4  }
0xb6: {  	v3 =	vpop (erf)  }
0xb7: {  	[tilespmem:$0x850] =	vst v3  }
0xb8: {  	v1 =	vld.idx.msk [tilespmem:v1+s6+$0x0], $0xffff  }
0xb9: {  	v2 =	vld.idx.msk [tilespmem:v2+s7+$0x0], $0xffff;
	_ =	sdelay $0x4  }
0xba: {  	v1 =	vadd.f32 v2, v1;
	_ =	sdelay $0x1  }
0xbb: {  	v2 =	vmul.f32 $9.999999770e-03, v1  }
0xbc: {  	vm6 =	vge.f32 v1, $0.0e+00  }
0xbd: {  	v1 =	vsel vm6, v1, v2  }
0xbe: {  	v1 =	vmul.f32 $1.442695020e+00, v1;
	_ =	sdelay $0x1  }
0xbf: {  	(erf) = vpow2.f32 v1;
	_ =	sdelay $0x2  }
0xc0: {  	v1 =	vld [tilespmem:$0x70]  }
0xc1: {  	v2 =	vld [tilespmem:$0x470];
	_ =	sdelay $0x4  }
0xc2: {  	v3 =	vpop (erf)  }
0xc3: {  	[tilespmem:$0x860] =	vst v3  }
0xc4: {  	v1 =	vld.idx.msk [tilespmem:v1+s6+$0x0], $0xffff  }
0xc5: {  	v2 =	vld.idx.msk [tilespmem:v2+s7+$0x0], $0xffff;
	_ =	sdelay $0x4  }
0xc6: {  	v1 =	vadd.f32 v2, v1;
	_ =	sdelay $0x1  }
0xc7: {  	v2 =	vmul.f32 $9.999999770e-03, v1  }
0xc8: {  	vm7 =	vge.f32 v1, $0.0e+00  }
0xc9: {  	v1 =	vsel vm7, v1, v2  }
0xca: {  	v1 =	vmul.f32 $1.442695020e+00, v1;
	_ =	sdelay $0x1  }
0xcb: {  	(erf) = vpow2.f32 v1;
	_ =	sdelay $0x8  }
0xcc: {  	v1 =	vpop (erf)  }
0xcd: {  	[tilespmem:$0x870] =	vst v1  }
0xce: {  	[spmem:s1] =	stream.indirect.scatter.add.f32 [tilespmem:s10], [sflag:$0x3], $0x1, s2, s4, $0xb8;
	[tilespmem:$0x1840] =	vst v63  }
0xcf: {  	v1 =	vld [tilespmem:$0x80]  }
0xd0: {  	v2 =	vld [tilespmem:$0x480];
	_ =	sdelay $0x6  }
0xd1: {  	v1 =	vld.idx.msk [tilespmem:v1+s6+$0x0], $0xffff  }
0xd2: {  	v2 =	vld.idx.msk [tilespmem:v2+s7+$0x0], $0xffff;
	_ =	sdelay $0x4  }
0xd3: {  	v1 =	vadd.f32 v2, v1;
	_ =	sdelay $0x1  }
0xd4: {  	v2 =	vmul.f32 $9.999999770e-03, v1  }
0xd5: {  	vm8 =	vge.f32 v1, $0.0e+00  }
0xd6: {  	v1 =	vsel vm8, v1, v2  }
0xd7: {  	v1 =	vmul.f32 $1.442695020e+00, v1;
	_ =	sdelay $0x1  }
0xd8: {  	(erf) = vpow2.f32 v1;
	_ =	sdelay $0x2  }
0xd9: {  	v1 =	vld [tilespmem:$0x90]  }
0xda: {  	v2 =	vld [tilespmem:$0x490];
	_ =	sdelay $0x4  }
0xdb: {  	v3 =	vpop (erf)  }
0xdc: {  	[tilespmem:$0x880] =	vst v3  }
0xdd: {  	v1 =	vld.idx.msk [tilespmem:v1+s6+$0x0], $0xffff  }
0xde: {  	v2 =	vld.idx.msk [tilespmem:v2+s7+$0x0], $0xffff;
	_ =	sdelay $0x4  }
0xdf: {  	v1 =	vadd.f32 v2, v1;
	_ =	sdelay $0x1  }
0xe0: {  	v2 =	vmul.f32 $9.999999770e-03, v1  }
0xe1: {  	vm9 =	vge.f32 v1, $0.0e+00  }
0xe2: {  	v1 =	vsel vm9, v1, v2  }
0xe3: {  	v1 =	vmul.f32 $1.442695020e+00, v1;
	_ =	sdelay $0x1  }
0xe4: {  	(erf) = vpow2.f32 v1;
	_ =	sdelay $0x2  }
0xe5: {  	v1 =	vld [tilespmem:$0xA0]  }
0xe6: {  	v2 =	vld [tilespmem:$0x4A0];
	_ =	sdelay $0x4  }
0xe7: {  	v3 =	vpop (erf)  }
0xe8: {  	[tilespmem:$0x890] =	vst v3  }
0xe9: {  	v1 =	vld.idx.msk [tilespmem:v1+s6+$0x0], $0xffff  }
0xea: {  	v2 =	vld.idx.msk [tilespmem:v2+s7+$0x0], $0xffff;
	_ =	sdelay $0x4  }
0xeb: {  	v1 =	vadd.f32 v2, v1;
	_ =	sdelay $0x1  }
0xec: {  	v2 =	vmul.f32 $9.999999770e-03, v1  }
0xed: {  	vm10 =	vge.f32 v1, $0.0e+00  }
0xee: {  	v1 =	vsel vm10, v1, v2  }
0xef: {  	v1 =	vmul.f32 $1.442695020e+00, v1;
	_ =	sdelay $0x1  }
0xf0: {  	(erf) = vpow2.f32 v1;
	_ =	sdelay $0x2  }
0xf1: {  	v1 =	vld [tilespmem:$0xB0]  }
0xf2: {  	v2 =	vld [tilespmem:$0x4B0];
	_ =	sdelay $0x4  }
0xf3: {  	v3 =	vpop (erf)  }
0xf4: {  	[tilespmem:$0x8A0] =	vst v3  }
0xf5: {  	v1 =	vld.idx.msk [tilespmem:v1+s6+$0x0], $0xffff  }
0xf6: {  	v2 =	vld.idx.msk [tilespmem:v2+s7+$0x0], $0xffff;
	_ =	sdelay $0x4  }
0xf7: {  	v1 =	vadd.f32 v2, v1;
	_ =	sdelay $0x1  }
0xf8: {  	v2 =	vmul.f32 $9.999999770e-03, v1  }
0xf9: {  	vm11 =	vge.f32 v1, $0.0e+00  }
0xfa: {  	v1 =	vsel vm11, v1, v2  }
0xfb: {  	v1 =	vmul.f32 $1.442695020e+00, v1;
	_ =	sdelay $0x1  }
0xfc: {  	(erf) = vpow2.f32 v1;
	_ =	sdelay $0x2  }
0xfd: {  	v1 =	vld [tilespmem:$0xC0]  }
0xfe: {  	v2 =	vld [tilespmem:$0x4C0];
	_ =	sdelay $0x4  }
0xff: {  	v3 =	vpop (erf)  }
0x100: {  	[tilespmem:$0x8B0] =	vst v3  }
0x101: {  	v1 =	vld.idx.msk [tilespmem:v1+s6+$0x0], $0xffff  }
0x102: {  	v2 =	vld.idx.msk [tilespmem:v2+s7+$0x0], $0xffff;
	_ =	sdelay $0x4  }
0x103: {  	v1 =	vadd.f32 v2, v1;
	_ =	sdelay $0x1  }
0x104: {  	v2 =	vmul.f32 $9.999999770e-03, v1  }
0x105: {  	vm12 =	vge.f32 v1, $0.0e+00  }
0x106: {  	v1 =	vsel vm12, v1, v2  }
0x107: {  	v1 =	vmul.f32 $1.442695020e+00, v1;
	_ =	sdelay $0x1  }
0x108: {  	(erf) = vpow2.f32 v1;
	_ =	sdelay $0x2  }
0x109: {  	v1 =	vld [tilespmem:$0xD0]  }
0x10a: {  	v2 =	vld [tilespmem:$0x4D0];
	_ =	sdelay $0x4  }
0x10b: {  	v3 =	vpop (erf)  }
0x10c: {  	[tilespmem:$0x8C0] =	vst v3  }
0x10d: {  	v1 =	vld.idx.msk [tilespmem:v1+s6+$0x0], $0xffff  }
0x10e: {  	v2 =	vld.idx.msk [tilespmem:v2+s7+$0x0], $0xffff;
	_ =	sdelay $0x4  }
0x10f: {  	v1 =	vadd.f32 v2, v1;
	_ =	sdelay $0x1  }
0x110: {  	v2 =	vmul.f32 $9.999999770e-03, v1  }
0x111: {  	vm13 =	vge.f32 v1, $0.0e+00  }
0x112: {  	v1 =	vsel vm13, v1, v2  }
0x113: {  	v1 =	vmul.f32 $1.442695020e+00, v1;
	_ =	sdelay $0x1  }
0x114: {  	(erf) = vpow2.f32 v1;
	_ =	sdelay $0x2  }
0x115: {  	v1 =	vld [tilespmem:$0xE0]  }
0x116: {  	v2 =	vld [tilespmem:$0x4E0];
	_ =	sdelay $0x4  }
0x117: {  	v3 =	vpop (erf)  }
0x118: {  	[tilespmem:$0x8D0] =	vst v3  }
0x119: {  	v1 =	vld.idx.msk [tilespmem:v1+s6+$0x0], $0xffff  }
0x11a: {  	v2 =	vld.idx.msk [tilespmem:v2+s7+$0x0], $0xffff;
	_ =	sdelay $0x4  }
0x11b: {  	v1 =	vadd.f32 v2, v1;
	_ =	sdelay $0x1  }
0x11c: {  	v2 =	vmul.f32 $9.999999770e-03, v1  }
0x11d: {  	vm14 =	vge.f32 v1, $0.0e+00  }
0x11e: {  	v1 =	vsel vm14, v1, v2  }
0x11f: {  	v1 =	vmul.f32 $1.442695020e+00, v1;
	_ =	sdelay $0x1  }
0x120: {  	(erf) = vpow2.f32 v1;
	_ =	sdelay $0x2  }
0x121: {  	v1 =	vld [tilespmem:$0xF0]  }
0x122: {  	v2 =	vld [tilespmem:$0x4F0];
	_ =	sdelay $0x4  }
0x123: {  	v3 =	vpop (erf)  }
0x124: {  	[tilespmem:$0x8E0] =	vst v3  }
0x125: {  	v1 =	vld.idx.msk [tilespmem:v1+s6+$0x0], $0xffff  }
0x126: {  	v2 =	vld.idx.msk [tilespmem:v2+s7+$0x0], $0xffff;
	_ =	sdelay $0x4  }
0x127: {  	v1 =	vadd.f32 v2, v1;
	_ =	sdelay $0x1  }
0x128: {  	v2 =	vmul.f32 $9.999999770e-03, v1  }
0x129: {  	vm15 =	vge.f32 v1, $0.0e+00  }
0x12a: {  	v1 =	vsel vm15, v1, v2  }
0x12b: {  	v1 =	vmul.f32 $1.442695020e+00, v1;
	_ =	sdelay $0x1  }
0x12c: {  	(erf) = vpow2.f32 v1;
	_ =	sdelay $0x8  }
0x12d: {  	v1 =	vpop (erf)  }
0x12e: {  	[tilespmem:$0x8F0] =	vst v1  }
0x12f: {  	[spmem:s1] =	stream.indirect.scatter.add.f32 [tilespmem:s11], [sflag:$0x3], $0x1, s4, s4, $0xb8;
	[tilespmem:$0x1840] =	vst v63  }
0x130: {  	v1 =	vld [tilespmem:$0x100]  }
0x131: {  	v2 =	vld [tilespmem:$0x500];
	_ =	sdelay $0x6  }
0x132: {  	v1 =	vld.idx.msk [tilespmem:v1+s6+$0x0], $0xffff  }
0x133: {  	v2 =	vld.idx.msk [tilespmem:v2+s7+$0x0], $0xffff;
	_ =	sdelay $0x4  }
0x134: {  	v1 =	vadd.f32 v2, v1;
	_ =	sdelay $0x1  }
0x135: {  	v2 =	vmul.f32 $9.999999770e-03, v1  }
0x136: {  	vm4 =	vge.f32 v1, $0.0e+00  }
0x137: {  	v1 =	vsel vm4, v1, v2  }
0x138: {  	v1 =	vmul.f32 $1.442695020e+00, v1;
	_ =	sdelay $0x1  }
0x139: {  	(erf) = vpow2.f32 v1;
	_ =	sdelay $0x2  }
0x13a: {  	v1 =	vld [tilespmem:$0x110]  }
0x13b: {  	v2 =	vld [tilespmem:$0x510];
	_ =	sdelay $0x4  }
0x13c: {  	v3 =	vpop (erf)  }
0x13d: {  	[tilespmem:$0x900] =	vst v3  }
0x13e: {  	v1 =	vld.idx.msk [tilespmem:v1+s6+$0x0], $0xffff  }
0x13f: {  	v2 =	vld.idx.msk [tilespmem:v2+s7+$0x0], $0xffff;
	_ =	sdelay $0x4  }
0x140: {  	v1 =	vadd.f32 v2, v1;
	_ =	sdelay $0x1  }
0x141: {  	v2 =	vmul.f32 $9.999999770e-03, v1  }
0x142: {  	vm5 =	vge.f32 v1, $0.0e+00  }
0x143: {  	v1 =	vsel vm5, v1, v2  }
0x144: {  	v1 =	vmul.f32 $1.442695020e+00, v1;
	_ =	sdelay $0x1  }
0x145: {  	(erf) = vpow2.f32 v1;
	_ =	sdelay $0x2  }
0x146: {  	v1 =	vld [tilespmem:$0x120]  }
0x147: {  	v2 =	vld [tilespmem:$0x520];
	_ =	sdelay $0x4  }
0x148: {  	v3 =	vpop (erf)  }
0x149: {  	[tilespmem:$0x910] =	vst v3  }
0x14a: {  	v1 =	vld.idx.msk [tilespmem:v1+s6+$0x0], $0xffff  }
0x14b: {  	v2 =	vld.idx.msk [tilespmem:v2+s7+$0x0], $0xffff;
	_ =	sdelay $0x4  }
0x14c: {  	v1 =	vadd.f32 v2, v1;
	_ =	sdelay $0x1  }
0x14d: {  	v2 =	vmul.f32 $9.999999770e-03, v1  }
0x14e: {  	vm6 =	vge.f32 v1, $0.0e+00  }
0x14f: {  	v1 =	vsel vm6, v1, v2  }
0x150: {  	v1 =	vmul.f32 $1.442695020e+00, v1;
	_ =	sdelay $0x1  }
0x151: {  	(erf) = vpow2.f32 v1;
	_ =	sdelay $0x2  }
0x152: {  	v1 =	vld [tilespmem:$0x130]  }
0x153: {  	v2 =	vld [tilespmem:$0x530];
	_ =	sdelay $0x4  }
0x154: {  	v3 =	vpop (erf)  }
0x155: {  	[tilespmem:$0x920] =	vst v3  }
0x156: {  	v1 =	vld.idx.msk [tilespmem:v1+s6+$0x0], $0xffff  }
0x157: {  	v2 =	vld.idx.msk [tilespmem:v2+s7+$0x0], $0xffff;
	_ =	sdelay $0x4  }
0x158: {  	v1 =	vadd.f32 v2, v1;
	_ =	sdelay $0x1  }
0x159: {  	v2 =	vmul.f32 $9.999999770e-03, v1  }
0x15a: {  	vm7 =	vge.f32 v1, $0.0e+00  }
0x15b: {  	v1 =	vsel vm7, v1, v2  }
0x15c: {  	v1 =	vmul.f32 $1.442695020e+00, v1;
	_ =	sdelay $0x1  }
0x15d: {  	(erf) = vpow2.f32 v1;
	_ =	sdelay $0x2  }
0x15e: {  	v1 =	vld [tilespmem:$0x140]  }
0x15f: {  	v2 =	vld [tilespmem:$0x540];
	_ =	sdelay $0x4  }
0x160: {  	v3 =	vpop (erf)  }
0x161: {  	[tilespmem:$0x930] =	vst v3  }
0x162: {  	v1 =	vld.idx.msk [tilespmem:v1+s6+$0x0], $0xffff  }
0x163: {  	v2 =	vld.idx.msk [tilespmem:v2+s7+$0x0], $0xffff;
	_ =	sdelay $0x4  }
0x164: {  	v1 =	vadd.f32 v2, v1;
	_ =	sdelay $0x1  }
0x165: {  	v2 =	vmul.f32 $9.999999770e-03, v1  }
0x166: {  	vm8 =	vge.f32 v1, $0.0e+00  }
0x167: {  	v1 =	vsel vm8, v1, v2  }
0x168: {  	v1 =	vmul.f32 $1.442695020e+00, v1;
	_ =	sdelay $0x1  }
0x169: {  	(erf) = vpow2.f32 v1;
	_ =	sdelay $0x2  }
0x16a: {  	v1 =	vld [tilespmem:$0x150]  }
0x16b: {  	v2 =	vld [tilespmem:$0x550];
	_ =	sdelay $0x4  }
0x16c: {  	v3 =	vpop (erf)  }
0x16d: {  	[tilespmem:$0x940] =	vst v3  }
0x16e: {  	v1 =	vld.idx.msk [tilespmem:v1+s6+$0x0], $0xffff  }
0x16f: {  	v2 =	vld.idx.msk [tilespmem:v2+s7+$0x0], $0xffff;
	_ =	sdelay $0x4  }
0x170: {  	v1 =	vadd.f32 v2, v1;
	_ =	sdelay $0x1  }
0x171: {  	v2 =	vmul.f32 $9.999999770e-03, v1  }
0x172: {  	vm9 =	vge.f32 v1, $0.0e+00  }
0x173: {  	v1 =	vsel vm9, v1, v2  }
0x174: {  	v1 =	vmul.f32 $1.442695020e+00, v1;
	_ =	sdelay $0x1  }
0x175: {  	(erf) = vpow2.f32 v1;
	_ =	sdelay $0x2  }
0x176: {  	v1 =	vld [tilespmem:$0x160]  }
0x177: {  	v2 =	vld [tilespmem:$0x560];
	_ =	sdelay $0x4  }
0x178: {  	v3 =	vpop (erf)  }
0x179: {  	[tilespmem:$0x950] =	vst v3  }
0x17a: {  	v1 =	vld.idx.msk [tilespmem:v1+s6+$0x0], $0xffff  }
0x17b: {  	v2 =	vld.idx.msk [tilespmem:v2+s7+$0x0], $0xffff;
	_ =	sdelay $0x4  }
0x17c: {  	v1 =	vadd.f32 v2, v1;
	_ =	sdelay $0x1  }
0x17d: {  	v2 =	vmul.f32 $9.999999770e-03, v1  }
0x17e: {  	vm10 =	vge.f32 v1, $0.0e+00  }
0x17f: {  	v1 =	vsel vm10, v1, v2  }
0x180: {  	v1 =	vmul.f32 $1.442695020e+00, v1;
	_ =	sdelay $0x1  }
0x181: {  	(erf) = vpow2.f32 v1;
	_ =	sdelay $0x2  }
0x182: {  	v1 =	vld [tilespmem:$0x170]  }
0x183: {  	v2 =	vld [tilespmem:$0x570];
	_ =	sdelay $0x4  }
0x184: {  	v3 =	vpop (erf)  }
0x185: {  	[tilespmem:$0x960] =	vst v3  }
0x186: {  	v1 =	vld.idx.msk [tilespmem:v1+s6+$0x0], $0xffff  }
0x187: {  	v2 =	vld.idx.msk [tilespmem:v2+s7+$0x0], $0xffff;
	_ =	sdelay $0x4  }
0x188: {  	v1 =	vadd.f32 v2, v1;
	_ =	sdelay $0x1  }
0x189: {  	v2 =	vmul.f32 $9.999999770e-03, v1  }
0x18a: {  	vm11 =	vge.f32 v1, $0.0e+00  }
0x18b: {  	v1 =	vsel vm11, v1, v2  }
0x18c: {  	v1 =	vmul.f32 $1.442695020e+00, v1;
	_ =	sdelay $0x1  }
0x18d: {  	(erf) = vpow2.f32 v1;
	_ =	sdelay $0x8  }
0x18e: {  	v1 =	vpop (erf)  }
0x18f: {  	[tilespmem:$0x970] =	vst v1  }
0x190: {  	[spmem:s1] =	stream.indirect.scatter.add.f32 [tilespmem:s12], [sflag:$0x3], $0x1, s5, s4, $0xb8;
	[tilespmem:$0x1840] =	vst v63  }
0x191: {  	v1 =	vld [tilespmem:$0x180]  }
0x192: {  	v2 =	vld [tilespmem:$0x580];
	_ =	sdelay $0x6  }
0x193: {  	v1 =	vld.idx.msk [tilespmem:v1+s6+$0x0], $0xffff  }
0x194: {  	v2 =	vld.idx.msk [tilespmem:v2+s7+$0x0], $0xffff;
	_ =	sdelay $0x4  }
0x195: {  	v1 =	vadd.f32 v2, v1;
	_ =	sdelay $0x1  }
0x196: {  	v2 =	vmul.f32 $9.999999770e-03, v1  }
0x197: {  	vm12 =	vge.f32 v1, $0.0e+00  }
0x198: {  	v1 =	vsel vm12, v1, v2  }
0x199: {  	v1 =	vmul.f32 $1.442695020e+00, v1;
	_ =	sdelay $0x1  }
0x19a: {  	(erf) = vpow2.f32 v1;
	_ =	sdelay $0x2  }
0x19b: {  	v1 =	vld [tilespmem:$0x190]  }
0x19c: {  	v2 =	vld [tilespmem:$0x590];
	_ =	sdelay $0x4  }
0x19d: {  	v3 =	vpop (erf)  }
0x19e: {  	[tilespmem:$0x980] =	vst v3  }
0x19f: {  	v1 =	vld.idx.msk [tilespmem:v1+s6+$0x0], $0xffff  }
0x1a0: {  	v2 =	vld.idx.msk [tilespmem:v2+s7+$0x0], $0xffff;
	_ =	sdelay $0x4  }
0x1a1: {  	v1 =	vadd.f32 v2, v1;
	_ =	sdelay $0x1  }
0x1a2: {  	v2 =	vmul.f32 $9.999999770e-03, v1  }
0x1a3: {  	vm13 =	vge.f32 v1, $0.0e+00  }
0x1a4: {  	v1 =	vsel vm13, v1, v2  }
0x1a5: {  	v1 =	vmul.f32 $1.442695020e+00, v1;
	_ =	sdelay $0x1  }
0x1a6: {  	(erf) = vpow2.f32 v1;
	_ =	sdelay $0x2  }
0x1a7: {  	v1 =	vld [tilespmem:$0x1A0]  }
0x1a8: {  	v2 =	vld [tilespmem:$0x5A0];
	_ =	sdelay $0x4  }
0x1a9: {  	v3 =	vpop (erf)  }
0x1aa: {  	[tilespmem:$0x990] =	vst v3  }
0x1ab: {  	v1 =	vld.idx.msk [tilespmem:v1+s6+$0x0], $0xffff  }
0x1ac: {  	v2 =	vld.idx.msk [tilespmem:v2+s7+$0x0], $0xffff;
	_ =	sdelay $0x4  }
0x1ad: {  	v1 =	vadd.f32 v2, v1;
	_ =	sdelay $0x1  }
0x1ae: {  	v2 =	vmul.f32 $9.999999770e-03, v1  }
0x1af: {  	vm14 =	vge.f32 v1, $0.0e+00  }
0x1b0: {  	v1 =	vsel vm14, v1, v2  }
0x1b1: {  	v1 =	vmul.f32 $1.442695020e+00, v1;
	_ =	sdelay $0x1  }
0x1b2: {  	(erf) = vpow2.f32 v1;
	_ =	sdelay $0x2  }
0x1b3: {  	v1 =	vld [tilespmem:$0x1B0]  }
0x1b4: {  	v2 =	vld [tilespmem:$0x5B0];
	_ =	sdelay $0x4  }
0x1b5: {  	v3 =	vpop (erf)  }
0x1b6: {  	[tilespmem:$0x9A0] =	vst v3  }
0x1b7: {  	v1 =	vld.idx.msk [tilespmem:v1+s6+$0x0], $0xffff  }
0x1b8: {  	v2 =	vld.idx.msk [tilespmem:v2+s7+$0x0], $0xffff;
	_ =	sdelay $0x4  }
0x1b9: {  	v1 =	vadd.f32 v2, v1;
	_ =	sdelay $0x1  }
0x1ba: {  	v2 =	vmul.f32 $9.999999770e-03, v1  }
0x1bb: {  	vm15 =	vge.f32 v1, $0.0e+00  }
0x1bc: {  	v1 =	vsel vm15, v1, v2  }
0x1bd: {  	v1 =	vmul.f32 $1.442695020e+00, v1;
	_ =	sdelay $0x1  }
0x1be: {  	(erf) = vpow2.f32 v1;
	_ =	sdelay $0x2  }
0x1bf: {  	v1 =	vld [tilespmem:$0x1C0]  }
0x1c0: {  	v2 =	vld [tilespmem:$0x5C0];
	_ =	sdelay $0x4  }
0x1c1: {  	v3 =	vpop (erf)  }
0x1c2: {  	[tilespmem:$0x9B0] =	vst v3  }
0x1c3: {  	v1 =	vld.idx.msk [tilespmem:v1+s6+$0x0], $0xffff  }
0x1c4: {  	v2 =	vld.idx.msk [tilespmem:v2+s7+$0x0], $0xffff;
	_ =	sdelay $0x4  }
0x1c5: {  	v1 =	vadd.f32 v2, v1;
	_ =	sdelay $0x1  }
0x1c6: {  	v2 =	vmul.f32 $9.999999770e-03, v1  }
0x1c7: {  	vm4 =	vge.f32 v1, $0.0e+00  }
0x1c8: {  	v1 =	vsel vm4, v1, v2  }
0x1c9: {  	v1 =	vmul.f32 $1.442695020e+00, v1;
	_ =	sdelay $0x1  }
0x1ca: {  	(erf) = vpow2.f32 v1;
	_ =	sdelay $0x2  }
0x1cb: {  	v1 =	vld [tilespmem:$0x1D0]  }
0x1cc: {  	v2 =	vld [tilespmem:$0x5D0];
	_ =	sdelay $0x4  }
0x1cd: {  	v3 =	vpop (erf)  }
0x1ce: {  	[tilespmem:$0x9C0] =	vst v3  }
0x1cf: {  	v1 =	vld.idx.msk [tilespmem:v1+s6+$0x0], $0xffff  }
0x1d0: {  	v2 =	vld.idx.msk [tilespmem:v2+s7+$0x0], $0xffff;
	_ =	sdelay $0x4  }
0x1d1: {  	v1 =	vadd.f32 v2, v1;
	_ =	sdelay $0x1  }
0x1d2: {  	v2 =	vmul.f32 $9.999999770e-03, v1  }
0x1d3: {  	vm5 =	vge.f32 v1, $0.0e+00  }
0x1d4: {  	v1 =	vsel vm5, v1, v2  }
0x1d5: {  	v1 =	vmul.f32 $1.442695020e+00, v1;
	_ =	sdelay $0x1  }
0x1d6: {  	(erf) = vpow2.f32 v1;
	_ =	sdelay $0x2  }
0x1d7: {  	v1 =	vld [tilespmem:$0x1E0]  }
0x1d8: {  	v2 =	vld [tilespmem:$0x5E0];
	_ =	sdelay $0x4  }
0x1d9: {  	v3 =	vpop (erf)  }
0x1da: {  	[tilespmem:$0x9D0] =	vst v3  }
0x1db: {  	v1 =	vld.idx.msk [tilespmem:v1+s6+$0x0], $0xffff  }
0x1dc: {  	v2 =	vld.idx.msk [tilespmem:v2+s7+$0x0], $0xffff;
	_ =	sdelay $0x4  }
0x1dd: {  	v1 =	vadd.f32 v2, v1;
	_ =	sdelay $0x1  }
0x1de: {  	v2 =	vmul.f32 $9.999999770e-03, v1  }
0x1df: {  	vm6 =	vge.f32 v1, $0.0e+00  }
0x1e0: {  	v1 =	vsel vm6, v1, v2  }
0x1e1: {  	v1 =	vmul.f32 $1.442695020e+00, v1;
	_ =	sdelay $0x1  }
0x1e2: {  	(erf) = vpow2.f32 v1;
	_ =	sdelay $0x2  }
0x1e3: {  	v1 =	vld [tilespmem:$0x1F0]  }
0x1e4: {  	v2 =	vld [tilespmem:$0x5F0];
	_ =	sdelay $0x4  }
0x1e5: {  	v3 =	vpop (erf)  }
0x1e6: {  	[tilespmem:$0x9E0] =	vst v3  }
0x1e7: {  	v1 =	vld.idx.msk [tilespmem:v1+s6+$0x0], $0xffff  }
0x1e8: {  	v2 =	vld.idx.msk [tilespmem:v2+s7+$0x0], $0xffff;
	_ =	sdelay $0x4  }
0x1e9: {  	v1 =	vadd.f32 v2, v1;
	_ =	sdelay $0x1  }
0x1ea: {  	v2 =	vmul.f32 $9.999999770e-03, v1  }
0x1eb: {  	vm7 =	vge.f32 v1, $0.0e+00  }
0x1ec: {  	v1 =	vsel vm7, v1, v2  }
0x1ed: {  	v1 =	vmul.f32 $1.442695020e+00, v1;
	_ =	sdelay $0x1  }
0x1ee: {  	(erf) = vpow2.f32 v1;
	_ =	sdelay $0x8  }
0x1ef: {  	v1 =	vpop (erf)  }
0x1f0: {  	[tilespmem:$0x9F0] =	vst v1  }
0x1f1: {  	[spmem:s1] =	stream.indirect.scatter.add.f32 [tilespmem:s14], [sflag:$0x3], $0x1, s13, s4, $0xb8;
	[tilespmem:$0x1840] =	vst v63  }
0x1f2: {  	v1 =	vld [tilespmem:$0x200]  }
0x1f3: {  	v2 =	vld [tilespmem:$0x600];
	_ =	sdelay $0x6  }
0x1f4: {  	v1 =	vld.idx.msk [tilespmem:v1+s6+$0x0], $0xffff  }
0x1f5: {  	v2 =	vld.idx.msk [tilespmem:v2+s7+$0x0], $0xffff;
	_ =	sdelay $0x4  }
0x1f6: {  	v1 =	vadd.f32 v2, v1;
	_ =	sdelay $0x1  }
0x1f7: {  	v2 =	vmul.f32 $9.999999770e-03, v1  }
0x1f8: {  	vm8 =	vge.f32 v1, $0.0e+00  }
0x1f9: {  	v1 =	vsel vm8, v1, v2  }
0x1fa: {  	v1 =	vmul.f32 $1.442695020e+00, v1;
	_ =	sdelay $0x1  }
0x1fb: {  	(erf) = vpow2.f32 v1;
	_ =	sdelay $0x2  }
0x1fc: {  	v1 =	vld [tilespmem:$0x210]  }
0x1fd: {  	v2 =	vld [tilespmem:$0x610];
	_ =	sdelay $0x4  }
0x1fe: {  	v3 =	vpop (erf)  }
0x1ff: {  	[tilespmem:$0xA00] =	vst v3  }
0x200: {  	v1 =	vld.idx.msk [tilespmem:v1+s6+$0x0], $0xffff  }
0x201: {  	v2 =	vld.idx.msk [tilespmem:v2+s7+$0x0], $0xffff;
	_ =	sdelay $0x4  }
0x202: {  	v1 =	vadd.f32 v2, v1;
	_ =	sdelay $0x1  }
0x203: {  	v2 =	vmul.f32 $9.999999770e-03, v1  }
0x204: {  	vm9 =	vge.f32 v1, $0.0e+00  }
0x205: {  	v1 =	vsel vm9, v1, v2  }
0x206: {  	v1 =	vmul.f32 $1.442695020e+00, v1;
	_ =	sdelay $0x1  }
0x207: {  	(erf) = vpow2.f32 v1;
	_ =	sdelay $0x2  }
0x208: {  	v1 =	vld [tilespmem:$0x220]  }
0x209: {  	v2 =	vld [tilespmem:$0x620];
	_ =	sdelay $0x4  }
0x20a: {  	v3 =	vpop (erf)  }
0x20b: {  	[tilespmem:$0xA10] =	vst v3  }
0x20c: {  	v1 =	vld.idx.msk [tilespmem:v1+s6+$0x0], $0xffff  }
0x20d: {  	v2 =	vld.idx.msk [tilespmem:v2+s7+$0x0], $0xffff;
	_ =	sdelay $0x4  }
0x20e: {  	v1 =	vadd.f32 v2, v1;
	_ =	sdelay $0x1  }
0x20f: {  	v2 =	vmul.f32 $9.999999770e-03, v1  }
0x210: {  	vm10 =	vge.f32 v1, $0.0e+00  }
0x211: {  	v1 =	vsel vm10, v1, v2  }
0x212: {  	v1 =	vmul.f32 $1.442695020e+00, v1;
	_ =	sdelay $0x1  }
0x213: {  	(erf) = vpow2.f32 v1;
	_ =	sdelay $0x2  }
0x214: {  	v1 =	vld [tilespmem:$0x230]  }
0x215: {  	v2 =	vld [tilespmem:$0x630];
	_ =	sdelay $0x4  }
0x216: {  	v3 =	vpop (erf)  }
0x217: {  	[tilespmem:$0xA20] =	vst v3  }
0x218: {  	v1 =	vld.idx.msk [tilespmem:v1+s6+$0x0], $0xffff  }
0x219: {  	v2 =	vld.idx.msk [tilespmem:v2+s7+$0x0], $0xffff;
	_ =	sdelay $0x4  }
0x21a: {  	v1 =	vadd.f32 v2, v1;
	_ =	sdelay $0x1  }
0x21b: {  	v2 =	vmul.f32 $9.999999770e-03, v1  }
0x21c: {  	vm11 =	vge.f32 v1, $0.0e+00  }
0x21d: {  	v1 =	vsel vm11, v1, v2  }
0x21e: {  	v1 =	vmul.f32 $1.442695020e+00, v1;
	_ =	sdelay $0x1  }
0x21f: {  	(erf) = vpow2.f32 v1;
	_ =	sdelay $0x2  }
0x220: {  	v1 =	vld [tilespmem:$0x240]  }
0x221: {  	v2 =	vld [tilespmem:$0x640];
	_ =	sdelay $0x4  }
0x222: {  	v3 =	vpop (erf)  }
0x223: {  	[tilespmem:$0xA30] =	vst v3  }
0x224: {  	v1 =	vld.idx.msk [tilespmem:v1+s6+$0x0], $0xffff  }
0x225: {  	v2 =	vld.idx.msk [tilespmem:v2+s7+$0x0], $0xffff;
	_ =	sdelay $0x4  }
0x226: {  	v1 =	vadd.f32 v2, v1;
	_ =	sdelay $0x1  }
0x227: {  	v2 =	vmul.f32 $9.999999770e-03, v1  }
0x228: {  	vm12 =	vge.f32 v1, $0.0e+00  }
0x229: {  	v1 =	vsel vm12, v1, v2  }
0x22a: {  	v1 =	vmul.f32 $1.442695020e+00, v1;
	_ =	sdelay $0x1  }
0x22b: {  	(erf) = vpow2.f32 v1;
	_ =	sdelay $0x2  }
0x22c: {  	v1 =	vld [tilespmem:$0x250]  }
0x22d: {  	v2 =	vld [tilespmem:$0x650];
	_ =	sdelay $0x4  }
0x22e: {  	v3 =	vpop (erf)  }
0x22f: {  	[tilespmem:$0xA40] =	vst v3  }
0x230: {  	v1 =	vld.idx.msk [tilespmem:v1+s6+$0x0], $0xffff  }
0x231: {  	v2 =	vld.idx.msk [tilespmem:v2+s7+$0x0], $0xffff;
	_ =	sdelay $0x4  }
0x232: {  	v1 =	vadd.f32 v2, v1;
	_ =	sdelay $0x1  }
0x233: {  	v2 =	vmul.f32 $9.999999770e-03, v1  }
0x234: {  	vm13 =	vge.f32 v1, $0.0e+00  }
0x235: {  	v1 =	vsel vm13, v1, v2  }
0x236: {  	v1 =	vmul.f32 $1.442695020e+00, v1;
	_ =	sdelay $0x1  }
0x237: {  	(erf) = vpow2.f32 v1;
	_ =	sdelay $0x2  }
0x238: {  	v1 =	vld [tilespmem:$0x260]  }
0x239: {  	v2 =	vld [tilespmem:$0x660];
	_ =	sdelay $0x4  }
0x23a: {  	v3 =	vpop (erf)  }
0x23b: {  	[tilespmem:$0xA50] =	vst v3  }
0x23c: {  	v1 =	vld.idx.msk [tilespmem:v1+s6+$0x0], $0xffff  }
0x23d: {  	v2 =	vld.idx.msk [tilespmem:v2+s7+$0x0], $0xffff;
	_ =	sdelay $0x4  }
0x23e: {  	v1 =	vadd.f32 v2, v1;
	_ =	sdelay $0x1  }
0x23f: {  	v2 =	vmul.f32 $9.999999770e-03, v1  }
0x240: {  	vm14 =	vge.f32 v1, $0.0e+00  }
0x241: {  	v1 =	vsel vm14, v1, v2  }
0x242: {  	v1 =	vmul.f32 $1.442695020e+00, v1;
	_ =	sdelay $0x1  }
0x243: {  	(erf) = vpow2.f32 v1;
	_ =	sdelay $0x2  }
0x244: {  	v1 =	vld [tilespmem:$0x270]  }
0x245: {  	v2 =	vld [tilespmem:$0x670];
	_ =	sdelay $0x4  }
0x246: {  	v3 =	vpop (erf)  }
0x247: {  	[tilespmem:$0xA60] =	vst v3  }
0x248: {  	v1 =	vld.idx.msk [tilespmem:v1+s6+$0x0], $0xffff  }
0x249: {  	v2 =	vld.idx.msk [tilespmem:v2+s7+$0x0], $0xffff;
	_ =	sdelay $0x4  }
0x24a: {  	v1 =	vadd.f32 v2, v1;
	_ =	sdelay $0x1  }
0x24b: {  	v2 =	vmul.f32 $9.999999770e-03, v1  }
0x24c: {  	vm15 =	vge.f32 v1, $0.0e+00  }
0x24d: {  	v1 =	vsel vm15, v1, v2  }
0x24e: {  	v1 =	vmul.f32 $1.442695020e+00, v1;
	_ =	sdelay $0x1  }
0x24f: {  	(erf) = vpow2.f32 v1;
	_ =	sdelay $0x8  }
0x250: {  	v1 =	vpop (erf)  }
0x251: {  	[tilespmem:$0xA70] =	vst v1  }
0x252: {  	[spmem:s1] =	stream.indirect.scatter.add.f32 [tilespmem:s16], [sflag:$0x3], $0x1, s15, s4, $0xb8;
	[tilespmem:$0x1840] =	vst v63  }
0x253: {  	v1 =	vld [tilespmem:$0x280]  }
0x254: {  	v2 =	vld [tilespmem:$0x680];
	_ =	sdelay $0x6  }
0x255: {  	v1 =	vld.idx.msk [tilespmem:v1+s6+$0x0], $0xffff  }
0x256: {  	v2 =	vld.idx.msk [tilespmem:v2+s7+$0x0], $0xffff;
	_ =	sdelay $0x4  }
0x257: {  	v1 =	vadd.f32 v2, v1;
	_ =	sdelay $0x1  }
0x258: {  	v2 =	vmul.f32 $9.999999770e-03, v1  }
0x259: {  	vm4 =	vge.f32 v1, $0.0e+00  }
0x25a: {  	v1 =	vsel vm4, v1, v2  }
0x25b: {  	v1 =	vmul.f32 $1.442695020e+00, v1;
	_ =	sdelay $0x1  }
0x25c: {  	(erf) = vpow2.f32 v1;
	_ =	sdelay $0x2  }
0x25d: {  	v1 =	vld [tilespmem:$0x290]  }
0x25e: {  	v2 =	vld [tilespmem:$0x690];
	_ =	sdelay $0x4  }
0x25f: {  	v3 =	vpop (erf)  }
0x260: {  	[tilespmem:$0xA80] =	vst v3  }
0x261: {  	v1 =	vld.idx.msk [tilespmem:v1+s6+$0x0], $0xffff  }
0x262: {  	v2 =	vld.idx.msk [tilespmem:v2+s7+$0x0], $0xffff;
	_ =	sdelay $0x4  }
0x263: {  	v1 =	vadd.f32 v2, v1;
	_ =	sdelay $0x1  }
0x264: {  	v2 =	vmul.f32 $9.999999770e-03, v1  }
0x265: {  	vm5 =	vge.f32 v1, $0.0e+00  }
0x266: {  	v1 =	vsel vm5, v1, v2  }
0x267: {  	v1 =	vmul.f32 $1.442695020e+00, v1;
	_ =	sdelay $0x1  }
0x268: {  	(erf) = vpow2.f32 v1;
	_ =	sdelay $0x2  }
0x269: {  	v1 =	vld [tilespmem:$0x2A0]  }
0x26a: {  	v2 =	vld [tilespmem:$0x6A0];
	_ =	sdelay $0x4  }
0x26b: {  	v3 =	vpop (erf)  }
0x26c: {  	[tilespmem:$0xA90] =	vst v3  }
0x26d: {  	v1 =	vld.idx.msk [tilespmem:v1+s6+$0x0], $0xffff  }
0x26e: {  	v2 =	vld.idx.msk [tilespmem:v2+s7+$0x0], $0xffff;
	_ =	sdelay $0x4  }
0x26f: {  	v1 =	vadd.f32 v2, v1;
	_ =	sdelay $0x1  }
0x270: {  	v2 =	vmul.f32 $9.999999770e-03, v1  }
0x271: {  	vm6 =	vge.f32 v1, $0.0e+00  }
0x272: {  	v1 =	vsel vm6, v1, v2  }
0x273: {  	v1 =	vmul.f32 $1.442695020e+00, v1;
	_ =	sdelay $0x1  }
0x274: {  	(erf) = vpow2.f32 v1;
	_ =	sdelay $0x2  }
0x275: {  	v1 =	vld [tilespmem:$0x2B0]  }
0x276: {  	v2 =	vld [tilespmem:$0x6B0];
	_ =	sdelay $0x4  }
0x277: {  	v3 =	vpop (erf)  }
0x278: {  	[tilespmem:$0xAA0] =	vst v3  }
0x279: {  	v1 =	vld.idx.msk [tilespmem:v1+s6+$0x0], $0xffff  }
0x27a: {  	v2 =	vld.idx.msk [tilespmem:v2+s7+$0x0], $0xffff;
	_ =	sdelay $0x4  }
0x27b: {  	v1 =	vadd.f32 v2, v1;
	_ =	sdelay $0x1  }
0x27c: {  	v2 =	vmul.f32 $9.999999770e-03, v1  }
0x27d: {  	vm7 =	vge.f32 v1, $0.0e+00  }
0x27e: {  	v1 =	vsel vm7, v1, v2  }
0x27f: {  	v1 =	vmul.f32 $1.442695020e+00, v1;
	_ =	sdelay $0x1  }
0x280: {  	(erf) = vpow2.f32 v1;
	_ =	sdelay $0x2  }
0x281: {  	v1 =	vld [tilespmem:$0x2C0]  }
0x282: {  	v2 =	vld [tilespmem:$0x6C0];
	_ =	sdelay $0x4  }
0x283: {  	v3 =	vpop (erf)  }
0x284: {  	[tilespmem:$0xAB0] =	vst v3  }
0x285: {  	v1 =	vld.idx.msk [tilespmem:v1+s6+$0x0], $0xffff  }
0x286: {  	v2 =	vld.idx.msk [tilespmem:v2+s7+$0x0], $0xffff;
	_ =	sdelay $0x4  }
0x287: {  	v1 =	vadd.f32 v2, v1;
	_ =	sdelay $0x1  }
0x288: {  	v2 =	vmul.f32 $9.999999770e-03, v1  }
0x289: {  	vm8 =	vge.f32 v1, $0.0e+00  }
0x28a: {  	v1 =	vsel vm8, v1, v2  }
0x28b: {  	v1 =	vmul.f32 $1.442695020e+00, v1;
	_ =	sdelay $0x1  }
0x28c: {  	(erf) = vpow2.f32 v1;
	_ =	sdelay $0x2  }
0x28d: {  	v1 =	vld [tilespmem:$0x2D0]  }
0x28e: {  	v2 =	vld [tilespmem:$0x6D0];
	_ =	sdelay $0x4  }
0x28f: {  	v3 =	vpop (erf)  }
0x290: {  	[tilespmem:$0xAC0] =	vst v3  }
0x291: {  	v1 =	vld.idx.msk [tilespmem:v1+s6+$0x0], $0xffff  }
0x292: {  	v2 =	vld.idx.msk [tilespmem:v2+s7+$0x0], $0xffff;
	_ =	sdelay $0x4  }
0x293: {  	v1 =	vadd.f32 v2, v1;
	_ =	sdelay $0x1  }
0x294: {  	v2 =	vmul.f32 $9.999999770e-03, v1  }
0x295: {  	vm9 =	vge.f32 v1, $0.0e+00  }
0x296: {  	v1 =	vsel vm9, v1, v2  }
0x297: {  	v1 =	vmul.f32 $1.442695020e+00, v1;
	_ =	sdelay $0x1  }
0x298: {  	(erf) = vpow2.f32 v1;
	_ =	sdelay $0x2  }
0x299: {  	v1 =	vld [tilespmem:$0x2E0]  }
0x29a: {  	v2 =	vld [tilespmem:$0x6E0];
	_ =	sdelay $0x4  }
0x29b: {  	v3 =	vpop (erf)  }
0x29c: {  	[tilespmem:$0xAD0] =	vst v3  }
0x29d: {  	v1 =	vld.idx.msk [tilespmem:v1+s6+$0x0], $0xffff  }
0x29e: {  	v2 =	vld.idx.msk [tilespmem:v2+s7+$0x0], $0xffff;
	_ =	sdelay $0x4  }
0x29f: {  	v1 =	vadd.f32 v2, v1;
	_ =	sdelay $0x1  }
0x2a0: {  	v2 =	vmul.f32 $9.999999770e-03, v1  }
0x2a1: {  	vm10 =	vge.f32 v1, $0.0e+00  }
0x2a2: {  	v1 =	vsel vm10, v1, v2  }
0x2a3: {  	v1 =	vmul.f32 $1.442695020e+00, v1;
	_ =	sdelay $0x1  }
0x2a4: {  	(erf) = vpow2.f32 v1;
	_ =	sdelay $0x2  }
0x2a5: {  	v1 =	vld [tilespmem:$0x2F0]  }
0x2a6: {  	v2 =	vld [tilespmem:$0x6F0];
	_ =	sdelay $0x4  }
0x2a7: {  	v3 =	vpop (erf)  }
0x2a8: {  	[tilespmem:$0xAE0] =	vst v3  }
0x2a9: {  	v1 =	vld.idx.msk [tilespmem:v1+s6+$0x0], $0xffff  }
0x2aa: {  	v2 =	vld.idx.msk [tilespmem:v2+s7+$0x0], $0xffff;
	_ =	sdelay $0x4  }
0x2ab: {  	v1 =	vadd.f32 v2, v1;
	_ =	sdelay $0x1  }
0x2ac: {  	v2 =	vmul.f32 $9.999999770e-03, v1  }
0x2ad: {  	vm11 =	vge.f32 v1, $0.0e+00  }
0x2ae: {  	v1 =	vsel vm11, v1, v2  }
0x2af: {  	v1 =	vmul.f32 $1.442695020e+00, v1;
	_ =	sdelay $0x1  }
0x2b0: {  	(erf) = vpow2.f32 v1;
	_ =	sdelay $0x8  }
0x2b1: {  	v1 =	vpop (erf)  }
0x2b2: {  	[tilespmem:$0xAF0] =	vst v1  }
0x2b3: {  	[spmem:s1] =	stream.indirect.scatter.add.f32 [tilespmem:s18], [sflag:$0x3], $0x1, s17, s4, $0xb8;
	[tilespmem:$0x1840] =	vst v63  }
0x2b4: {  	v1 =	vld [tilespmem:$0x300]  }
0x2b5: {  	v2 =	vld [tilespmem:$0x700];
	_ =	sdelay $0x6  }
0x2b6: {  	v1 =	vld.idx.msk [tilespmem:v1+s6+$0x0], $0xffff  }
0x2b7: {  	v2 =	vld.idx.msk [tilespmem:v2+s7+$0x0], $0xffff;
	_ =	sdelay $0x4  }
0x2b8: {  	v1 =	vadd.f32 v2, v1;
	_ =	sdelay $0x1  }
0x2b9: {  	v2 =	vmul.f32 $9.999999770e-03, v1  }
0x2ba: {  	vm12 =	vge.f32 v1, $0.0e+00  }
0x2bb: {  	v1 =	vsel vm12, v1, v2  }
0x2bc: {  	v1 =	vmul.f32 $1.442695020e+00, v1;
	_ =	sdelay $0x1  }
0x2bd: {  	(erf) = vpow2.f32 v1;
	_ =	sdelay $0x2  }
0x2be: {  	v1 =	vld [tilespmem:$0x310]  }
0x2bf: {  	v2 =	vld [tilespmem:$0x710];
	_ =	sdelay $0x4  }
0x2c0: {  	v3 =	vpop (erf)  }
0x2c1: {  	[tilespmem:$0xB00] =	vst v3  }
0x2c2: {  	v1 =	vld.idx.msk [tilespmem:v1+s6+$0x0], $0xffff  }
0x2c3: {  	v2 =	vld.idx.msk [tilespmem:v2+s7+$0x0], $0xffff;
	_ =	sdelay $0x4  }
0x2c4: {  	v1 =	vadd.f32 v2, v1;
	_ =	sdelay $0x1  }
0x2c5: {  	v2 =	vmul.f32 $9.999999770e-03, v1  }
0x2c6: {  	vm13 =	vge.f32 v1, $0.0e+00  }
0x2c7: {  	v1 =	vsel vm13, v1, v2  }
0x2c8: {  	v1 =	vmul.f32 $1.442695020e+00, v1;
	_ =	sdelay $0x1  }
0x2c9: {  	(erf) = vpow2.f32 v1;
	_ =	sdelay $0x2  }
0x2ca: {  	v1 =	vld [tilespmem:$0x320]  }
0x2cb: {  	v2 =	vld [tilespmem:$0x720];
	_ =	sdelay $0x4  }
0x2cc: {  	v3 =	vpop (erf)  }
0x2cd: {  	[tilespmem:$0xB10] =	vst v3  }
0x2ce: {  	v1 =	vld.idx.msk [tilespmem:v1+s6+$0x0], $0xffff  }
0x2cf: {  	v2 =	vld.idx.msk [tilespmem:v2+s7+$0x0], $0xffff;
	_ =	sdelay $0x4  }
0x2d0: {  	v1 =	vadd.f32 v2, v1;
	_ =	sdelay $0x1  }
0x2d1: {  	v2 =	vmul.f32 $9.999999770e-03, v1  }
0x2d2: {  	vm14 =	vge.f32 v1, $0.0e+00  }
0x2d3: {  	v1 =	vsel vm14, v1, v2  }
0x2d4: {  	v1 =	vmul.f32 $1.442695020e+00, v1;
	_ =	sdelay $0x1  }
0x2d5: {  	(erf) = vpow2.f32 v1;
	_ =	sdelay $0x2  }
0x2d6: {  	v1 =	vld [tilespmem:$0x330]  }
0x2d7: {  	v2 =	vld [tilespmem:$0x730];
	_ =	sdelay $0x4  }
0x2d8: {  	v3 =	vpop (erf)  }
0x2d9: {  	[tilespmem:$0xB20] =	vst v3  }
0x2da: {  	v1 =	vld.idx.msk [tilespmem:v1+s6+$0x0], $0xffff  }
0x2db: {  	v2 =	vld.idx.msk [tilespmem:v2+s7+$0x0], $0xffff;
	_ =	sdelay $0x4  }
0x2dc: {  	v1 =	vadd.f32 v2, v1;
	_ =	sdelay $0x1  }
0x2dd: {  	v2 =	vmul.f32 $9.999999770e-03, v1  }
0x2de: {  	vm15 =	vge.f32 v1, $0.0e+00  }
0x2df: {  	v1 =	vsel vm15, v1, v2  }
0x2e0: {  	v1 =	vmul.f32 $1.442695020e+00, v1;
	_ =	sdelay $0x1  }
0x2e1: {  	(erf) = vpow2.f32 v1;
	_ =	sdelay $0x2  }
0x2e2: {  	v1 =	vld [tilespmem:$0x340]  }
0x2e3: {  	v2 =	vld [tilespmem:$0x740];
	_ =	sdelay $0x4  }
0x2e4: {  	v3 =	vpop (erf)  }
0x2e5: {  	[tilespmem:$0xB30] =	vst v3  }
0x2e6: {  	v1 =	vld.idx.msk [tilespmem:v1+s6+$0x0], $0xffff  }
0x2e7: {  	v2 =	vld.idx.msk [tilespmem:v2+s7+$0x0], $0xffff;
	_ =	sdelay $0x4  }
0x2e8: {  	v1 =	vadd.f32 v2, v1;
	_ =	sdelay $0x1  }
0x2e9: {  	v2 =	vmul.f32 $9.999999770e-03, v1  }
0x2ea: {  	vm4 =	vge.f32 v1, $0.0e+00  }
0x2eb: {  	v1 =	vsel vm4, v1, v2  }
0x2ec: {  	v1 =	vmul.f32 $1.442695020e+00, v1;
	_ =	sdelay $0x1  }
0x2ed: {  	(erf) = vpow2.f32 v1;
	_ =	sdelay $0x2  }
0x2ee: {  	v1 =	vld [tilespmem:$0x350]  }
0x2ef: {  	v2 =	vld [tilespmem:$0x750];
	_ =	sdelay $0x4  }
0x2f0: {  	v3 =	vpop (erf)  }
0x2f1: {  	[tilespmem:$0xB40] =	vst v3  }
0x2f2: {  	v1 =	vld.idx.msk [tilespmem:v1+s6+$0x0], $0xffff  }
0x2f3: {  	v2 =	vld.idx.msk [tilespmem:v2+s7+$0x0], $0xffff;
	_ =	sdelay $0x4  }
0x2f4: {  	v1 =	vadd.f32 v2, v1;
	_ =	sdelay $0x1  }
0x2f5: {  	v2 =	vmul.f32 $9.999999770e-03, v1  }
0x2f6: {  	vm5 =	vge.f32 v1, $0.0e+00  }
0x2f7: {  	v1 =	vsel vm5, v1, v2  }
0x2f8: {  	v1 =	vmul.f32 $1.442695020e+00, v1;
	_ =	sdelay $0x1  }
0x2f9: {  	(erf) = vpow2.f32 v1;
	_ =	sdelay $0x2  }
0x2fa: {  	v1 =	vld [tilespmem:$0x360]  }
0x2fb: {  	v2 =	vld [tilespmem:$0x760];
	_ =	sdelay $0x4  }
0x2fc: {  	v3 =	vpop (erf)  }
0x2fd: {  	[tilespmem:$0xB50] =	vst v3  }
0x2fe: {  	v1 =	vld.idx.msk [tilespmem:v1+s6+$0x0], $0xffff  }
0x2ff: {  	v2 =	vld.idx.msk [tilespmem:v2+s7+$0x0], $0xffff;
	_ =	sdelay $0x4  }
0x300: {  	v1 =	vadd.f32 v2, v1;
	_ =	sdelay $0x1  }
0x301: {  	v2 =	vmul.f32 $9.999999770e-03, v1  }
0x302: {  	vm6 =	vge.f32 v1, $0.0e+00  }
0x303: {  	v1 =	vsel vm6, v1, v2  }
0x304: {  	v1 =	vmul.f32 $1.442695020e+00, v1;
	_ =	sdelay $0x1  }
0x305: {  	(erf) = vpow2.f32 v1;
	_ =	sdelay $0x2  }
0x306: {  	v1 =	vld [tilespmem:$0x370]  }
0x307: {  	v2 =	vld [tilespmem:$0x770];
	_ =	sdelay $0x4  }
0x308: {  	v3 =	vpop (erf)  }
0x309: {  	[tilespmem:$0xB60] =	vst v3  }
0x30a: {  	v1 =	vld.idx.msk [tilespmem:v1+s6+$0x0], $0xffff  }
0x30b: {  	v2 =	vld.idx.msk [tilespmem:v2+s7+$0x0], $0xffff;
	_ =	sdelay $0x4  }
0x30c: {  	v1 =	vadd.f32 v2, v1;
	_ =	sdelay $0x1  }
0x30d: {  	v2 =	vmul.f32 $9.999999770e-03, v1  }
0x30e: {  	vm7 =	vge.f32 v1, $0.0e+00  }
0x30f: {  	v1 =	vsel vm7, v1, v2  }
0x310: {  	v1 =	vmul.f32 $1.442695020e+00, v1;
	_ =	sdelay $0x1  }
0x311: {  	(erf) = vpow2.f32 v1;
	_ =	sdelay $0x8  }
0x312: {  	v1 =	vpop (erf)  }
0x313: {  	[tilespmem:$0xB70] =	vst v1  }
0x314: {  	[spmem:s1] =	stream.indirect.scatter.add.f32 [tilespmem:s20], [sflag:$0x3], $0x1, s19, s4, $0xb8;
	[tilespmem:$0x1840] =	vst v63  }
0x315: {  	v1 =	vld [tilespmem:$0x380]  }
0x316: {  	v2 =	vld [tilespmem:$0x780];
	_ =	sdelay $0x6  }
0x317: {  	v1 =	vld.idx.msk [tilespmem:v1+s6+$0x0], $0xffff  }
0x318: {  	v2 =	vld.idx.msk [tilespmem:v2+s7+$0x0], $0xffff;
	_ =	sdelay $0x4  }
0x319: {  	v1 =	vadd.f32 v2, v1;
	_ =	sdelay $0x1  }
0x31a: {  	v2 =	vmul.f32 $9.999999770e-03, v1  }
0x31b: {  	vm8 =	vge.f32 v1, $0.0e+00  }
0x31c: {  	v1 =	vsel vm8, v1, v2  }
0x31d: {  	v1 =	vmul.f32 $1.442695020e+00, v1;
	_ =	sdelay $0x1  }
0x31e: {  	(erf) = vpow2.f32 v1;
	_ =	sdelay $0x2  }
0x31f: {  	v1 =	vld [tilespmem:$0x390]  }
0x320: {  	v2 =	vld [tilespmem:$0x790];
	_ =	sdelay $0x4  }
0x321: {  	v3 =	vpop (erf)  }
0x322: {  	[tilespmem:$0xB80] =	vst v3  }
0x323: {  	v1 =	vld.idx.msk [tilespmem:v1+s6+$0x0], $0xffff  }
0x324: {  	v2 =	vld.idx.msk [tilespmem:v2+s7+$0x0], $0xffff;
	_ =	sdelay $0x4  }
0x325: {  	v1 =	vadd.f32 v2, v1;
	_ =	sdelay $0x1  }
0x326: {  	v2 =	vmul.f32 $9.999999770e-03, v1  }
0x327: {  	vm9 =	vge.f32 v1, $0.0e+00  }
0x328: {  	v1 =	vsel vm9, v1, v2  }
0x329: {  	v1 =	vmul.f32 $1.442695020e+00, v1;
	_ =	sdelay $0x1  }
0x32a: {  	(erf) = vpow2.f32 v1;
	_ =	sdelay $0x2  }
0x32b: {  	v1 =	vld [tilespmem:$0x3A0]  }
0x32c: {  	v2 =	vld [tilespmem:$0x7A0];
	_ =	sdelay $0x4  }
0x32d: {  	v3 =	vpop (erf)  }
0x32e: {  	[tilespmem:$0xB90] =	vst v3  }
0x32f: {  	v1 =	vld.idx.msk [tilespmem:v1+s6+$0x0], $0xffff  }
0x330: {  	v2 =	vld.idx.msk [tilespmem:v2+s7+$0x0], $0xffff;
	_ =	sdelay $0x4  }
0x331: {  	v1 =	vadd.f32 v2, v1;
	_ =	sdelay $0x1  }
0x332: {  	v2 =	vmul.f32 $9.999999770e-03, v1  }
0x333: {  	vm10 =	vge.f32 v1, $0.0e+00  }
0x334: {  	v1 =	vsel vm10, v1, v2  }
0x335: {  	v1 =	vmul.f32 $1.442695020e+00, v1;
	_ =	sdelay $0x1  }
0x336: {  	(erf) = vpow2.f32 v1;
	_ =	sdelay $0x2  }
0x337: {  	v1 =	vld [tilespmem:$0x3B0]  }
0x338: {  	v2 =	vld [tilespmem:$0x7B0];
	_ =	sdelay $0x4  }
0x339: {  	v3 =	vpop (erf)  }
0x33a: {  	[tilespmem:$0xBA0] =	vst v3  }
0x33b: {  	v1 =	vld.idx.msk [tilespmem:v1+s6+$0x0], $0xffff  }
0x33c: {  	v2 =	vld.idx.msk [tilespmem:v2+s7+$0x0], $0xffff;
	_ =	sdelay $0x4  }
0x33d: {  	v1 =	vadd.f32 v2, v1;
	_ =	sdelay $0x1  }
0x33e: {  	v2 =	vmul.f32 $9.999999770e-03, v1  }
0x33f: {  	vm11 =	vge.f32 v1, $0.0e+00  }
0x340: {  	v1 =	vsel vm11, v1, v2  }
0x341: {  	v1 =	vmul.f32 $1.442695020e+00, v1;
	_ =	sdelay $0x1  }
0x342: {  	(erf) = vpow2.f32 v1;
	_ =	sdelay $0x2  }
0x343: {  	v1 =	vld [tilespmem:$0x3C0]  }
0x344: {  	v2 =	vld [tilespmem:$0x7C0];
	_ =	sdelay $0x4  }
0x345: {  	v3 =	vpop (erf)  }
0x346: {  	[tilespmem:$0xBB0] =	vst v3  }
0x347: {  	v1 =	vld.idx.msk [tilespmem:v1+s6+$0x0], $0xffff  }
0x348: {  	v2 =	vld.idx.msk [tilespmem:v2+s7+$0x0], $0xffff;
	_ =	sdelay $0x4  }
0x349: {  	v1 =	vadd.f32 v2, v1;
	_ =	sdelay $0x1  }
0x34a: {  	v2 =	vmul.f32 $9.999999770e-03, v1  }
0x34b: {  	vm12 =	vge.f32 v1, $0.0e+00  }
0x34c: {  	v1 =	vsel vm12, v1, v2  }
0x34d: {  	v1 =	vmul.f32 $1.442695020e+00, v1;
	_ =	sdelay $0x1  }
0x34e: {  	(erf) = vpow2.f32 v1;
	_ =	sdelay $0x2  }
0x34f: {  	v1 =	vld [tilespmem:$0x3D0]  }
0x350: {  	v2 =	vld [tilespmem:$0x7D0];
	_ =	sdelay $0x4  }
0x351: {  	v3 =	vpop (erf)  }
0x352: {  	[tilespmem:$0xBC0] =	vst v3  }
0x353: {  	v1 =	vld.idx.msk [tilespmem:v1+s6+$0x0], $0xffff  }
0x354: {  	v2 =	vld.idx.msk [tilespmem:v2+s7+$0x0], $0xffff;
	_ =	sdelay $0x4  }
0x355: {  	v1 =	vadd.f32 v2, v1;
	_ =	sdelay $0x1  }
0x356: {  	v2 =	vmul.f32 $9.999999770e-03, v1  }
0x357: {  	vm13 =	vge.f32 v1, $0.0e+00  }
0x358: {  	v1 =	vsel vm13, v1, v2  }
0x359: {  	v1 =	vmul.f32 $1.442695020e+00, v1;
	_ =	sdelay $0x1  }
0x35a: {  	(erf) = vpow2.f32 v1;
	_ =	sdelay $0x2  }
0x35b: {  	v1 =	vld [tilespmem:$0x3E0]  }
0x35c: {  	v2 =	vld [tilespmem:$0x7E0];
	_ =	sdelay $0x4  }
0x35d: {  	v3 =	vpop (erf)  }
0x35e: {  	[tilespmem:$0xBD0] =	vst v3  }
0x35f: {  	v1 =	vld.idx.msk [tilespmem:v1+s6+$0x0], $0xffff  }
0x360: {  	v2 =	vld.idx.msk [tilespmem:v2+s7+$0x0], $0xffff;
	_ =	sdelay $0x4  }
0x361: {  	v1 =	vadd.f32 v2, v1;
	_ =	sdelay $0x1  }
0x362: {  	v2 =	vmul.f32 $9.999999770e-03, v1  }
0x363: {  	vm14 =	vge.f32 v1, $0.0e+00  }
0x364: {  	v1 =	vsel vm14, v1, v2  }
0x365: {  	v1 =	vmul.f32 $1.442695020e+00, v1;
	_ =	sdelay $0x1  }
0x366: {  	(erf) = vpow2.f32 v1;
	_ =	sdelay $0x2  }
0x367: {  	v1 =	vld [tilespmem:$0x3F0]  }
0x368: {  	v2 =	vld [tilespmem:$0x7F0];
	_ =	sdelay $0x4  }
0x369: {  	v3 =	vpop (erf)  }
0x36a: {  	[tilespmem:$0xBE0] =	vst v3  }
0x36b: {  	v1 =	vld.idx.msk [tilespmem:v1+s6+$0x0], $0xffff  }
0x36c: {  	v2 =	vld.idx.msk [tilespmem:v2+s7+$0x0], $0xffff;
	_ =	sdelay $0x4  }
0x36d: {  	v1 =	vadd.f32 v2, v1;
	_ =	sdelay $0x1  }
0x36e: {  	v2 =	vmul.f32 $9.999999770e-03, v1  }
0x36f: {  	vm15 =	vge.f32 v1, $0.0e+00  }
0x370: {  	v1 =	vsel vm15, v1, v2  }
0x371: {  	v1 =	vmul.f32 $1.442695020e+00, v1;
	_ =	sdelay $0x1  }
0x372: {  	(erf) = vpow2.f32 v1;
	_ =	sdelay $0x8  }
0x373: {  	v1 =	vpop (erf)  }
0x374: {  	[tilespmem:$0xBF0] =	vst v1  }
0x375: {  	[spmem:s1] =	stream.indirect.scatter.add.f32 [tilespmem:s22], [sflag:$0x3], $0x1, s21, s4, $0xb8;
	[tilespmem:$0x1840] =	vst v63  }
0x376: {  	s31 =	rddreg [dreg:$0x8]  }
0x377: {  	[hbm4b:s31+s2] =	stream.linear.scatter [tilespmem:s10], [sflag:$0x2], $0x400, $0x38;
	[tilespmem:$0x1840] =	vst v63  }
0x378: {  	_ =	swait.ge [sflag:s23], $0x80  }
0x379: {  	[sflag:s23] =	ssyncset.done $0x0  }
0x37a: {  	[sflag:s23] =	ssyncadd.s32 $0xFFFFFF80  }
0x37b: {  	_ =	swait.ge [sflag:s23], $0x80  }
0x37c: {  	[sflag:s23] =	ssyncset.done $0x0  }
0x37d: {  	[sflag:s23] =	ssyncadd.s32 $0xFFFFFF80  }
0x37e: {  	_ =	swait.ge [sflag:s23], $0x80  }
0x37f: {  	[sflag:s23] =	ssyncset.done $0x0  }
0x380: {  	[sflag:s23] =	ssyncadd.s32 $0xFFFFFF80  }
0x381: {  	_ =	swait.ge [sflag:s23], $0x80  }
0x382: {  	[sflag:s23] =	ssyncset.done $0x0  }
0x383: {  	[sflag:s23] =	ssyncadd.s32 $0xFFFFFF80  }
0x384: {  	_ =	swait.ge [sflag:s23], $0x80  }
0x385: {  	[sflag:s23] =	ssyncset.done $0x0  }
0x386: {  	[sflag:s23] =	ssyncadd.s32 $0xFFFFFF80  }
0x387: {  	_ =	swait.ge [sflag:s23], $0x80  }
0x388: {  	[sflag:s23] =	ssyncset.done $0x0  }
0x389: {  	[sflag:s23] =	ssyncadd.s32 $0xFFFFFF80  }
0x38a: {  	_ =	swait.ge [sflag:s23], $0x80  }
0x38b: {  	[sflag:s23] =	ssyncset.done $0x0  }
0x38c: {  	[sflag:s23] =	ssyncadd.s32 $0xFFFFFF80  }
0x38d: {  	_ =	swait.ge [sflag:s23], $0x80  }
0x38e: {  	[sflag:s23] =	ssyncset.done $0x0  }
0x38f: {  	s28 =	sshrl.u32 @!p0 s1, $0x3;
	s0 =	simm.s32 @!p0 $0x1C04;
	[sflag:s23] =	ssyncadd.s32 $0xFFFFFF80  }
0x390: {  	s3 =	sadd.s32 $0xFFFFFFFF, s3;
	s29 =	simm.s32 @!p0 $0x1;
	[bflag:$0x0] =	sbarrier.arrive $0xFFFF  }
0x391: {  	s30 =	simm.s32 @!p0 $0x20;
	s31 =	simm.s32 @!p0 $0x10;
	s26 =	rddreg [dreg:$0x9]  }
0x392: {  	[hbm:s26@s30], [sflag:s0] =	dma.strided @!p0 [spmem:s28@s31], $0x80, s29, $0x10   }
0x393: {  	p1 =	sne.s32 s3, $0x0;
	_ =	swait.ge @!p0 [sflag:s25], $0x80  }
.Ltmp0:
0x394: {  	[sflag:s25] =	ssyncset.done @!p0 $0x0;
	(pc) =	sbr.rel @p1 .LBB2_1-.Ltmp0, $4  }
0x395: {  	[sflag:s25] =	ssyncadd.s32 @!p0 $0xFFFFFF80  }
0x396: {  	_ =	swait.ge [sflag:s24], $0x400  }
0x397: {  	[sflag:s24] =	ssyncset.done $0x0  }
0x398: {  	[sflag:s24] =	ssyncadd.s32 $0xFFFFFC00  }
0x399: {  	_ =	sfence.sel $0x180000  }
0x39a: {  	[bflag:$0x0] =	sbarrier.arrive $0xFFFF  }
0x39b: {  	_ =	strace $0x90000047  }
0x39c: {  	[bflag:$0x2] =	sbarrier.arrive $0xFFFF  }
0x39d: {  	s0 =	rddreg [dreg:$0x3]  }
0x39e: {  	s0 =	sadd.s32 @!p0 $0x100000, s0  }
0x39f: {  	[sflag:s0] =	ssyncadd.tile.s32 @!p0 $0x1;
	_ =	shalt  }
.Lfunc_end2:
_tile_overlayer_lowered:
.L_overlay_start_2:
0x3a0: {  	(tag) =	ssettag $0x2  }
0x3a1: {  	s0 =	rddreg [dreg:$0x0];
	s2 =	stileid.u32  }
0x3a2: {  	s1 =	rddreg [dreg:$0x1];
	p0 =	sne.s32 s2, $0x0  }
0x3a3: {  	s3 =	rddreg [dreg:$0x2];
	[bflag:$0x3] =	sbarrier.arrive $0xFFFF;
	s2 =	simm.s32 @!p0 $0x1C04  }
0x3a4: {  	[timem:s3], [sflag:s2] =	dma.local @!p0 [hbm:s0], s1  }
0x3a5: {  	s0 =	simm.s32 @!p0 $0x4  }
0x3a6: {  	_ =	swait.ge @!p0 [sflag:s0], s1  }
0x3a7: {  	s1 =	ssub.s32 @!p0 $0x0, s1;
	[sflag:s0] =	ssyncset.done @!p0 $0x0  }
0x3a8: {  	[sflag:s0] =	ssyncadd.s32 @!p0 s1  }
0x3a9: {  	[bflag:$0x3] =	sbarrier.arrive $0xFFFF  }
0x3aa: {  	_ =	shalt  }

</sc_bundles>
